<compile_context>
chip_gen: v7x
topology: tpu7x:2x2x1
jax: 0.10.2.dev20260603
libtpu: 0.0.44.dev20260713+nightly
codegen_flags: <defaults>
</compile_context>

<pallas_src>
import functools

import jax
import jax.numpy as jnp
from jax import lax
from jax.experimental import pallas as pl
from jax.experimental.pallas import tpu as pltpu
from jax.experimental.pallas import tpu_sc as plsc

TOPK = 5
NROWS = 128
N = 32768
NC = 2
NS = 16
NW = NC * NS
SCROWS = 96
TCR = NROWS - SCROWS
ROWS_PER_W = SCROWS // NW
L = 16
U = 8
CH = L * U
NIT = N // CH
NPH = 2 * ROWS_PER_W
F32_MIN = jnp.finfo(jnp.float32).min


def _sc_body(yhat_hbm, y_hbm, out_hbm, buf0, buf1, buf2, obuf,
             sem0, sem1, sem2):
  bufs = (buf0, buf1, buf2)
  sems = (sem0, sem1, sem2)
  wid = lax.axis_index("s") * NC + lax.axis_index("c")
  base_row = wid * ROWS_PER_W
  iota = lax.iota(jnp.int32, L)
  iotas = [iota + u * L for u in range(U)]

  def copy(p):
    r = base_row + p // 2
    src = yhat_hbm.at[r] if p % 2 else y_hbm.at[pl.ds(r * N, N)]
    return pltpu.make_async_copy(src, bufs[p % 3], sems[p % 3])

  copy(0).start()
  copy(1).start()
  hits = jnp.float32(0.0)
  t = jnp.int32(0)
  for p in range(NPH):
    if p + 2 < NPH:
      copy(p + 2).start()
    copy(p).wait()
    buf = bufs[p % 3]

    if p % 2 == 0:
      def amax_body(j, c, buf=buf):
        bvs, bjs = c[:U], c[U:]
        base = j * CH
        jv = jnp.full((L,), j, jnp.int32)
        nbvs, nbjs = [], []
        for u in range(U):
          x = buf[pl.ds(base + u * L, L)]
          pgt = x > bvs[u]
          nbvs.append(jnp.where(pgt, x, bvs[u]))
          nbjs.append(jnp.where(pgt, jv, bjs[u]))
        return tuple(nbvs) + tuple(nbjs)

      c = lax.fori_loop(
          0, NIT, amax_body,
          tuple(jnp.full((L,), F32_MIN, jnp.float32) for _ in range(U))
          + tuple(jnp.zeros((L,), jnp.int32) for _ in range(U)))
      bvs, bjs = c[:U], c[U:]
      m = jnp.max(bvs[0])
      for u in range(1, U):
        m = jnp.maximum(m, jnp.max(bvs[u]))
      t = jnp.int32(N)
      for u in range(U):
        idxs = bjs[u] * CH + iotas[u]
        t = jnp.minimum(t, jnp.min(jnp.where(bvs[u] == m, idxs,
                                             jnp.int32(N))))
    else:
      tvec = jnp.full((L,), t, jnp.int32)
      v = plsc.load_gather(buf, [tvec])
      jb = t // CH

      def pre_body(j, c, buf=buf, v=v):
        base = j * CH
        out = []
        for u in range(U):
          x = buf[pl.ds(base + u * L, L)]
          out.append(c[u] + (x >= v).astype(jnp.int32))
        return tuple(out)

      c = lax.fori_loop(0, jb, pre_body,
                        tuple(jnp.zeros((L,), jnp.int32) for _ in range(U)))

      def suf_body(j, c, buf=buf, v=v):
        base = j * CH
        out = []
        for u in range(U):
          x = buf[pl.ds(base + u * L, L)]
          out.append(c[u] + (x > v).astype(jnp.int32))
        return tuple(out)

      c = lax.fori_loop(jb + 1, NIT, suf_body, c)

      base = jb * CH
      rank = jnp.int32(0)
      for u in range(U):
        x = buf[pl.ds(base + u * L, L)]
        idx = iotas[u] + base
        bc = (x > v) | ((x == v) & (idx < tvec))
        rank = rank + jnp.sum(bc.astype(jnp.int32) + c[u])
      hits = hits + jnp.where(rank < TOPK, jnp.float32(1.0), jnp.float32(0.0))

  obuf[...] = jnp.full((L,), hits, jnp.float32)
  pltpu.sync_copy(obuf, out_hbm.at[wid])


def _tc_argmax(y_ref, o_ref):
  x = jnp.reshape(y_ref[...], (TCR, N // 128, 128))
  m2 = jnp.max(x, axis=1)
  m = jnp.max(m2, axis=1, keepdims=True)
  ci = lax.broadcasted_iota(jnp.int32, (TCR, N // 128, 128), 1)
  cl = lax.broadcasted_iota(jnp.int32, (TCR, N // 128, 128), 2)
  cols = ci * 128 + cl
  idx3 = jnp.where(x == m[:, :, None], cols, jnp.int32(N))
  i2 = jnp.min(idx3, axis=1)
  t = jnp.min(i2, axis=1, keepdims=True)
  o_ref[...] = jnp.broadcast_to(t[:, :, None], (TCR, 1, 128))


def _tc_count(yhat_ref, t_ref, o_ref):
  x = yhat_ref[...]
  t = t_ref[...][:, 0, 0:1]
  cols = lax.broadcasted_iota(jnp.int32, (TCR, N), 1)
  v = jnp.sum(jnp.where(cols == t, x, jnp.float32(0.0)), axis=1,
              keepdims=True)
  bc = (x > v) | ((x == v) & (cols < t))
  cnt = jnp.sum(bc.astype(jnp.int32), axis=1, keepdims=True)
  hits = jnp.sum((cnt < TOPK).astype(jnp.float32))
  o_ref[...] = jnp.full((1, 1), hits, jnp.float32)


def _tc_merge(p_ref, tc_ref, o_ref):
  total = jnp.sum(p_ref[...]) * (1.0 / L) + tc_ref[0, 0]
  o_ref[...] = jnp.full((1, 1), (1.0 - total / NROWS) * 100.0, jnp.float32)


@jax.jit
def kernel(yhat, y):
  y1d = jnp.reshape(y, (NROWS * N,))
  yview = jnp.reshape(y, (NROWS * N // 128, 128))

  targets = pl.pallas_call(
      _tc_argmax,
      grid=(1,),
      in_specs=[pl.BlockSpec((TCR * (N // 128), 128),
                             lambda i: (SCROWS // TCR, 0))],
      out_specs=pl.BlockSpec((TCR, 1, 128), lambda i: (0, 0, 0)),
      out_shape=jax.ShapeDtypeStruct((TCR, 1, 128), jnp.int32),
  )(yview)

  tc_hits = pl.pallas_call(
      _tc_count,
      grid=(1,),
      in_specs=[
          pl.BlockSpec((TCR, N), lambda i: (SCROWS // TCR, 0)),
          pl.BlockSpec((TCR, 1, 128), lambda i: (0, 0, 0)),
      ],
      out_specs=pl.BlockSpec((1, 1), lambda i: (0, 0)),
      out_shape=jax.ShapeDtypeStruct((1, 1), jnp.float32),
  )(yhat, targets)

  mesh = plsc.VectorSubcoreMesh(core_axis_name="c", subcore_axis_name="s")
  sc_k = functools.partial(
      pl.kernel,
      mesh=mesh,
      compiler_params=pltpu.CompilerParams(needs_layout_passes=False,
                                           use_tc_tiling_on_sc=True),
      out_type=jax.ShapeDtypeStruct((NW, L), jnp.float32),
      scratch_types=[
          pltpu.VMEM((N,), jnp.float32),
          pltpu.VMEM((N,), jnp.float32),
          pltpu.VMEM((N,), jnp.float32),
          pltpu.VMEM((L,), jnp.float32),
          pltpu.SemaphoreType.DMA,
          pltpu.SemaphoreType.DMA,
          pltpu.SemaphoreType.DMA,
      ],
  )(_sc_body)
  partial_hits = sc_k(yhat, y1d)

  err = pl.pallas_call(
      _tc_merge,
      out_shape=jax.ShapeDtypeStruct((1, 1), jnp.float32),
  )(partial_hits, tc_hits)
  return jnp.reshape(err, ())

# --- scband reference (transcript-rebuilt; emitter-appended) ---
"""Pipeline reference for scband-error-rate-t5-5566277615926 (READ-ONLY COPY).

The authoritative reference and input builder live on the scoring server;
editing this copy changes nothing except your own understanding.
"""

import jax, jax.numpy as jnp
import numpy as np

K = 5

def setup_inputs(seed: int = 0) -> dict:
    key = jax.random.key(seed)
    k1, k2 = jax.random.split(key)
    yhat = jax.random.normal(k1, (128, 32768), dtype=jnp.float32)
    y = jax.random.normal(k2, (128, 32768, 1), dtype=jnp.float32)
    return {"yhat": yhat, "y": y}

def reference(yhat, y):
    # probs = softmax(yhat).detach()
    probs = jax.lax.stop_gradient(jax.nn.softmax(yhat, axis=1))
    # target = argmax(y.squeeze(2), dim=1)
    target = jnp.argmax(jnp.squeeze(y, axis=2), axis=1)
    # _, preds = probs.topk(k, dim=1)
    _, preds = jax.lax.top_k(probs, K)
    target_e = jnp.broadcast_to(target[:, None], preds.shape)
    acc = jnp.sum(preds == target_e).astype(jnp.float32) / yhat.shape[0]
    err = 1.0 - acc
    return err * 100.0

if __name__ == "__main__":
    import jax
    _d = setup_inputs()
    print(jax.jit(kernel)(*tuple(_d.values())))

</pallas_src>

<mosaic_0001>
#map = affine_map<(d0, d1) -> (0, 0)>
#map1 = affine_map<(d0, d1) -> (0)>
module attributes {stable_mosaic.version = 14 : i64} {
  func.func @_sc_body(%arg0: i32, %arg1: i32, %arg2: memref<128x32768xf32, #tpu.memory_space<hbm>>, %arg3: memref<4194304xf32, #tpu.memory_space<hbm>>, %arg4: memref<32x16xf32, #tpu.memory_space<hbm>>, %arg5: memref<32768xf32, #tpu.memory_space<vmem>>, %arg6: memref<32768xf32, #tpu.memory_space<vmem>>, %arg7: memref<32768xf32, #tpu.memory_space<vmem>>, %arg8: memref<16xf32, #tpu.memory_space<vmem>>, %arg9: memref<!tpu.dma_semaphore, #tpu.memory_space<semaphore_mem>>, %arg10: memref<!tpu.dma_semaphore, #tpu.memory_space<semaphore_mem>>, %arg11: memref<!tpu.dma_semaphore, #tpu.memory_space<semaphore_mem>>) attributes {dimension_semantics = [#tpu.dimension_semantics<core_parallel>, #tpu.dimension_semantics<subcore_parallel>], iteration_bounds = array<i64: 2, 16>, scalar_prefetch = 0 : i64, scratch_operands = 7 : i64, tpu.core_type = #tpu.core_type<sc_vector_subcore>, window_params = [{transform_indices = #map}, {transform_indices = #map1}, {transform_indices = #map}]} {
    %mul3A = arith.constant 2 : i32
    %mul3A_0 = arith.muli %arg1, %mul3A : i32
    %add3A = arith.addi %mul3A_0, %arg0 : i32
    %mul3A_1 = arith.constant 3 : i32
    %mul3A_2 = arith.muli %add3A, %mul3A_1 : i32
    %iota3A = tpu.iota {dimensions = array<i32: 0>} : vector<16xi32>
    %add3A_3 = arith.constant 0 : i32
    %add3A_4 = vector.broadcast %add3A_3 : i32 to vector<16xi32>
    %add3A_5 = arith.addi %iota3A, %add3A_4 : vector<16xi32>
    %add3A_6 = arith.constant 16 : i32
    %add3A_7 = vector.broadcast %add3A_6 : i32 to vector<16xi32>
    %add3A_8 = arith.addi %iota3A, %add3A_7 : vector<16xi32>
    %add3A_9 = arith.constant 32 : i32
    %add3A_10 = vector.broadcast %add3A_9 : i32 to vector<16xi32>
    %add3A_11 = arith.addi %iota3A, %add3A_10 : vector<16xi32>
    %add3A_12 = arith.constant 48 : i32
    %add3A_13 = vector.broadcast %add3A_12 : i32 to vector<16xi32>
    %add3A_14 = arith.addi %iota3A, %add3A_13 : vector<16xi32>
    %add3A_15 = arith.constant 64 : i32
    %add3A_16 = vector.broadcast %add3A_15 : i32 to vector<16xi32>
    %add3A_17 = arith.addi %iota3A, %add3A_16 : vector<16xi32>
    %add3A_18 = arith.constant 80 : i32
    %add3A_19 = vector.broadcast %add3A_18 : i32 to vector<16xi32>
    %add3A_20 = arith.addi %iota3A, %add3A_19 : vector<16xi32>
    %add3A_21 = arith.constant 96 : i32
    %add3A_22 = vector.broadcast %add3A_21 : i32 to vector<16xi32>
    %add3A_23 = arith.addi %iota3A, %add3A_22 : vector<16xi32>
    %add3A_24 = arith.constant 112 : i32
    %add3A_25 = vector.broadcast %add3A_24 : i32 to vector<16xi32>
    %add3A_26 = arith.addi %iota3A, %add3A_25 : vector<16xi32>
    %add3A_27 = arith.constant 0 : i32
    %add3A_28 = arith.addi %mul3A_2, %add3A_27 : i32
    %mul3A_29 = arith.constant 32768 : i32
    %mul3A_30 = arith.muli %add3A_28, %mul3A_29 : i32
    %dma_start3A = tpu.memref_slice %arg3[%mul3A_30] : memref<4194304xf32, #tpu.memory_space<hbm>> -> memref<32768xf32, #tpu.memory_space<hbm>>
    %dma_start3A_31 = tpu.memref_slice %arg3[%mul3A_30] : memref<4194304xf32, #tpu.memory_space<hbm>> -> memref<32768xf32, #tpu.memory_space<hbm>>
    tpu.enqueue_dma source(%dma_start3A_31 : memref<32768xf32, #tpu.memory_space<hbm>>) target(%arg5 : memref<32768xf32, #tpu.memory_space<vmem>>) target_semaphore(%arg9 : memref<!tpu.dma_semaphore, #tpu.memory_space<semaphore_mem>>)
    %add3A_32 = arith.constant 0 : i32
    %add3A_33 = arith.addi %mul3A_2, %add3A_32 : i32
    %dma_start3A_34 = arith.constant 0 : i32
    %dma_start3A_35 = tpu.memref_slice %arg2[%add3A_33, %dma_start3A_34] : memref<128x32768xf32, #tpu.memory_space<hbm>> -> memref<1x32768xf32, #tpu.memory_space<hbm>>
    %dma_start3A_36 = tpu.memref_squeeze %dma_start3A_35 : memref<1x32768xf32, #tpu.memory_space<hbm>> -> memref<32768xf32, #tpu.memory_space<hbm>>
    %dma_start3A_37 = arith.constant 0 : i32
    %dma_start3A_38 = tpu.memref_slice %arg2[%add3A_33, %dma_start3A_37] : memref<128x32768xf32, #tpu.memory_space<hbm>> -> memref<1x32768xf32, #tpu.memory_space<hbm>>
    %dma_start3A_39 = tpu.memref_squeeze %dma_start3A_38 : memref<1x32768xf32, #tpu.memory_space<hbm>> -> memref<32768xf32, #tpu.memory_space<hbm>>
    tpu.enqueue_dma source(%dma_start3A_39 : memref<32768xf32, #tpu.memory_space<hbm>>) target(%arg6 : memref<32768xf32, #tpu.memory_space<vmem>>) target_semaphore(%arg10 : memref<!tpu.dma_semaphore, #tpu.memory_space<semaphore_mem>>)
    %add3A_40 = arith.constant 1 : i32
    %add3A_41 = arith.addi %mul3A_2, %add3A_40 : i32
    %mul3A_42 = arith.constant 32768 : i32
    %mul3A_43 = arith.muli %add3A_41, %mul3A_42 : i32
    %dma_start3A_44 = tpu.memref_slice %arg3[%mul3A_43] : memref<4194304xf32, #tpu.memory_space<hbm>> -> memref<32768xf32, #tpu.memory_space<hbm>>
    %dma_start3A_45 = tpu.memref_slice %arg3[%mul3A_43] : memref<4194304xf32, #tpu.memory_space<hbm>> -> memref<32768xf32, #tpu.memory_space<hbm>>
    tpu.enqueue_dma source(%dma_start3A_45 : memref<32768xf32, #tpu.memory_space<hbm>>) target(%arg7 : memref<32768xf32, #tpu.memory_space<vmem>>) target_semaphore(%arg11 : memref<!tpu.dma_semaphore, #tpu.memory_space<semaphore_mem>>)
    %add3A_46 = arith.constant 0 : i32
    %add3A_47 = arith.addi %mul3A_2, %add3A_46 : i32
    %mul3A_48 = arith.constant 32768 : i32
    %mul3A_49 = arith.muli %add3A_47, %mul3A_48 : i32
    %dma_wait3A = tpu.memref_slice %arg3[%mul3A_49] : memref<4194304xf32, #tpu.memory_space<hbm>> -> memref<32768xf32, #tpu.memory_space<hbm>>
    %dma_wait3A_50 = tpu.memref_slice %arg3[%mul3A_49] : memref<4194304xf32, #tpu.memory_space<hbm>> -> memref<32768xf32, #tpu.memory_space<hbm>>
    tpu.wait_dma2 semaphore(%arg9 : memref<!tpu.dma_semaphore, #tpu.memory_space<semaphore_mem>>) src(%dma_wait3A_50 : memref<32768xf32, #tpu.memory_space<hbm>>) dst(%arg5 : memref<32768xf32, #tpu.memory_space<vmem>>)
    %broadcast_in_dim3A = arith.constant -3.40282347E+38 : f32
    %broadcast_in_dim3A_51 = vector.broadcast %broadcast_in_dim3A : f32 to vector<16xf32>
    %broadcast_in_dim3A_52 = arith.constant -3.40282347E+38 : f32
    %broadcast_in_dim3A_53 = vector.broadcast %broadcast_in_dim3A_52 : f32 to vector<16xf32>
    %broadcast_in_dim3A_54 = arith.constant -3.40282347E+38 : f32
    %broadcast_in_dim3A_55 = vector.broadcast %broadcast_in_dim3A_54 : f32 to vector<16xf32>
    %broadcast_in_dim3A_56 = arith.constant -3.40282347E+38 : f32
    %broadcast_in_dim3A_57 = vector.broadcast %broadcast_in_dim3A_56 : f32 to vector<16xf32>
    %broadcast_in_dim3A_58 = arith.constant -3.40282347E+38 : f32
    %broadcast_in_dim3A_59 = vector.broadcast %broadcast_in_dim3A_58 : f32 to vector<16xf32>
    %broadcast_in_dim3A_60 = arith.constant -3.40282347E+38 : f32
    %broadcast_in_dim3A_61 = vector.broadcast %broadcast_in_dim3A_60 : f32 to vector<16xf32>
    %broadcast_in_dim3A_62 = arith.constant -3.40282347E+38 : f32
    %broadcast_in_dim3A_63 = vector.broadcast %broadcast_in_dim3A_62 : f32 to vector<16xf32>
    %broadcast_in_dim3A_64 = arith.constant -3.40282347E+38 : f32
    %broadcast_in_dim3A_65 = vector.broadcast %broadcast_in_dim3A_64 : f32 to vector<16xf32>
    %broadcast_in_dim3A_66 = arith.constant 0 : i32
    %broadcast_in_dim3A_67 = vector.broadcast %broadcast_in_dim3A_66 : i32 to vector<16xi32>
    %broadcast_in_dim3A_68 = arith.constant 0 : i32
    %broadcast_in_dim3A_69 = vector.broadcast %broadcast_in_dim3A_68 : i32 to vector<16xi32>
    %broadcast_in_dim3A_70 = arith.constant 0 : i32
    %broadcast_in_dim3A_71 = vector.broadcast %broadcast_in_dim3A_70 : i32 to vector<16xi32>
    %broadcast_in_dim3A_72 = arith.constant 0 : i32
    %broadcast_in_dim3A_73 = vector.broadcast %broadcast_in_dim3A_72 : i32 to vector<16xi32>
    %broadcast_in_dim3A_74 = arith.constant 0 : i32
    %broadcast_in_dim3A_75 = vector.broadcast %broadcast_in_dim3A_74 : i32 to vector<16xi32>
    %broadcast_in_dim3A_76 = arith.constant 0 : i32
    %broadcast_in_dim3A_77 = vector.broadcast %broadcast_in_dim3A_76 : i32 to vector<16xi32>
    %broadcast_in_dim3A_78 = arith.constant 0 : i32
    %broadcast_in_dim3A_79 = vector.broadcast %broadcast_in_dim3A_78 : i32 to vector<16xi32>
    %broadcast_in_dim3A_80 = arith.constant 0 : i32
    %broadcast_in_dim3A_81 = vector.broadcast %broadcast_in_dim3A_80 : i32 to vector<16xi32>
    %scan3A = arith.constant 0 : i32
    %scan3A_82 = arith.constant 256 : i32
    %scan3A_83 = arith.addi %scan3A, %scan3A_82 : i32
    %scan3A_84 = arith.constant 1 : i32
    %scan3A_85:16 = scf.for %scan3A_1412 = %scan3A to %scan3A_83 step %scan3A_84 iter_args(%scan3A_1413 = %broadcast_in_dim3A_51, %scan3A_1414 = %broadcast_in_dim3A_53, %scan3A_1415 = %broadcast_in_dim3A_55, %scan3A_1416 = %broadcast_in_dim3A_57, %scan3A_1417 = %broadcast_in_dim3A_59, %scan3A_1418 = %broadcast_in_dim3A_61, %scan3A_1419 = %broadcast_in_dim3A_63, %scan3A_1420 = %broadcast_in_dim3A_65, %scan3A_1421 = %broadcast_in_dim3A_67, %scan3A_1422 = %broadcast_in_dim3A_69, %scan3A_1423 = %broadcast_in_dim3A_71, %scan3A_1424 = %broadcast_in_dim3A_73, %scan3A_1425 = %broadcast_in_dim3A_75, %scan3A_1426 = %broadcast_in_dim3A_77, %scan3A_1427 = %broadcast_in_dim3A_79, %scan3A_1428 = %broadcast_in_dim3A_81) -> (vector<16xf32>, vector<16xf32>, vector<16xf32>, vector<16xf32>, vector<16xf32>, vector<16xf32>, vector<16xf32>, vector<16xf32>, vector<16xi32>, vector<16xi32>, vector<16xi32>, vector<16xi32>, vector<16xi32>, vector<16xi32>, vector<16xi32>, vector<16xi32>)  : i32 {
      %mul3A_1429 = arith.constant 128 : i32
      %mul3A_1430 = arith.muli %scan3A_1412, %mul3A_1429 : i32
      %broadcast_in_dim3A_1431 = vector.broadcast %scan3A_1412 : i32 to vector<16xi32>
      %add3A_1432 = arith.constant 0 : i32
      %add3A_1433 = arith.addi %mul3A_1430, %add3A_1432 : i32
      %get3A_1434 = arith.index_cast %add3A_1433 : i32 to index
      %get3A_1435 = tpu.vector_load %arg5[%get3A_1434] {strides = array<i32>} : memref<32768xf32, #tpu.memory_space<vmem>>, vector<16xf32>,
      %gt3A_1436 = arith.cmpf ogt, %get3A_1435, %scan3A_1413 : vector<16xf32>
      %select_n3A_1437 = arith.select %gt3A_1436, %get3A_1435, %scan3A_1413 : vector<16xi1>, vector<16xf32>
      %select_n3A_1438 = arith.select %gt3A_1436, %broadcast_in_dim3A_1431, %scan3A_1421 : vector<16xi1>, vector<16xi32>
      %add3A_1439 = arith.constant 16 : i32
      %add3A_1440 = arith.addi %mul3A_1430, %add3A_1439 : i32
      %get3A_1441 = arith.index_cast %add3A_1440 : i32 to index
      %get3A_1442 = tpu.vector_load %arg5[%get3A_1441] {strides = array<i32>} : memref<32768xf32, #tpu.memory_space<vmem>>, vector<16xf32>,
      %gt3A_1443 = arith.cmpf ogt, %get3A_1442, %scan3A_1414 : vector<16xf32>
      %select_n3A_1444 = arith.select %gt3A_1443, %get3A_1442, %scan3A_1414 : vector<16xi1>, vector<16xf32>
      %select_n3A_1445 = arith.select %gt3A_1443, %broadcast_in_dim3A_1431, %scan3A_1422 : vector<16xi1>, vector<16xi32>
      %add3A_1446 = arith.constant 32 : i32
      %add3A_1447 = arith.addi %mul3A_1430, %add3A_1446 : i32
      %get3A_1448 = arith.index_cast %add3A_1447 : i32 to index
      %get3A_1449 = tpu.vector_load %arg5[%get3A_1448] {strides = array<i32>} : memref<32768xf32, #tpu.memory_space<vmem>>, vector<16xf32>,
      %gt3A_1450 = arith.cmpf ogt, %get3A_1449, %scan3A_1415 : vector<16xf32>
      %select_n3A_1451 = arith.select %gt3A_1450, %get3A_1449, %scan3A_1415 : vector<16xi1>, vector<16xf32>
      %select_n3A_1452 = arith.select %gt3A_1450, %broadcast_in_dim3A_1431, %scan3A_1423 : vector<16xi1>, vector<16xi32>
      %add3A_1453 = arith.constant 48 : i32
      %add3A_1454 = arith.addi %mul3A_1430, %add3A_1453 : i32
      %get3A_1455 = arith.index_cast %add3A_1454 : i32 to index
      %get3A_1456 = tpu.vector_load %arg5[%get3A_1455] {strides = array<i32>} : memref<32768xf32, #tpu.memory_space<vmem>>, vector<16xf32>,
      %gt3A_1457 = arith.cmpf ogt, %get3A_1456, %scan3A_1416 : vector<16xf32>
      %select_n3A_1458 = arith.select %gt3A_1457, %get3A_1456, %scan3A_1416 : vector<16xi1>, vector<16xf32>
      %select_n3A_1459 = arith.select %gt3A_1457, %broadcast_in_dim3A_1431, %scan3A_1424 : vector<16xi1>, vector<16xi32>
      %add3A_1460 = arith.constant 64 : i32
      %add3A_1461 = arith.addi %mul3A_1430, %add3A_1460 : i32
      %get3A_1462 = arith.index_cast %add3A_1461 : i32 to index
      %get3A_1463 = tpu.vector_load %arg5[%get3A_1462] {strides = array<i32>} : memref<32768xf32, #tpu.memory_space<vmem>>, vector<16xf32>,
      %gt3A_1464 = arith.cmpf ogt, %get3A_1463, %scan3A_1417 : vector<16xf32>
      %select_n3A_1465 = arith.select %gt3A_1464, %get3A_1463, %scan3A_1417 : vector<16xi1>, vector<16xf32>
      %select_n3A_1466 = arith.select %gt3A_1464, %broadcast_in_dim3A_1431, %scan3A_1425 : vector<16xi1>, vector<16xi32>
      %add3A_1467 = arith.constant 80 : i32
      %add3A_1468 = arith.addi %mul3A_1430, %add3A_1467 : i32
      %get3A_1469 = arith.index_cast %add3A_1468 : i32 to index
      %get3A_1470 = tpu.vector_load %arg5[%get3A_1469] {strides = array<i32>} : memref<32768xf32, #tpu.memory_space<vmem>>, vector<16xf32>,
      %gt3A_1471 = arith.cmpf ogt, %get3A_1470, %scan3A_1418 : vector<16xf32>
      %select_n3A_1472 = arith.select %gt3A_1471, %get3A_1470, %scan3A_1418 : vector<16xi1>, vector<16xf32>
      %select_n3A_1473 = arith.select %gt3A_1471, %broadcast_in_dim3A_1431, %scan3A_1426 : vector<16xi1>, vector<16xi32>
      %add3A_1474 = arith.constant 96 : i32
      %add3A_1475 = arith.addi %mul3A_1430, %add3A_1474 : i32
      %get3A_1476 = arith.index_cast %add3A_1475 : i32 to index
      %get3A_1477 = tpu.vector_load %arg5[%get3A_1476] {strides = array<i32>} : memref<32768xf32, #tpu.memory_space<vmem>>, vector<16xf32>,
      %gt3A_1478 = arith.cmpf ogt, %get3A_1477, %scan3A_1419 : vector<16xf32>
      %select_n3A_1479 = arith.select %gt3A_1478, %get3A_1477, %scan3A_1419 : vector<16xi1>, vector<16xf32>
      %select_n3A_1480 = arith.select %gt3A_1478, %broadcast_in_dim3A_1431, %scan3A_1427 : vector<16xi1>, vector<16xi32>
      %add3A_1481 = arith.constant 112 : i32
      %add3A_1482 = arith.addi %mul3A_1430, %add3A_1481 : i32
      %get3A_1483 = arith.index_cast %add3A_1482 : i32 to index
      %get3A_1484 = tpu.vector_load %arg5[%get3A_1483] {strides = array<i32>} : memref<32768xf32, #tpu.memory_space<vmem>>, vector<16xf32>,
      %gt3A_1485 = arith.cmpf ogt, %get3A_1484, %scan3A_1420 : vector<16xf32>
      %select_n3A_1486 = arith.select %gt3A_1485, %get3A_1484, %scan3A_1420 : vector<16xi1>, vector<16xf32>
      %select_n3A_1487 = arith.select %gt3A_1485, %broadcast_in_dim3A_1431, %scan3A_1428 : vector<16xi1>, vector<16xi32>
      scf.yield %select_n3A_1437, %select_n3A_1444, %select_n3A_1451, %select_n3A_1458, %select_n3A_1465, %select_n3A_1472, %select_n3A_1479, %select_n3A_1486, %select_n3A_1438, %select_n3A_1445, %select_n3A_1452, %select_n3A_1459, %select_n3A_1466, %select_n3A_1473, %select_n3A_1480, %select_n3A_1487 : vector<16xf32>, vector<16xf32>, vector<16xf32>, vector<16xf32>, vector<16xf32>, vector<16xf32>, vector<16xf32>, vector<16xf32>, vector<16xi32>, vector<16xi32>, vector<16xi32>, vector<16xi32>, vector<16xi32>, vector<16xi32>, vector<16xi32>, vector<16xi32>
    }
    %scan3A_86 = arith.constant 256 : i32
    %reduce_max3A = arith.constant true
    %reduce_max3A_87 = vector.broadcast %reduce_max3A : i1 to vector<16xi1>
    %reduce_max3A_88 = tpu.scan <max>, %scan3A_85#0 masked %reduce_max3A_87 : vector<16xf32>, vector<16xi1> -> vector<16xf32>
    %reduce_max3A_89 = vector.extract %reduce_max3A_88[15] : f32 from vector<16xf32>
    %reduce_max3A_90 = arith.constant true
    %reduce_max3A_91 = vector.broadcast %reduce_max3A_90 : i1 to vector<16xi1>
    %reduce_max3A_92 = tpu.scan <max>, %scan3A_85#1 masked %reduce_max3A_91 : vector<16xf32>, vector<16xi1> -> vector<16xf32>
    %reduce_max3A_93 = vector.extract %reduce_max3A_92[15] : f32 from vector<16xf32>
    %max3A = arith.maximumf %reduce_max3A_89, %reduce_max3A_93 : f32
    %reduce_max3A_94 = arith.constant true
    %reduce_max3A_95 = vector.broadcast %reduce_max3A_94 : i1 to vector<16xi1>
    %reduce_max3A_96 = tpu.scan <max>, %scan3A_85#2 masked %reduce_max3A_95 : vector<16xf32>, vector<16xi1> -> vector<16xf32>
    %reduce_max3A_97 = vector.extract %reduce_max3A_96[15] : f32 from vector<16xf32>
    %max3A_98 = arith.maximumf %max3A, %reduce_max3A_97 : f32
    %reduce_max3A_99 = arith.constant true
    %reduce_max3A_100 = vector.broadcast %reduce_max3A_99 : i1 to vector<16xi1>
    %reduce_max3A_101 = tpu.scan <max>, %scan3A_85#3 masked %reduce_max3A_100 : vector<16xf32>, vector<16xi1> -> vector<16xf32>
    %reduce_max3A_102 = vector.extract %reduce_max3A_101[15] : f32 from vector<16xf32>
    %max3A_103 = arith.maximumf %max3A_98, %reduce_max3A_102 : f32
    %reduce_max3A_104 = arith.constant true
    %reduce_max3A_105 = vector.broadcast %reduce_max3A_104 : i1 to vector<16xi1>
    %reduce_max3A_106 = tpu.scan <max>, %scan3A_85#4 masked %reduce_max3A_105 : vector<16xf32>, vector<16xi1> -> vector<16xf32>
    %reduce_max3A_107 = vector.extract %reduce_max3A_106[15] : f32 from vector<16xf32>
    %max3A_108 = arith.maximumf %max3A_103, %reduce_max3A_107 : f32
    %reduce_max3A_109 = arith.constant true
    %reduce_max3A_110 = vector.broadcast %reduce_max3A_109 : i1 to vector<16xi1>
    %reduce_max3A_111 = tpu.scan <max>, %scan3A_85#5 masked %reduce_max3A_110 : vector<16xf32>, vector<16xi1> -> vector<16xf32>
    %reduce_max3A_112 = vector.extract %reduce_max3A_111[15] : f32 from vector<16xf32>
    %max3A_113 = arith.maximumf %max3A_108, %reduce_max3A_112 : f32
    %reduce_max3A_114 = arith.constant true
    %reduce_max3A_115 = vector.broadcast %reduce_max3A_114 : i1 to vector<16xi1>
    %reduce_max3A_116 = tpu.scan <max>, %scan3A_85#6 masked %reduce_max3A_115 : vector<16xf32>, vector<16xi1> -> vector<16xf32>
    %reduce_max3A_117 = vector.extract %reduce_max3A_116[15] : f32 from vector<16xf32>
    %max3A_118 = arith.maximumf %max3A_113, %reduce_max3A_117 : f32
    %reduce_max3A_119 = arith.constant true
    %reduce_max3A_120 = vector.broadcast %reduce_max3A_119 : i1 to vector<16xi1>
    %reduce_max3A_121 = tpu.scan <max>, %scan3A_85#7 masked %reduce_max3A_120 : vector<16xf32>, vector<16xi1> -> vector<16xf32>
    %reduce_max3A_122 = vector.extract %reduce_max3A_121[15] : f32 from vector<16xf32>
    %max3A_123 = arith.maximumf %max3A_118, %reduce_max3A_122 : f32
    %mul3A_124 = arith.constant 128 : i32
    %mul3A_125 = vector.broadcast %mul3A_124 : i32 to vector<16xi32>
    %mul3A_126 = arith.muli %scan3A_85#8, %mul3A_125 : vector<16xi32>
    %add3A_127 = arith.addi %mul3A_126, %add3A_5 : vector<16xi32>
    %eq3A = vector.broadcast %max3A_123 : f32 to vector<16xf32>
    %eq3A_128 = arith.cmpf oeq, %scan3A_85#0, %eq3A : vector<16xf32>
    %jit3A = arith.constant 32768 : i32
    %broadcast_in_dim3A_129 = vector.broadcast %jit3A : i32 to vector<16xi32>
    %select_n3A = arith.select %eq3A_128, %add3A_127, %broadcast_in_dim3A_129 : vector<16xi1>, vector<16xi32>
    %reduce_min3A = arith.constant true
    %reduce_min3A_130 = vector.broadcast %reduce_min3A : i1 to vector<16xi1>
    %reduce_min3A_131 = arith.constant -2147483648 : i32
    %reduce_min3A_132 = vector.broadcast %reduce_min3A_131 : i32 to vector<16xi32>
    %reduce_min3A_133 = arith.xori %select_n3A, %reduce_min3A_132 : vector<16xi32>
    %reduce_min3A_134 = tpu.scan <min>, %reduce_min3A_133 masked %reduce_min3A_130 : vector<16xi32>, vector<16xi1> -> vector<16xi32>
    %reduce_min3A_135 = arith.xori %reduce_min3A_134, %reduce_min3A_132 : vector<16xi32>
    %reduce_min3A_136 = vector.extract %reduce_min3A_135[15] : i32 from vector<16xi32>
    %min3A = arith.constant 32768 : i32
    %min3A_137 = arith.minsi %min3A, %reduce_min3A_136 : i32
    %mul3A_138 = arith.constant 128 : i32
    %mul3A_139 = vector.broadcast %mul3A_138 : i32 to vector<16xi32>
    %mul3A_140 = arith.muli %scan3A_85#9, %mul3A_139 : vector<16xi32>
    %add3A_141 = arith.addi %mul3A_140, %add3A_8 : vector<16xi32>
    %eq3A_142 = vector.broadcast %max3A_123 : f32 to vector<16xf32>
    %eq3A_143 = arith.cmpf oeq, %scan3A_85#1, %eq3A_142 : vector<16xf32>
    %jit3A_144 = arith.constant 32768 : i32
    %broadcast_in_dim3A_145 = vector.broadcast %jit3A_144 : i32 to vector<16xi32>
    %select_n3A_146 = arith.select %eq3A_143, %add3A_141, %broadcast_in_dim3A_145 : vector<16xi1>, vector<16xi32>
    %reduce_min3A_147 = arith.constant true
    %reduce_min3A_148 = vector.broadcast %reduce_min3A_147 : i1 to vector<16xi1>
    %reduce_min3A_149 = arith.constant -2147483648 : i32
    %reduce_min3A_150 = vector.broadcast %reduce_min3A_149 : i32 to vector<16xi32>
    %reduce_min3A_151 = arith.xori %select_n3A_146, %reduce_min3A_150 : vector<16xi32>
    %reduce_min3A_152 = tpu.scan <min>, %reduce_min3A_151 masked %reduce_min3A_148 : vector<16xi32>, vector<16xi1> -> vector<16xi32>
    %reduce_min3A_153 = arith.xori %reduce_min3A_152, %reduce_min3A_150 : vector<16xi32>
    %reduce_min3A_154 = vector.extract %reduce_min3A_153[15] : i32 from vector<16xi32>
    %min3A_155 = arith.minsi %min3A_137, %reduce_min3A_154 : i32
    %mul3A_156 = arith.constant 128 : i32
    %mul3A_157 = vector.broadcast %mul3A_156 : i32 to vector<16xi32>
    %mul3A_158 = arith.muli %scan3A_85#10, %mul3A_157 : vector<16xi32>
    %add3A_159 = arith.addi %mul3A_158, %add3A_11 : vector<16xi32>
    %eq3A_160 = vector.broadcast %max3A_123 : f32 to vector<16xf32>
    %eq3A_161 = arith.cmpf oeq, %scan3A_85#2, %eq3A_160 : vector<16xf32>
    %jit3A_162 = arith.constant 32768 : i32
    %broadcast_in_dim3A_163 = vector.broadcast %jit3A_162 : i32 to vector<16xi32>
    %select_n3A_164 = arith.select %eq3A_161, %add3A_159, %broadcast_in_dim3A_163 : vector<16xi1>, vector<16xi32>
    %reduce_min3A_165 = arith.constant true
    %reduce_min3A_166 = vector.broadcast %reduce_min3A_165 : i1 to vector<16xi1>
    %reduce_min3A_167 = arith.constant -2147483648 : i32
    %reduce_min3A_168 = vector.broadcast %reduce_min3A_167 : i32 to vector<16xi32>
    %reduce_min3A_169 = arith.xori %select_n3A_164, %reduce_min3A_168 : vector<16xi32>
    %reduce_min3A_170 = tpu.scan <min>, %reduce_min3A_169 masked %reduce_min3A_166 : vector<16xi32>, vector<16xi1> -> vector<16xi32>
    %reduce_min3A_171 = arith.xori %reduce_min3A_170, %reduce_min3A_168 : vector<16xi32>
    %reduce_min3A_172 = vector.extract %reduce_min3A_171[15] : i32 from vector<16xi32>
    %min3A_173 = arith.minsi %min3A_155, %reduce_min3A_172 : i32
    %mul3A_174 = arith.constant 128 : i32
    %mul3A_175 = vector.broadcast %mul3A_174 : i32 to vector<16xi32>
    %mul3A_176 = arith.muli %scan3A_85#11, %mul3A_175 : vector<16xi32>
    %add3A_177 = arith.addi %mul3A_176, %add3A_14 : vector<16xi32>
    %eq3A_178 = vector.broadcast %max3A_123 : f32 to vector<16xf32>
    %eq3A_179 = arith.cmpf oeq, %scan3A_85#3, %eq3A_178 : vector<16xf32>
    %jit3A_180 = arith.constant 32768 : i32
    %broadcast_in_dim3A_181 = vector.broadcast %jit3A_180 : i32 to vector<16xi32>
    %select_n3A_182 = arith.select %eq3A_179, %add3A_177, %broadcast_in_dim3A_181 : vector<16xi1>, vector<16xi32>
    %reduce_min3A_183 = arith.constant true
    %reduce_min3A_184 = vector.broadcast %reduce_min3A_183 : i1 to vector<16xi1>
    %reduce_min3A_185 = arith.constant -2147483648 : i32
    %reduce_min3A_186 = vector.broadcast %reduce_min3A_185 : i32 to vector<16xi32>
    %reduce_min3A_187 = arith.xori %select_n3A_182, %reduce_min3A_186 : vector<16xi32>
    %reduce_min3A_188 = tpu.scan <min>, %reduce_min3A_187 masked %reduce_min3A_184 : vector<16xi32>, vector<16xi1> -> vector<16xi32>
    %reduce_min3A_189 = arith.xori %reduce_min3A_188, %reduce_min3A_186 : vector<16xi32>
    %reduce_min3A_190 = vector.extract %reduce_min3A_189[15] : i32 from vector<16xi32>
    %min3A_191 = arith.minsi %min3A_173, %reduce_min3A_190 : i32
    %mul3A_192 = arith.constant 128 : i32
    %mul3A_193 = vector.broadcast %mul3A_192 : i32 to vector<16xi32>
    %mul3A_194 = arith.muli %scan3A_85#12, %mul3A_193 : vector<16xi32>
    %add3A_195 = arith.addi %mul3A_194, %add3A_17 : vector<16xi32>
    %eq3A_196 = vector.broadcast %max3A_123 : f32 to vector<16xf32>
    %eq3A_197 = arith.cmpf oeq, %scan3A_85#4, %eq3A_196 : vector<16xf32>
    %jit3A_198 = arith.constant 32768 : i32
    %broadcast_in_dim3A_199 = vector.broadcast %jit3A_198 : i32 to vector<16xi32>
    %select_n3A_200 = arith.select %eq3A_197, %add3A_195, %broadcast_in_dim3A_199 : vector<16xi1>, vector<16xi32>
    %reduce_min3A_201 = arith.constant true
    %reduce_min3A_202 = vector.broadcast %reduce_min3A_201 : i1 to vector<16xi1>
    %reduce_min3A_203 = arith.constant -2147483648 : i32
    %reduce_min3A_204 = vector.broadcast %reduce_min3A_203 : i32 to vector<16xi32>
    %reduce_min3A_205 = arith.xori %select_n3A_200, %reduce_min3A_204 : vector<16xi32>
    %reduce_min3A_206 = tpu.scan <min>, %reduce_min3A_205 masked %reduce_min3A_202 : vector<16xi32>, vector<16xi1> -> vector<16xi32>
    %reduce_min3A_207 = arith.xori %reduce_min3A_206, %reduce_min3A_204 : vector<16xi32>
    %reduce_min3A_208 = vector.extract %reduce_min3A_207[15] : i32 from vector<16xi32>
    %min3A_209 = arith.minsi %min3A_191, %reduce_min3A_208 : i32
    %mul3A_210 = arith.constant 128 : i32
    %mul3A_211 = vector.broadcast %mul3A_210 : i32 to vector<16xi32>
    %mul3A_212 = arith.muli %scan3A_85#13, %mul3A_211 : vector<16xi32>
    %add3A_213 = arith.addi %mul3A_212, %add3A_20 : vector<16xi32>
    %eq3A_214 = vector.broadcast %max3A_123 : f32 to vector<16xf32>
    %eq3A_215 = arith.cmpf oeq, %scan3A_85#5, %eq3A_214 : vector<16xf32>
    %jit3A_216 = arith.constant 32768 : i32
    %broadcast_in_dim3A_217 = vector.broadcast %jit3A_216 : i32 to vector<16xi32>
    %select_n3A_218 = arith.select %eq3A_215, %add3A_213, %broadcast_in_dim3A_217 : vector<16xi1>, vector<16xi32>
    %reduce_min3A_219 = arith.constant true
    %reduce_min3A_220 = vector.broadcast %reduce_min3A_219 : i1 to vector<16xi1>
    %reduce_min3A_221 = arith.constant -2147483648 : i32
    %reduce_min3A_222 = vector.broadcast %reduce_min3A_221 : i32 to vector<16xi32>
    %reduce_min3A_223 = arith.xori %select_n3A_218, %reduce_min3A_222 : vector<16xi32>
    %reduce_min3A_224 = tpu.scan <min>, %reduce_min3A_223 masked %reduce_min3A_220 : vector<16xi32>, vector<16xi1> -> vector<16xi32>
    %reduce_min3A_225 = arith.xori %reduce_min3A_224, %reduce_min3A_222 : vector<16xi32>
    %reduce_min3A_226 = vector.extract %reduce_min3A_225[15] : i32 from vector<16xi32>
    %min3A_227 = arith.minsi %min3A_209, %reduce_min3A_226 : i32
    %mul3A_228 = arith.constant 128 : i32
    %mul3A_229 = vector.broadcast %mul3A_228 : i32 to vector<16xi32>
    %mul3A_230 = arith.muli %scan3A_85#14, %mul3A_229 : vector<16xi32>
    %add3A_231 = arith.addi %mul3A_230, %add3A_23 : vector<16xi32>
    %eq3A_232 = vector.broadcast %max3A_123 : f32 to vector<16xf32>
    %eq3A_233 = arith.cmpf oeq, %scan3A_85#6, %eq3A_232 : vector<16xf32>
    %jit3A_234 = arith.constant 32768 : i32
    %broadcast_in_dim3A_235 = vector.broadcast %jit3A_234 : i32 to vector<16xi32>
    %select_n3A_236 = arith.select %eq3A_233, %add3A_231, %broadcast_in_dim3A_235 : vector<16xi1>, vector<16xi32>
    %reduce_min3A_237 = arith.constant true
    %reduce_min3A_238 = vector.broadcast %reduce_min3A_237 : i1 to vector<16xi1>
    %reduce_min3A_239 = arith.constant -2147483648 : i32
    %reduce_min3A_240 = vector.broadcast %reduce_min3A_239 : i32 to vector<16xi32>
    %reduce_min3A_241 = arith.xori %select_n3A_236, %reduce_min3A_240 : vector<16xi32>
    %reduce_min3A_242 = tpu.scan <min>, %reduce_min3A_241 masked %reduce_min3A_238 : vector<16xi32>, vector<16xi1> -> vector<16xi32>
    %reduce_min3A_243 = arith.xori %reduce_min3A_242, %reduce_min3A_240 : vector<16xi32>
    %reduce_min3A_244 = vector.extract %reduce_min3A_243[15] : i32 from vector<16xi32>
    %min3A_245 = arith.minsi %min3A_227, %reduce_min3A_244 : i32
    %mul3A_246 = arith.constant 128 : i32
    %mul3A_247 = vector.broadcast %mul3A_246 : i32 to vector<16xi32>
    %mul3A_248 = arith.muli %scan3A_85#15, %mul3A_247 : vector<16xi32>
    %add3A_249 = arith.addi %mul3A_248, %add3A_26 : vector<16xi32>
    %eq3A_250 = vector.broadcast %max3A_123 : f32 to vector<16xf32>
    %eq3A_251 = arith.cmpf oeq, %scan3A_85#7, %eq3A_250 : vector<16xf32>
    %jit3A_252 = arith.constant 32768 : i32
    %broadcast_in_dim3A_253 = vector.broadcast %jit3A_252 : i32 to vector<16xi32>
    %select_n3A_254 = arith.select %eq3A_251, %add3A_249, %broadcast_in_dim3A_253 : vector<16xi1>, vector<16xi32>
    %reduce_min3A_255 = arith.constant true
    %reduce_min3A_256 = vector.broadcast %reduce_min3A_255 : i1 to vector<16xi1>
    %reduce_min3A_257 = arith.constant -2147483648 : i32
    %reduce_min3A_258 = vector.broadcast %reduce_min3A_257 : i32 to vector<16xi32>
    %reduce_min3A_259 = arith.xori %select_n3A_254, %reduce_min3A_258 : vector<16xi32>
    %reduce_min3A_260 = tpu.scan <min>, %reduce_min3A_259 masked %reduce_min3A_256 : vector<16xi32>, vector<16xi1> -> vector<16xi32>
    %reduce_min3A_261 = arith.xori %reduce_min3A_260, %reduce_min3A_258 : vector<16xi32>
    %reduce_min3A_262 = vector.extract %reduce_min3A_261[15] : i32 from vector<16xi32>
    %min3A_263 = arith.minsi %min3A_245, %reduce_min3A_262 : i32
    %add3A_264 = arith.constant 1 : i32
    %add3A_265 = arith.addi %mul3A_2, %add3A_264 : i32
    %dma_start3A_266 = arith.constant 0 : i32
    %dma_start3A_267 = tpu.memref_slice %arg2[%add3A_265, %dma_start3A_266] : memref<128x32768xf32, #tpu.memory_space<hbm>> -> memref<1x32768xf32, #tpu.memory_space<hbm>>
    %dma_start3A_268 = tpu.memref_squeeze %dma_start3A_267 : memref<1x32768xf32, #tpu.memory_space<hbm>> -> memref<32768xf32, #tpu.memory_space<hbm>>
    %dma_start3A_269 = arith.constant 0 : i32
    %dma_start3A_270 = tpu.memref_slice %arg2[%add3A_265, %dma_start3A_269] : memref<128x32768xf32, #tpu.memory_space<hbm>> -> memref<1x32768xf32, #tpu.memory_space<hbm>>
    %dma_start3A_271 = tpu.memref_squeeze %dma_start3A_270 : memref<1x32768xf32, #tpu.memory_space<hbm>> -> memref<32768xf32, #tpu.memory_space<hbm>>
    tpu.enqueue_dma source(%dma_start3A_271 : memref<32768xf32, #tpu.memory_space<hbm>>) target(%arg5 : memref<32768xf32, #tpu.memory_space<vmem>>) target_semaphore(%arg9 : memref<!tpu.dma_semaphore, #tpu.memory_space<semaphore_mem>>)
    %add3A_272 = arith.constant 0 : i32
    %add3A_273 = arith.addi %mul3A_2, %add3A_272 : i32
    %dma_wait3A_274 = arith.constant 0 : i32
    %dma_wait3A_275 = tpu.memref_slice %arg2[%add3A_273, %dma_wait3A_274] : memref<128x32768xf32, #tpu.memory_space<hbm>> -> memref<1x32768xf32, #tpu.memory_space<hbm>>
    %dma_wait3A_276 = tpu.memref_squeeze %dma_wait3A_275 : memref<1x32768xf32, #tpu.memory_space<hbm>> -> memref<32768xf32, #tpu.memory_space<hbm>>
    %dma_wait3A_277 = arith.constant 0 : i32
    %dma_wait3A_278 = tpu.memref_slice %arg2[%add3A_273, %dma_wait3A_277] : memref<128x32768xf32, #tpu.memory_space<hbm>> -> memref<1x32768xf32, #tpu.memory_space<hbm>>
    %dma_wait3A_279 = tpu.memref_squeeze %dma_wait3A_278 : memref<1x32768xf32, #tpu.memory_space<hbm>> -> memref<32768xf32, #tpu.memory_space<hbm>>
    tpu.wait_dma2 semaphore(%arg10 : memref<!tpu.dma_semaphore, #tpu.memory_space<semaphore_mem>>) src(%dma_wait3A_279 : memref<32768xf32, #tpu.memory_space<hbm>>) dst(%arg6 : memref<32768xf32, #tpu.memory_space<vmem>>)
    %broadcast_in_dim3A_280 = vector.broadcast %min3A_263 : i32 to vector<16xi32>
    %gather3A = tpu.vector_load_idx %arg6[%broadcast_in_dim3A_280] : memref<32768xf32, #tpu.memory_space<vmem>>[vector<16xi32>], vector<16xf32>,
    %jit3A_281 = arith.constant 128 : i32
    %div3A = arith.divsi %min3A_263, %jit3A_281 : i32
    %sign3A = arith.constant 0 : i32
    %sign3A_282 = arith.cmpi sgt, %min3A_263, %sign3A : i32
    %sign3A_283 = arith.extui %sign3A_282 : i1 to i32
    %sign3A_284 = arith.constant 0 : i32
    %sign3A_285 = arith.cmpi slt, %min3A_263, %sign3A_284 : i32
    %sign3A_286 = arith.extui %sign3A_285 : i1 to i32
    %sign3A_287 = arith.subi %sign3A_283, %sign3A_286 : i32
    %sign3A_288 = arith.constant 0 : i32
    %sign3A_289 = arith.cmpi sgt, %jit3A_281, %sign3A_288 : i32
    %sign3A_290 = arith.extui %sign3A_289 : i1 to i32
    %sign3A_291 = arith.constant 0 : i32
    %sign3A_292 = arith.cmpi slt, %jit3A_281, %sign3A_291 : i32
    %sign3A_293 = arith.extui %sign3A_292 : i1 to i32
    %sign3A_294 = arith.subi %sign3A_290, %sign3A_293 : i32
    %ne3A = arith.cmpi ne, %sign3A_287, %sign3A_294 : i32
    %rem3A = arith.remsi %min3A_263, %jit3A_281 : i32
    %ne3A_295 = arith.constant 0 : i32
    %ne3A_296 = arith.cmpi ne, %rem3A, %ne3A_295 : i32
    %and3A = arith.andi %ne3A, %ne3A_296 : i1
    %sub3A = arith.constant 1 : i32
    %sub3A_297 = arith.subi %div3A, %sub3A : i32
    %select_n3A_298 = arith.select %and3A, %sub3A_297, %div3A : i32
    %broadcast_in_dim3A_299 = arith.constant 0 : i32
    %broadcast_in_dim3A_300 = vector.broadcast %broadcast_in_dim3A_299 : i32 to vector<16xi32>
    %broadcast_in_dim3A_301 = arith.constant 0 : i32
    %broadcast_in_dim3A_302 = vector.broadcast %broadcast_in_dim3A_301 : i32 to vector<16xi32>
    %broadcast_in_dim3A_303 = arith.constant 0 : i32
    %broadcast_in_dim3A_304 = vector.broadcast %broadcast_in_dim3A_303 : i32 to vector<16xi32>
    %broadcast_in_dim3A_305 = arith.constant 0 : i32
    %broadcast_in_dim3A_306 = vector.broadcast %broadcast_in_dim3A_305 : i32 to vector<16xi32>
    %broadcast_in_dim3A_307 = arith.constant 0 : i32
    %broadcast_in_dim3A_308 = vector.broadcast %broadcast_in_dim3A_307 : i32 to vector<16xi32>
    %broadcast_in_dim3A_309 = arith.constant 0 : i32
    %broadcast_in_dim3A_310 = vector.broadcast %broadcast_in_dim3A_309 : i32 to vector<16xi32>
    %broadcast_in_dim3A_311 = arith.constant 0 : i32
    %broadcast_in_dim3A_312 = vector.broadcast %broadcast_in_dim3A_311 : i32 to vector<16xi32>
    %broadcast_in_dim3A_313 = arith.constant 0 : i32
    %broadcast_in_dim3A_314 = vector.broadcast %broadcast_in_dim3A_313 : i32 to vector<16xi32>
    %while3A = arith.constant 0 : i32
    %while3A_315 = arith.subi %select_n3A_298, %while3A : i32
    %while3A_316 = arith.addi %while3A, %while3A_315 : i32
    %while3A_317 = arith.constant 1 : i32
    %while3A_318 = arith.divsi %while3A_315, %while3A_317 : i32
    %while3A_319 = arith.muli %while3A_318, %while3A_317 : i32
    %while3A_320 = arith.addi %while3A, %while3A_319 : i32
    %while3A_321 = arith.constant 1 : i32
    %while3A_322:8 = scf.for %while3A_1412 = %while3A to %while3A_320 step %while3A_321 iter_args(%while3A_1413 = %broadcast_in_dim3A_300, %while3A_1414 = %broadcast_in_dim3A_302, %while3A_1415 = %broadcast_in_dim3A_304, %while3A_1416 = %broadcast_in_dim3A_306, %while3A_1417 = %broadcast_in_dim3A_308, %while3A_1418 = %broadcast_in_dim3A_310, %while3A_1419 = %broadcast_in_dim3A_312, %while3A_1420 = %broadcast_in_dim3A_314) -> (vector<16xi32>, vector<16xi32>, vector<16xi32>, vector<16xi32>, vector<16xi32>, vector<16xi32>, vector<16xi32>, vector<16xi32>)  : i32 {
      %mul3A_1421 = arith.constant 128 : i32
      %mul3A_1422 = arith.muli %while3A_1412, %mul3A_1421 : i32
      %add3A_1423 = arith.constant 0 : i32
      %add3A_1424 = arith.addi %mul3A_1422, %add3A_1423 : i32
      %get3A_1425 = arith.index_cast %add3A_1424 : i32 to index
      %get3A_1426 = tpu.vector_load %arg6[%get3A_1425] {strides = array<i32>} : memref<32768xf32, #tpu.memory_space<vmem>>, vector<16xf32>,
      %ge3A = arith.cmpf oge, %get3A_1426, %gather3A : vector<16xf32>
      %convert_element_type3A_1427 = arith.extui %ge3A : vector<16xi1> to vector<16xi32>
      %add3A_1428 = arith.addi %while3A_1413, %convert_element_type3A_1427 : vector<16xi32>
      %add3A_1429 = arith.constant 16 : i32
      %add3A_1430 = arith.addi %mul3A_1422, %add3A_1429 : i32
      %get3A_1431 = arith.index_cast %add3A_1430 : i32 to index
      %get3A_1432 = tpu.vector_load %arg6[%get3A_1431] {strides = array<i32>} : memref<32768xf32, #tpu.memory_space<vmem>>, vector<16xf32>,
      %ge3A_1433 = arith.cmpf oge, %get3A_1432, %gather3A : vector<16xf32>
      %convert_element_type3A_1434 = arith.extui %ge3A_1433 : vector<16xi1> to vector<16xi32>
      %add3A_1435 = arith.addi %while3A_1414, %convert_element_type3A_1434 : vector<16xi32>
      %add3A_1436 = arith.constant 32 : i32
      %add3A_1437 = arith.addi %mul3A_1422, %add3A_1436 : i32
      %get3A_1438 = arith.index_cast %add3A_1437 : i32 to index
      %get3A_1439 = tpu.vector_load %arg6[%get3A_1438] {strides = array<i32>} : memref<32768xf32, #tpu.memory_space<vmem>>, vector<16xf32>,
      %ge3A_1440 = arith.cmpf oge, %get3A_1439, %gather3A : vector<16xf32>
      %convert_element_type3A_1441 = arith.extui %ge3A_1440 : vector<16xi1> to vector<16xi32>
      %add3A_1442 = arith.addi %while3A_1415, %convert_element_type3A_1441 : vector<16xi32>
      %add3A_1443 = arith.constant 48 : i32
      %add3A_1444 = arith.addi %mul3A_1422, %add3A_1443 : i32
      %get3A_1445 = arith.index_cast %add3A_1444 : i32 to index
      %get3A_1446 = tpu.vector_load %arg6[%get3A_1445] {strides = array<i32>} : memref<32768xf32, #tpu.memory_space<vmem>>, vector<16xf32>,
      %ge3A_1447 = arith.cmpf oge, %get3A_1446, %gather3A : vector<16xf32>
      %convert_element_type3A_1448 = arith.extui %ge3A_1447 : vector<16xi1> to vector<16xi32>
      %add3A_1449 = arith.addi %while3A_1416, %convert_element_type3A_1448 : vector<16xi32>
      %add3A_1450 = arith.constant 64 : i32
      %add3A_1451 = arith.addi %mul3A_1422, %add3A_1450 : i32
      %get3A_1452 = arith.index_cast %add3A_1451 : i32 to index
      %get3A_1453 = tpu.vector_load %arg6[%get3A_1452] {strides = array<i32>} : memref<32768xf32, #tpu.memory_space<vmem>>, vector<16xf32>,
      %ge3A_1454 = arith.cmpf oge, %get3A_1453, %gather3A : vector<16xf32>
      %convert_element_type3A_1455 = arith.extui %ge3A_1454 : vector<16xi1> to vector<16xi32>
      %add3A_1456 = arith.addi %while3A_1417, %convert_element_type3A_1455 : vector<16xi32>
      %add3A_1457 = arith.constant 80 : i32
      %add3A_1458 = arith.addi %mul3A_1422, %add3A_1457 : i32
      %get3A_1459 = arith.index_cast %add3A_1458 : i32 to index
      %get3A_1460 = tpu.vector_load %arg6[%get3A_1459] {strides = array<i32>} : memref<32768xf32, #tpu.memory_space<vmem>>, vector<16xf32>,
      %ge3A_1461 = arith.cmpf oge, %get3A_1460, %gather3A : vector<16xf32>
      %convert_element_type3A_1462 = arith.extui %ge3A_1461 : vector<16xi1> to vector<16xi32>
      %add3A_1463 = arith.addi %while3A_1418, %convert_element_type3A_1462 : vector<16xi32>
      %add3A_1464 = arith.constant 96 : i32
      %add3A_1465 = arith.addi %mul3A_1422, %add3A_1464 : i32
      %get3A_1466 = arith.index_cast %add3A_1465 : i32 to index
      %get3A_1467 = tpu.vector_load %arg6[%get3A_1466] {strides = array<i32>} : memref<32768xf32, #tpu.memory_space<vmem>>, vector<16xf32>,
      %ge3A_1468 = arith.cmpf oge, %get3A_1467, %gather3A : vector<16xf32>
      %convert_element_type3A_1469 = arith.extui %ge3A_1468 : vector<16xi1> to vector<16xi32>
      %add3A_1470 = arith.addi %while3A_1419, %convert_element_type3A_1469 : vector<16xi32>
      %add3A_1471 = arith.constant 112 : i32
      %add3A_1472 = arith.addi %mul3A_1422, %add3A_1471 : i32
      %get3A_1473 = arith.index_cast %add3A_1472 : i32 to index
      %get3A_1474 = tpu.vector_load %arg6[%get3A_1473] {strides = array<i32>} : memref<32768xf32, #tpu.memory_space<vmem>>, vector<16xf32>,
      %ge3A_1475 = arith.cmpf oge, %get3A_1474, %gather3A : vector<16xf32>
      %convert_element_type3A_1476 = arith.extui %ge3A_1475 : vector<16xi1> to vector<16xi32>
      %add3A_1477 = arith.addi %while3A_1420, %convert_element_type3A_1476 : vector<16xi32>
      scf.yield %add3A_1428, %add3A_1435, %add3A_1442, %add3A_1449, %add3A_1456, %add3A_1463, %add3A_1470, %add3A_1477 : vector<16xi32>, vector<16xi32>, vector<16xi32>, vector<16xi32>, vector<16xi32>, vector<16xi32>, vector<16xi32>, vector<16xi32>
    }
    %while3A_323 = arith.constant 1 : i32
    %while3A_324:8 = scf.for %while3A_1412 = %while3A_320 to %while3A_316 step %while3A_323 iter_args(%while3A_1413 = %while3A_322#0, %while3A_1414 = %while3A_322#1, %while3A_1415 = %while3A_322#2, %while3A_1416 = %while3A_322#3, %while3A_1417 = %while3A_322#4, %while3A_1418 = %while3A_322#5, %while3A_1419 = %while3A_322#6, %while3A_1420 = %while3A_322#7) -> (vector<16xi32>, vector<16xi32>, vector<16xi32>, vector<16xi32>, vector<16xi32>, vector<16xi32>, vector<16xi32>, vector<16xi32>)  : i32 {
      %mul3A_1421 = arith.constant 128 : i32
      %mul3A_1422 = arith.muli %while3A_1412, %mul3A_1421 : i32
      %add3A_1423 = arith.constant 0 : i32
      %add3A_1424 = arith.addi %mul3A_1422, %add3A_1423 : i32
      %get3A_1425 = arith.index_cast %add3A_1424 : i32 to index
      %get3A_1426 = tpu.vector_load %arg6[%get3A_1425] {strides = array<i32>} : memref<32768xf32, #tpu.memory_space<vmem>>, vector<16xf32>,
      %ge3A = arith.cmpf oge, %get3A_1426, %gather3A : vector<16xf32>
      %convert_element_type3A_1427 = arith.extui %ge3A : vector<16xi1> to vector<16xi32>
      %add3A_1428 = arith.addi %while3A_1413, %convert_element_type3A_1427 : vector<16xi32>
      %add3A_1429 = arith.constant 16 : i32
      %add3A_1430 = arith.addi %mul3A_1422, %add3A_1429 : i32
      %get3A_1431 = arith.index_cast %add3A_1430 : i32 to index
      %get3A_1432 = tpu.vector_load %arg6[%get3A_1431] {strides = array<i32>} : memref<32768xf32, #tpu.memory_space<vmem>>, vector<16xf32>,
      %ge3A_1433 = arith.cmpf oge, %get3A_1432, %gather3A : vector<16xf32>
      %convert_element_type3A_1434 = arith.extui %ge3A_1433 : vector<16xi1> to vector<16xi32>
      %add3A_1435 = arith.addi %while3A_1414, %convert_element_type3A_1434 : vector<16xi32>
      %add3A_1436 = arith.constant 32 : i32
      %add3A_1437 = arith.addi %mul3A_1422, %add3A_1436 : i32
      %get3A_1438 = arith.index_cast %add3A_1437 : i32 to index
      %get3A_1439 = tpu.vector_load %arg6[%get3A_1438] {strides = array<i32>} : memref<32768xf32, #tpu.memory_space<vmem>>, vector<16xf32>,
      %ge3A_1440 = arith.cmpf oge, %get3A_1439, %gather3A : vector<16xf32>
      %convert_element_type3A_1441 = arith.extui %ge3A_1440 : vector<16xi1> to vector<16xi32>
      %add3A_1442 = arith.addi %while3A_1415, %convert_element_type3A_1441 : vector<16xi32>
      %add3A_1443 = arith.constant 48 : i32
      %add3A_1444 = arith.addi %mul3A_1422, %add3A_1443 : i32
      %get3A_1445 = arith.index_cast %add3A_1444 : i32 to index
      %get3A_1446 = tpu.vector_load %arg6[%get3A_1445] {strides = array<i32>} : memref<32768xf32, #tpu.memory_space<vmem>>, vector<16xf32>,
      %ge3A_1447 = arith.cmpf oge, %get3A_1446, %gather3A : vector<16xf32>
      %convert_element_type3A_1448 = arith.extui %ge3A_1447 : vector<16xi1> to vector<16xi32>
      %add3A_1449 = arith.addi %while3A_1416, %convert_element_type3A_1448 : vector<16xi32>
      %add3A_1450 = arith.constant 64 : i32
      %add3A_1451 = arith.addi %mul3A_1422, %add3A_1450 : i32
      %get3A_1452 = arith.index_cast %add3A_1451 : i32 to index
      %get3A_1453 = tpu.vector_load %arg6[%get3A_1452] {strides = array<i32>} : memref<32768xf32, #tpu.memory_space<vmem>>, vector<16xf32>,
      %ge3A_1454 = arith.cmpf oge, %get3A_1453, %gather3A : vector<16xf32>
      %convert_element_type3A_1455 = arith.extui %ge3A_1454 : vector<16xi1> to vector<16xi32>
      %add3A_1456 = arith.addi %while3A_1417, %convert_element_type3A_1455 : vector<16xi32>
      %add3A_1457 = arith.constant 80 : i32
      %add3A_1458 = arith.addi %mul3A_1422, %add3A_1457 : i32
      %get3A_1459 = arith.index_cast %add3A_1458 : i32 to index
      %get3A_1460 = tpu.vector_load %arg6[%get3A_1459] {strides = array<i32>} : memref<32768xf32, #tpu.memory_space<vmem>>, vector<16xf32>,
      %ge3A_1461 = arith.cmpf oge, %get3A_1460, %gather3A : vector<16xf32>
      %convert_element_type3A_1462 = arith.extui %ge3A_1461 : vector<16xi1> to vector<16xi32>
      %add3A_1463 = arith.addi %while3A_1418, %convert_element_type3A_1462 : vector<16xi32>
      %add3A_1464 = arith.constant 96 : i32
      %add3A_1465 = arith.addi %mul3A_1422, %add3A_1464 : i32
      %get3A_1466 = arith.index_cast %add3A_1465 : i32 to index
      %get3A_1467 = tpu.vector_load %arg6[%get3A_1466] {strides = array<i32>} : memref<32768xf32, #tpu.memory_space<vmem>>, vector<16xf32>,
      %ge3A_1468 = arith.cmpf oge, %get3A_1467, %gather3A : vector<16xf32>
      %convert_element_type3A_1469 = arith.extui %ge3A_1468 : vector<16xi1> to vector<16xi32>
      %add3A_1470 = arith.addi %while3A_1419, %convert_element_type3A_1469 : vector<16xi32>
      %add3A_1471 = arith.constant 112 : i32
      %add3A_1472 = arith.addi %mul3A_1422, %add3A_1471 : i32
      %get3A_1473 = arith.index_cast %add3A_1472 : i32 to index
      %get3A_1474 = tpu.vector_load %arg6[%get3A_1473] {strides = array<i32>} : memref<32768xf32, #tpu.memory_space<vmem>>, vector<16xf32>,
      %ge3A_1475 = arith.cmpf oge, %get3A_1474, %gather3A : vector<16xf32>
      %convert_element_type3A_1476 = arith.extui %ge3A_1475 : vector<16xi1> to vector<16xi32>
      %add3A_1477 = arith.addi %while3A_1420, %convert_element_type3A_1476 : vector<16xi32>
      scf.yield %add3A_1428, %add3A_1435, %add3A_1442, %add3A_1449, %add3A_1456, %add3A_1463, %add3A_1470, %add3A_1477 : vector<16xi32>, vector<16xi32>, vector<16xi32>, vector<16xi32>, vector<16xi32>, vector<16xi32>, vector<16xi32>, vector<16xi32>
    }
    %add3A_325 = arith.constant 1 : i32
    %add3A_326 = arith.addi %select_n3A_298, %add3A_325 : i32
    %while3A_327 = arith.constant 256 : i32
    %while3A_328 = arith.subi %while3A_327, %add3A_326 : i32
    %while3A_329 = arith.addi %add3A_326, %while3A_328 : i32
    %while3A_330 = arith.constant 1 : i32
    %while3A_331 = arith.divsi %while3A_328, %while3A_330 : i32
    %while3A_332 = arith.muli %while3A_331, %while3A_330 : i32
    %while3A_333 = arith.addi %add3A_326, %while3A_332 : i32
    %while3A_334 = arith.constant 1 : i32
    %while3A_335:8 = scf.for %while3A_1412 = %add3A_326 to %while3A_333 step %while3A_334 iter_args(%while3A_1413 = %while3A_324#0, %while3A_1414 = %while3A_324#1, %while3A_1415 = %while3A_324#2, %while3A_1416 = %while3A_324#3, %while3A_1417 = %while3A_324#4, %while3A_1418 = %while3A_324#5, %while3A_1419 = %while3A_324#6, %while3A_1420 = %while3A_324#7) -> (vector<16xi32>, vector<16xi32>, vector<16xi32>, vector<16xi32>, vector<16xi32>, vector<16xi32>, vector<16xi32>, vector<16xi32>)  : i32 {
      %mul3A_1421 = arith.constant 128 : i32
      %mul3A_1422 = arith.muli %while3A_1412, %mul3A_1421 : i32
      %add3A_1423 = arith.constant 0 : i32
      %add3A_1424 = arith.addi %mul3A_1422, %add3A_1423 : i32
      %get3A_1425 = arith.index_cast %add3A_1424 : i32 to index
      %get3A_1426 = tpu.vector_load %arg6[%get3A_1425] {strides = array<i32>} : memref<32768xf32, #tpu.memory_space<vmem>>, vector<16xf32>,
      %gt3A_1427 = arith.cmpf ogt, %get3A_1426, %gather3A : vector<16xf32>
      %convert_element_type3A_1428 = arith.extui %gt3A_1427 : vector<16xi1> to vector<16xi32>
      %add3A_1429 = arith.addi %while3A_1413, %convert_element_type3A_1428 : vector<16xi32>
      %add3A_1430 = arith.constant 16 : i32
      %add3A_1431 = arith.addi %mul3A_1422, %add3A_1430 : i32
      %get3A_1432 = arith.index_cast %add3A_1431 : i32 to index
      %get3A_1433 = tpu.vector_load %arg6[%get3A_1432] {strides = array<i32>} : memref<32768xf32, #tpu.memory_space<vmem>>, vector<16xf32>,
      %gt3A_1434 = arith.cmpf ogt, %get3A_1433, %gather3A : vector<16xf32>
      %convert_element_type3A_1435 = arith.extui %gt3A_1434 : vector<16xi1> to vector<16xi32>
      %add3A_1436 = arith.addi %while3A_1414, %convert_element_type3A_1435 : vector<16xi32>
      %add3A_1437 = arith.constant 32 : i32
      %add3A_1438 = arith.addi %mul3A_1422, %add3A_1437 : i32
      %get3A_1439 = arith.index_cast %add3A_1438 : i32 to index
      %get3A_1440 = tpu.vector_load %arg6[%get3A_1439] {strides = array<i32>} : memref<32768xf32, #tpu.memory_space<vmem>>, vector<16xf32>,
      %gt3A_1441 = arith.cmpf ogt, %get3A_1440, %gather3A : vector<16xf32>
      %convert_element_type3A_1442 = arith.extui %gt3A_1441 : vector<16xi1> to vector<16xi32>
      %add3A_1443 = arith.addi %while3A_1415, %convert_element_type3A_1442 : vector<16xi32>
      %add3A_1444 = arith.constant 48 : i32
      %add3A_1445 = arith.addi %mul3A_1422, %add3A_1444 : i32
      %get3A_1446 = arith.index_cast %add3A_1445 : i32 to index
      %get3A_1447 = tpu.vector_load %arg6[%get3A_1446] {strides = array<i32>} : memref<32768xf32, #tpu.memory_space<vmem>>, vector<16xf32>,
      %gt3A_1448 = arith.cmpf ogt, %get3A_1447, %gather3A : vector<16xf32>
      %convert_element_type3A_1449 = arith.extui %gt3A_1448 : vector<16xi1> to vector<16xi32>
      %add3A_1450 = arith.addi %while3A_1416, %convert_element_type3A_1449 : vector<16xi32>
      %add3A_1451 = arith.constant 64 : i32
      %add3A_1452 = arith.addi %mul3A_1422, %add3A_1451 : i32
      %get3A_1453 = arith.index_cast %add3A_1452 : i32 to index
      %get3A_1454 = tpu.vector_load %arg6[%get3A_1453] {strides = array<i32>} : memref<32768xf32, #tpu.memory_space<vmem>>, vector<16xf32>,
      %gt3A_1455 = arith.cmpf ogt, %get3A_1454, %gather3A : vector<16xf32>
      %convert_element_type3A_1456 = arith.extui %gt3A_1455 : vector<16xi1> to vector<16xi32>
      %add3A_1457 = arith.addi %while3A_1417, %convert_element_type3A_1456 : vector<16xi32>
      %add3A_1458 = arith.constant 80 : i32
      %add3A_1459 = arith.addi %mul3A_1422, %add3A_1458 : i32
      %get3A_1460 = arith.index_cast %add3A_1459 : i32 to index
      %get3A_1461 = tpu.vector_load %arg6[%get3A_1460] {strides = array<i32>} : memref<32768xf32, #tpu.memory_space<vmem>>, vector<16xf32>,
      %gt3A_1462 = arith.cmpf ogt, %get3A_1461, %gather3A : vector<16xf32>
      %convert_element_type3A_1463 = arith.extui %gt3A_1462 : vector<16xi1> to vector<16xi32>
      %add3A_1464 = arith.addi %while3A_1418, %convert_element_type3A_1463 : vector<16xi32>
      %add3A_1465 = arith.constant 96 : i32
      %add3A_1466 = arith.addi %mul3A_1422, %add3A_1465 : i32
      %get3A_1467 = arith.index_cast %add3A_1466 : i32 to index
      %get3A_1468 = tpu.vector_load %arg6[%get3A_1467] {strides = array<i32>} : memref<32768xf32, #tpu.memory_space<vmem>>, vector<16xf32>,
      %gt3A_1469 = arith.cmpf ogt, %get3A_1468, %gather3A : vector<16xf32>
      %convert_element_type3A_1470 = arith.extui %gt3A_1469 : vector<16xi1> to vector<16xi32>
      %add3A_1471 = arith.addi %while3A_1419, %convert_element_type3A_1470 : vector<16xi32>
      %add3A_1472 = arith.constant 112 : i32
      %add3A_1473 = arith.addi %mul3A_1422, %add3A_1472 : i32
      %get3A_1474 = arith.index_cast %add3A_1473 : i32 to index
      %get3A_1475 = tpu.vector_load %arg6[%get3A_1474] {strides = array<i32>} : memref<32768xf32, #tpu.memory_space<vmem>>, vector<16xf32>,
      %gt3A_1476 = arith.cmpf ogt, %get3A_1475, %gather3A : vector<16xf32>
      %convert_element_type3A_1477 = arith.extui %gt3A_1476 : vector<16xi1> to vector<16xi32>
      %add3A_1478 = arith.addi %while3A_1420, %convert_element_type3A_1477 : vector<16xi32>
      scf.yield %add3A_1429, %add3A_1436, %add3A_1443, %add3A_1450, %add3A_1457, %add3A_1464, %add3A_1471, %add3A_1478 : vector<16xi32>, vector<16xi32>, vector<16xi32>, vector<16xi32>, vector<16xi32>, vector<16xi32>, vector<16xi32>, vector<16xi32>
    }
    %while3A_336 = arith.constant 1 : i32
    %while3A_337:8 = scf.for %while3A_1412 = %while3A_333 to %while3A_329 step %while3A_336 iter_args(%while3A_1413 = %while3A_335#0, %while3A_1414 = %while3A_335#1, %while3A_1415 = %while3A_335#2, %while3A_1416 = %while3A_335#3, %while3A_1417 = %while3A_335#4, %while3A_1418 = %while3A_335#5, %while3A_1419 = %while3A_335#6, %while3A_1420 = %while3A_335#7) -> (vector<16xi32>, vector<16xi32>, vector<16xi32>, vector<16xi32>, vector<16xi32>, vector<16xi32>, vector<16xi32>, vector<16xi32>)  : i32 {
      %mul3A_1421 = arith.constant 128 : i32
      %mul3A_1422 = arith.muli %while3A_1412, %mul3A_1421 : i32
      %add3A_1423 = arith.constant 0 : i32
      %add3A_1424 = arith.addi %mul3A_1422, %add3A_1423 : i32
      %get3A_1425 = arith.index_cast %add3A_1424 : i32 to index
      %get3A_1426 = tpu.vector_load %arg6[%get3A_1425] {strides = array<i32>} : memref<32768xf32, #tpu.memory_space<vmem>>, vector<16xf32>,
      %gt3A_1427 = arith.cmpf ogt, %get3A_1426, %gather3A : vector<16xf32>
      %convert_element_type3A_1428 = arith.extui %gt3A_1427 : vector<16xi1> to vector<16xi32>
      %add3A_1429 = arith.addi %while3A_1413, %convert_element_type3A_1428 : vector<16xi32>
      %add3A_1430 = arith.constant 16 : i32
      %add3A_1431 = arith.addi %mul3A_1422, %add3A_1430 : i32
      %get3A_1432 = arith.index_cast %add3A_1431 : i32 to index
      %get3A_1433 = tpu.vector_load %arg6[%get3A_1432] {strides = array<i32>} : memref<32768xf32, #tpu.memory_space<vmem>>, vector<16xf32>,
      %gt3A_1434 = arith.cmpf ogt, %get3A_1433, %gather3A : vector<16xf32>
      %convert_element_type3A_1435 = arith.extui %gt3A_1434 : vector<16xi1> to vector<16xi32>
      %add3A_1436 = arith.addi %while3A_1414, %convert_element_type3A_1435 : vector<16xi32>
      %add3A_1437 = arith.constant 32 : i32
      %add3A_1438 = arith.addi %mul3A_1422, %add3A_1437 : i32
      %get3A_1439 = arith.index_cast %add3A_1438 : i32 to index
      %get3A_1440 = tpu.vector_load %arg6[%get3A_1439] {strides = array<i32>} : memref<32768xf32, #tpu.memory_space<vmem>>, vector<16xf32>,
      %gt3A_1441 = arith.cmpf ogt, %get3A_1440, %gather3A : vector<16xf32>
      %convert_element_type3A_1442 = arith.extui %gt3A_1441 : vector<16xi1> to vector<16xi32>
      %add3A_1443 = arith.addi %while3A_1415, %convert_element_type3A_1442 : vector<16xi32>
      %add3A_1444 = arith.constant 48 : i32
      %add3A_1445 = arith.addi %mul3A_1422, %add3A_1444 : i32
      %get3A_1446 = arith.index_cast %add3A_1445 : i32 to index
      %get3A_1447 = tpu.vector_load %arg6[%get3A_1446] {strides = array<i32>} : memref<32768xf32, #tpu.memory_space<vmem>>, vector<16xf32>,
      %gt3A_1448 = arith.cmpf ogt, %get3A_1447, %gather3A : vector<16xf32>
      %convert_element_type3A_1449 = arith.extui %gt3A_1448 : vector<16xi1> to vector<16xi32>
      %add3A_1450 = arith.addi %while3A_1416, %convert_element_type3A_1449 : vector<16xi32>
      %add3A_1451 = arith.constant 64 : i32
      %add3A_1452 = arith.addi %mul3A_1422, %add3A_1451 : i32
      %get3A_1453 = arith.index_cast %add3A_1452 : i32 to index
      %get3A_1454 = tpu.vector_load %arg6[%get3A_1453] {strides = array<i32>} : memref<32768xf32, #tpu.memory_space<vmem>>, vector<16xf32>,
      %gt3A_1455 = arith.cmpf ogt, %get3A_1454, %gather3A : vector<16xf32>
      %convert_element_type3A_1456 = arith.extui %gt3A_1455 : vector<16xi1> to vector<16xi32>
      %add3A_1457 = arith.addi %while3A_1417, %convert_element_type3A_1456 : vector<16xi32>
      %add3A_1458 = arith.constant 80 : i32
      %add3A_1459 = arith.addi %mul3A_1422, %add3A_1458 : i32
      %get3A_1460 = arith.index_cast %add3A_1459 : i32 to index
      %get3A_1461 = tpu.vector_load %arg6[%get3A_1460] {strides = array<i32>} : memref<32768xf32, #tpu.memory_space<vmem>>, vector<16xf32>,
      %gt3A_1462 = arith.cmpf ogt, %get3A_1461, %gather3A : vector<16xf32>
      %convert_element_type3A_1463 = arith.extui %gt3A_1462 : vector<16xi1> to vector<16xi32>
      %add3A_1464 = arith.addi %while3A_1418, %convert_element_type3A_1463 : vector<16xi32>
      %add3A_1465 = arith.constant 96 : i32
      %add3A_1466 = arith.addi %mul3A_1422, %add3A_1465 : i32
      %get3A_1467 = arith.index_cast %add3A_1466 : i32 to index
      %get3A_1468 = tpu.vector_load %arg6[%get3A_1467] {strides = array<i32>} : memref<32768xf32, #tpu.memory_space<vmem>>, vector<16xf32>,
      %gt3A_1469 = arith.cmpf ogt, %get3A_1468, %gather3A : vector<16xf32>
      %convert_element_type3A_1470 = arith.extui %gt3A_1469 : vector<16xi1> to vector<16xi32>
      %add3A_1471 = arith.addi %while3A_1419, %convert_element_type3A_1470 : vector<16xi32>
      %add3A_1472 = arith.constant 112 : i32
      %add3A_1473 = arith.addi %mul3A_1422, %add3A_1472 : i32
      %get3A_1474 = arith.index_cast %add3A_1473 : i32 to index
      %get3A_1475 = tpu.vector_load %arg6[%get3A_1474] {strides = array<i32>} : memref<32768xf32, #tpu.memory_space<vmem>>, vector<16xf32>,
      %gt3A_1476 = arith.cmpf ogt, %get3A_1475, %gather3A : vector<16xf32>
      %convert_element_type3A_1477 = arith.extui %gt3A_1476 : vector<16xi1> to vector<16xi32>
      %add3A_1478 = arith.addi %while3A_1420, %convert_element_type3A_1477 : vector<16xi32>
      scf.yield %add3A_1429, %add3A_1436, %add3A_1443, %add3A_1450, %add3A_1457, %add3A_1464, %add3A_1471, %add3A_1478 : vector<16xi32>, vector<16xi32>, vector<16xi32>, vector<16xi32>, vector<16xi32>, vector<16xi32>, vector<16xi32>, vector<16xi32>
    }
    %mul3A_338 = arith.constant 128 : i32
    %mul3A_339 = arith.muli %select_n3A_298, %mul3A_338 : i32
    %add3A_340 = arith.constant 0 : i32
    %add3A_341 = arith.addi %mul3A_339, %add3A_340 : i32
    %get3A = arith.index_cast %add3A_341 : i32 to index
    %get3A_342 = tpu.vector_load %arg6[%get3A] {strides = array<i32>} : memref<32768xf32, #tpu.memory_space<vmem>>, vector<16xf32>,
    %add3A_343 = vector.broadcast %mul3A_339 : i32 to vector<16xi32>
    %add3A_344 = arith.addi %add3A_5, %add3A_343 : vector<16xi32>
    %gt3A = arith.cmpf ogt, %get3A_342, %gather3A : vector<16xf32>
    %eq3A_345 = arith.cmpf oeq, %get3A_342, %gather3A : vector<16xf32>
    %lt3A = arith.cmpi slt, %add3A_344, %broadcast_in_dim3A_280 : vector<16xi32>
    %and3A_346 = arith.andi %eq3A_345, %lt3A : vector<16xi1>
    %or3A = arith.ori %gt3A, %and3A_346 : vector<16xi1>
    %convert_element_type3A = arith.extui %or3A : vector<16xi1> to vector<16xi32>
    %add3A_347 = arith.addi %convert_element_type3A, %while3A_337#0 : vector<16xi32>
    %reduce_sum3A = arith.constant true
    %reduce_sum3A_348 = vector.broadcast %reduce_sum3A : i1 to vector<16xi1>
    %reduce_sum3A_349 = tpu.scan <sum>, %add3A_347 masked %reduce_sum3A_348 : vector<16xi32>, vector<16xi1> -> vector<16xi32>
    %reduce_sum3A_350 = vector.extract %reduce_sum3A_349[15] : i32 from vector<16xi32>
    %add3A_351 = arith.constant 0 : i32
    %add3A_352 = arith.addi %add3A_351, %reduce_sum3A_350 : i32
    %add3A_353 = arith.constant 16 : i32
    %add3A_354 = arith.addi %mul3A_339, %add3A_353 : i32
    %get3A_355 = arith.index_cast %add3A_354 : i32 to index
    %get3A_356 = tpu.vector_load %arg6[%get3A_355] {strides = array<i32>} : memref<32768xf32, #tpu.memory_space<vmem>>, vector<16xf32>,
    %add3A_357 = vector.broadcast %mul3A_339 : i32 to vector<16xi32>
    %add3A_358 = arith.addi %add3A_8, %add3A_357 : vector<16xi32>
    %gt3A_359 = arith.cmpf ogt, %get3A_356, %gather3A : vector<16xf32>
    %eq3A_360 = arith.cmpf oeq, %get3A_356, %gather3A : vector<16xf32>
    %lt3A_361 = arith.cmpi slt, %add3A_358, %broadcast_in_dim3A_280 : vector<16xi32>
    %and3A_362 = arith.andi %eq3A_360, %lt3A_361 : vector<16xi1>
    %or3A_363 = arith.ori %gt3A_359, %and3A_362 : vector<16xi1>
    %convert_element_type3A_364 = arith.extui %or3A_363 : vector<16xi1> to vector<16xi32>
    %add3A_365 = arith.addi %convert_element_type3A_364, %while3A_337#1 : vector<16xi32>
    %reduce_sum3A_366 = arith.constant true
    %reduce_sum3A_367 = vector.broadcast %reduce_sum3A_366 : i1 to vector<16xi1>
    %reduce_sum3A_368 = tpu.scan <sum>, %add3A_365 masked %reduce_sum3A_367 : vector<16xi32>, vector<16xi1> -> vector<16xi32>
    %reduce_sum3A_369 = vector.extract %reduce_sum3A_368[15] : i32 from vector<16xi32>
    %add3A_370 = arith.addi %add3A_352, %reduce_sum3A_369 : i32
    %add3A_371 = arith.constant 32 : i32
    %add3A_372 = arith.addi %mul3A_339, %add3A_371 : i32
    %get3A_373 = arith.index_cast %add3A_372 : i32 to index
    %get3A_374 = tpu.vector_load %arg6[%get3A_373] {strides = array<i32>} : memref<32768xf32, #tpu.memory_space<vmem>>, vector<16xf32>,
    %add3A_375 = vector.broadcast %mul3A_339 : i32 to vector<16xi32>
    %add3A_376 = arith.addi %add3A_11, %add3A_375 : vector<16xi32>
    %gt3A_377 = arith.cmpf ogt, %get3A_374, %gather3A : vector<16xf32>
    %eq3A_378 = arith.cmpf oeq, %get3A_374, %gather3A : vector<16xf32>
    %lt3A_379 = arith.cmpi slt, %add3A_376, %broadcast_in_dim3A_280 : vector<16xi32>
    %and3A_380 = arith.andi %eq3A_378, %lt3A_379 : vector<16xi1>
    %or3A_381 = arith.ori %gt3A_377, %and3A_380 : vector<16xi1>
    %convert_element_type3A_382 = arith.extui %or3A_381 : vector<16xi1> to vector<16xi32>
    %add3A_383 = arith.addi %convert_element_type3A_382, %while3A_337#2 : vector<16xi32>
    %reduce_sum3A_384 = arith.constant true
    %reduce_sum3A_385 = vector.broadcast %reduce_sum3A_384 : i1 to vector<16xi1>
    %reduce_sum3A_386 = tpu.scan <sum>, %add3A_383 masked %reduce_sum3A_385 : vector<16xi32>, vector<16xi1> -> vector<16xi32>
    %reduce_sum3A_387 = vector.extract %reduce_sum3A_386[15] : i32 from vector<16xi32>
    %add3A_388 = arith.addi %add3A_370, %reduce_sum3A_387 : i32
    %add3A_389 = arith.constant 48 : i32
    %add3A_390 = arith.addi %mul3A_339, %add3A_389 : i32
    %get3A_391 = arith.index_cast %add3A_390 : i32 to index
    %get3A_392 = tpu.vector_load %arg6[%get3A_391] {strides = array<i32>} : memref<32768xf32, #tpu.memory_space<vmem>>, vector<16xf32>,
    %add3A_393 = vector.broadcast %mul3A_339 : i32 to vector<16xi32>
    %add3A_394 = arith.addi %add3A_14, %add3A_393 : vector<16xi32>
    %gt3A_395 = arith.cmpf ogt, %get3A_392, %gather3A : vector<16xf32>
    %eq3A_396 = arith.cmpf oeq, %get3A_392, %gather3A : vector<16xf32>
    %lt3A_397 = arith.cmpi slt, %add3A_394, %broadcast_in_dim3A_280 : vector<16xi32>
    %and3A_398 = arith.andi %eq3A_396, %lt3A_397 : vector<16xi1>
    %or3A_399 = arith.ori %gt3A_395, %and3A_398 : vector<16xi1>
    %convert_element_type3A_400 = arith.extui %or3A_399 : vector<16xi1> to vector<16xi32>
    %add3A_401 = arith.addi %convert_element_type3A_400, %while3A_337#3 : vector<16xi32>
    %reduce_sum3A_402 = arith.constant true
    %reduce_sum3A_403 = vector.broadcast %reduce_sum3A_402 : i1 to vector<16xi1>
    %reduce_sum3A_404 = tpu.scan <sum>, %add3A_401 masked %reduce_sum3A_403 : vector<16xi32>, vector<16xi1> -> vector<16xi32>
    %reduce_sum3A_405 = vector.extract %reduce_sum3A_404[15] : i32 from vector<16xi32>
    %add3A_406 = arith.addi %add3A_388, %reduce_sum3A_405 : i32
    %add3A_407 = arith.constant 64 : i32
    %add3A_408 = arith.addi %mul3A_339, %add3A_407 : i32
    %get3A_409 = arith.index_cast %add3A_408 : i32 to index
    %get3A_410 = tpu.vector_load %arg6[%get3A_409] {strides = array<i32>} : memref<32768xf32, #tpu.memory_space<vmem>>, vector<16xf32>,
    %add3A_411 = vector.broadcast %mul3A_339 : i32 to vector<16xi32>
    %add3A_412 = arith.addi %add3A_17, %add3A_411 : vector<16xi32>
    %gt3A_413 = arith.cmpf ogt, %get3A_410, %gather3A : vector<16xf32>
    %eq3A_414 = arith.cmpf oeq, %get3A_410, %gather3A : vector<16xf32>
    %lt3A_415 = arith.cmpi slt, %add3A_412, %broadcast_in_dim3A_280 : vector<16xi32>
    %and3A_416 = arith.andi %eq3A_414, %lt3A_415 : vector<16xi1>
    %or3A_417 = arith.ori %gt3A_413, %and3A_416 : vector<16xi1>
    %convert_element_type3A_418 = arith.extui %or3A_417 : vector<16xi1> to vector<16xi32>
    %add3A_419 = arith.addi %convert_element_type3A_418, %while3A_337#4 : vector<16xi32>
    %reduce_sum3A_420 = arith.constant true
    %reduce_sum3A_421 = vector.broadcast %reduce_sum3A_420 : i1 to vector<16xi1>
    %reduce_sum3A_422 = tpu.scan <sum>, %add3A_419 masked %reduce_sum3A_421 : vector<16xi32>, vector<16xi1> -> vector<16xi32>
    %reduce_sum3A_423 = vector.extract %reduce_sum3A_422[15] : i32 from vector<16xi32>
    %add3A_424 = arith.addi %add3A_406, %reduce_sum3A_423 : i32
    %add3A_425 = arith.constant 80 : i32
    %add3A_426 = arith.addi %mul3A_339, %add3A_425 : i32
    %get3A_427 = arith.index_cast %add3A_426 : i32 to index
    %get3A_428 = tpu.vector_load %arg6[%get3A_427] {strides = array<i32>} : memref<32768xf32, #tpu.memory_space<vmem>>, vector<16xf32>,
    %add3A_429 = vector.broadcast %mul3A_339 : i32 to vector<16xi32>
    %add3A_430 = arith.addi %add3A_20, %add3A_429 : vector<16xi32>
    %gt3A_431 = arith.cmpf ogt, %get3A_428, %gather3A : vector<16xf32>
    %eq3A_432 = arith.cmpf oeq, %get3A_428, %gather3A : vector<16xf32>
    %lt3A_433 = arith.cmpi slt, %add3A_430, %broadcast_in_dim3A_280 : vector<16xi32>
    %and3A_434 = arith.andi %eq3A_432, %lt3A_433 : vector<16xi1>
    %or3A_435 = arith.ori %gt3A_431, %and3A_434 : vector<16xi1>
    %convert_element_type3A_436 = arith.extui %or3A_435 : vector<16xi1> to vector<16xi32>
    %add3A_437 = arith.addi %convert_element_type3A_436, %while3A_337#5 : vector<16xi32>
    %reduce_sum3A_438 = arith.constant true
    %reduce_sum3A_439 = vector.broadcast %reduce_sum3A_438 : i1 to vector<16xi1>
    %reduce_sum3A_440 = tpu.scan <sum>, %add3A_437 masked %reduce_sum3A_439 : vector<16xi32>, vector<16xi1> -> vector<16xi32>
    %reduce_sum3A_441 = vector.extract %reduce_sum3A_440[15] : i32 from vector<16xi32>
    %add3A_442 = arith.addi %add3A_424, %reduce_sum3A_441 : i32
    %add3A_443 = arith.constant 96 : i32
    %add3A_444 = arith.addi %mul3A_339, %add3A_443 : i32
    %get3A_445 = arith.index_cast %add3A_444 : i32 to index
    %get3A_446 = tpu.vector_load %arg6[%get3A_445] {strides = array<i32>} : memref<32768xf32, #tpu.memory_space<vmem>>, vector<16xf32>,
    %add3A_447 = vector.broadcast %mul3A_339 : i32 to vector<16xi32>
    %add3A_448 = arith.addi %add3A_23, %add3A_447 : vector<16xi32>
    %gt3A_449 = arith.cmpf ogt, %get3A_446, %gather3A : vector<16xf32>
    %eq3A_450 = arith.cmpf oeq, %get3A_446, %gather3A : vector<16xf32>
    %lt3A_451 = arith.cmpi slt, %add3A_448, %broadcast_in_dim3A_280 : vector<16xi32>
    %and3A_452 = arith.andi %eq3A_450, %lt3A_451 : vector<16xi1>
    %or3A_453 = arith.ori %gt3A_449, %and3A_452 : vector<16xi1>
    %convert_element_type3A_454 = arith.extui %or3A_453 : vector<16xi1> to vector<16xi32>
    %add3A_455 = arith.addi %convert_element_type3A_454, %while3A_337#6 : vector<16xi32>
    %reduce_sum3A_456 = arith.constant true
    %reduce_sum3A_457 = vector.broadcast %reduce_sum3A_456 : i1 to vector<16xi1>
    %reduce_sum3A_458 = tpu.scan <sum>, %add3A_455 masked %reduce_sum3A_457 : vector<16xi32>, vector<16xi1> -> vector<16xi32>
    %reduce_sum3A_459 = vector.extract %reduce_sum3A_458[15] : i32 from vector<16xi32>
    %add3A_460 = arith.addi %add3A_442, %reduce_sum3A_459 : i32
    %add3A_461 = arith.constant 112 : i32
    %add3A_462 = arith.addi %mul3A_339, %add3A_461 : i32
    %get3A_463 = arith.index_cast %add3A_462 : i32 to index
    %get3A_464 = tpu.vector_load %arg6[%get3A_463] {strides = array<i32>} : memref<32768xf32, #tpu.memory_space<vmem>>, vector<16xf32>,
    %add3A_465 = vector.broadcast %mul3A_339 : i32 to vector<16xi32>
    %add3A_466 = arith.addi %add3A_26, %add3A_465 : vector<16xi32>
    %gt3A_467 = arith.cmpf ogt, %get3A_464, %gather3A : vector<16xf32>
    %eq3A_468 = arith.cmpf oeq, %get3A_464, %gather3A : vector<16xf32>
    %lt3A_469 = arith.cmpi slt, %add3A_466, %broadcast_in_dim3A_280 : vector<16xi32>
    %and3A_470 = arith.andi %eq3A_468, %lt3A_469 : vector<16xi1>
    %or3A_471 = arith.ori %gt3A_467, %and3A_470 : vector<16xi1>
    %convert_element_type3A_472 = arith.extui %or3A_471 : vector<16xi1> to vector<16xi32>
    %add3A_473 = arith.addi %convert_element_type3A_472, %while3A_337#7 : vector<16xi32>
    %reduce_sum3A_474 = arith.constant true
    %reduce_sum3A_475 = vector.broadcast %reduce_sum3A_474 : i1 to vector<16xi1>
    %reduce_sum3A_476 = tpu.scan <sum>, %add3A_473 masked %reduce_sum3A_475 : vector<16xi32>, vector<16xi1> -> vector<16xi32>
    %reduce_sum3A_477 = vector.extract %reduce_sum3A_476[15] : i32 from vector<16xi32>
    %add3A_478 = arith.addi %add3A_460, %reduce_sum3A_477 : i32
    %lt3A_479 = arith.constant 5 : i32
    %lt3A_480 = arith.cmpi slt, %add3A_478, %lt3A_479 : i32
    %jit3A_481 = arith.constant 1.000000e+00 : f32
    %jit3A_482 = arith.constant 0.000000e+00 : f32
    %select_n3A_483 = arith.select %lt3A_480, %jit3A_481, %jit3A_482 : f32
    %add3A_484 = arith.constant 0.000000e+00 : f32
    %add3A_485 = arith.addf %add3A_484, %select_n3A_483 : f32
    %add3A_486 = arith.constant 2 : i32
    %add3A_487 = arith.addi %mul3A_2, %add3A_486 : i32
    %mul3A_488 = arith.constant 32768 : i32
    %mul3A_489 = arith.muli %add3A_487, %mul3A_488 : i32
    %dma_start3A_490 = tpu.memref_slice %arg3[%mul3A_489] : memref<4194304xf32, #tpu.memory_space<hbm>> -> memref<32768xf32, #tpu.memory_space<hbm>>
    %dma_start3A_491 = tpu.memref_slice %arg3[%mul3A_489] : memref<4194304xf32, #tpu.memory_space<hbm>> -> memref<32768xf32, #tpu.memory_space<hbm>>
    tpu.enqueue_dma source(%dma_start3A_491 : memref<32768xf32, #tpu.memory_space<hbm>>) target(%arg6 : memref<32768xf32, #tpu.memory_space<vmem>>) target_semaphore(%arg10 : memref<!tpu.dma_semaphore, #tpu.memory_space<semaphore_mem>>)
    %add3A_492 = arith.constant 1 : i32
    %add3A_493 = arith.addi %mul3A_2, %add3A_492 : i32
    %mul3A_494 = arith.constant 32768 : i32
    %mul3A_495 = arith.muli %add3A_493, %mul3A_494 : i32
    %dma_wait3A_496 = tpu.memref_slice %arg3[%mul3A_495] : memref<4194304xf32, #tpu.memory_space<hbm>> -> memref<32768xf32, #tpu.memory_space<hbm>>
    %dma_wait3A_497 = tpu.memref_slice %arg3[%mul3A_495] : memref<4194304xf32, #tpu.memory_space<hbm>> -> memref<32768xf32, #tpu.memory_space<hbm>>
    tpu.wait_dma2 semaphore(%arg11 : memref<!tpu.dma_semaphore, #tpu.memory_space<semaphore_mem>>) src(%dma_wait3A_497 : memref<32768xf32, #tpu.memory_space<hbm>>) dst(%arg7 : memref<32768xf32, #tpu.memory_space<vmem>>)
    %broadcast_in_dim3A_498 = arith.constant -3.40282347E+38 : f32
    %broadcast_in_dim3A_499 = vector.broadcast %broadcast_in_dim3A_498 : f32 to vector<16xf32>
    %broadcast_in_dim3A_500 = arith.constant -3.40282347E+38 : f32
    %broadcast_in_dim3A_501 = vector.broadcast %broadcast_in_dim3A_500 : f32 to vector<16xf32>
    %broadcast_in_dim3A_502 = arith.constant -3.40282347E+38 : f32
    %broadcast_in_dim3A_503 = vector.broadcast %broadcast_in_dim3A_502 : f32 to vector<16xf32>
    %broadcast_in_dim3A_504 = arith.constant -3.40282347E+38 : f32
    %broadcast_in_dim3A_505 = vector.broadcast %broadcast_in_dim3A_504 : f32 to vector<16xf32>
    %broadcast_in_dim3A_506 = arith.constant -3.40282347E+38 : f32
    %broadcast_in_dim3A_507 = vector.broadcast %broadcast_in_dim3A_506 : f32 to vector<16xf32>
    %broadcast_in_dim3A_508 = arith.constant -3.40282347E+38 : f32
    %broadcast_in_dim3A_509 = vector.broadcast %broadcast_in_dim3A_508 : f32 to vector<16xf32>
    %broadcast_in_dim3A_510 = arith.constant -3.40282347E+38 : f32
    %broadcast_in_dim3A_511 = vector.broadcast %broadcast_in_dim3A_510 : f32 to vector<16xf32>
    %broadcast_in_dim3A_512 = arith.constant -3.40282347E+38 : f32
    %broadcast_in_dim3A_513 = vector.broadcast %broadcast_in_dim3A_512 : f32 to vector<16xf32>
    %broadcast_in_dim3A_514 = arith.constant 0 : i32
    %broadcast_in_dim3A_515 = vector.broadcast %broadcast_in_dim3A_514 : i32 to vector<16xi32>
    %broadcast_in_dim3A_516 = arith.constant 0 : i32
    %broadcast_in_dim3A_517 = vector.broadcast %broadcast_in_dim3A_516 : i32 to vector<16xi32>
    %broadcast_in_dim3A_518 = arith.constant 0 : i32
    %broadcast_in_dim3A_519 = vector.broadcast %broadcast_in_dim3A_518 : i32 to vector<16xi32>
    %broadcast_in_dim3A_520 = arith.constant 0 : i32
    %broadcast_in_dim3A_521 = vector.broadcast %broadcast_in_dim3A_520 : i32 to vector<16xi32>
    %broadcast_in_dim3A_522 = arith.constant 0 : i32
    %broadcast_in_dim3A_523 = vector.broadcast %broadcast_in_dim3A_522 : i32 to vector<16xi32>
    %broadcast_in_dim3A_524 = arith.constant 0 : i32
    %broadcast_in_dim3A_525 = vector.broadcast %broadcast_in_dim3A_524 : i32 to vector<16xi32>
    %broadcast_in_dim3A_526 = arith.constant 0 : i32
    %broadcast_in_dim3A_527 = vector.broadcast %broadcast_in_dim3A_526 : i32 to vector<16xi32>
    %broadcast_in_dim3A_528 = arith.constant 0 : i32
    %broadcast_in_dim3A_529 = vector.broadcast %broadcast_in_dim3A_528 : i32 to vector<16xi32>
    %scan3A_530 = arith.constant 0 : i32
    %scan3A_531 = arith.constant 256 : i32
    %scan3A_532 = arith.addi %scan3A_530, %scan3A_531 : i32
    %scan3A_533 = arith.constant 1 : i32
    %scan3A_534:16 = scf.for %scan3A_1412 = %scan3A_530 to %scan3A_532 step %scan3A_533 iter_args(%scan3A_1413 = %broadcast_in_dim3A_499, %scan3A_1414 = %broadcast_in_dim3A_501, %scan3A_1415 = %broadcast_in_dim3A_503, %scan3A_1416 = %broadcast_in_dim3A_505, %scan3A_1417 = %broadcast_in_dim3A_507, %scan3A_1418 = %broadcast_in_dim3A_509, %scan3A_1419 = %broadcast_in_dim3A_511, %scan3A_1420 = %broadcast_in_dim3A_513, %scan3A_1421 = %broadcast_in_dim3A_515, %scan3A_1422 = %broadcast_in_dim3A_517, %scan3A_1423 = %broadcast_in_dim3A_519, %scan3A_1424 = %broadcast_in_dim3A_521, %scan3A_1425 = %broadcast_in_dim3A_523, %scan3A_1426 = %broadcast_in_dim3A_525, %scan3A_1427 = %broadcast_in_dim3A_527, %scan3A_1428 = %broadcast_in_dim3A_529) -> (vector<16xf32>, vector<16xf32>, vector<16xf32>, vector<16xf32>, vector<16xf32>, vector<16xf32>, vector<16xf32>, vector<16xf32>, vector<16xi32>, vector<16xi32>, vector<16xi32>, vector<16xi32>, vector<16xi32>, vector<16xi32>, vector<16xi32>, vector<16xi32>)  : i32 {
      %mul3A_1429 = arith.constant 128 : i32
      %mul3A_1430 = arith.muli %scan3A_1412, %mul3A_1429 : i32
      %broadcast_in_dim3A_1431 = vector.broadcast %scan3A_1412 : i32 to vector<16xi32>
      %add3A_1432 = arith.constant 0 : i32
      %add3A_1433 = arith.addi %mul3A_1430, %add3A_1432 : i32
      %get3A_1434 = arith.index_cast %add3A_1433 : i32 to index
      %get3A_1435 = tpu.vector_load %arg7[%get3A_1434] {strides = array<i32>} : memref<32768xf32, #tpu.memory_space<vmem>>, vector<16xf32>,
      %gt3A_1436 = arith.cmpf ogt, %get3A_1435, %scan3A_1413 : vector<16xf32>
      %select_n3A_1437 = arith.select %gt3A_1436, %get3A_1435, %scan3A_1413 : vector<16xi1>, vector<16xf32>
      %select_n3A_1438 = arith.select %gt3A_1436, %broadcast_in_dim3A_1431, %scan3A_1421 : vector<16xi1>, vector<16xi32>
      %add3A_1439 = arith.constant 16 : i32
      %add3A_1440 = arith.addi %mul3A_1430, %add3A_1439 : i32
      %get3A_1441 = arith.index_cast %add3A_1440 : i32 to index
      %get3A_1442 = tpu.vector_load %arg7[%get3A_1441] {strides = array<i32>} : memref<32768xf32, #tpu.memory_space<vmem>>, vector<16xf32>,
      %gt3A_1443 = arith.cmpf ogt, %get3A_1442, %scan3A_1414 : vector<16xf32>
      %select_n3A_1444 = arith.select %gt3A_1443, %get3A_1442, %scan3A_1414 : vector<16xi1>, vector<16xf32>
      %select_n3A_1445 = arith.select %gt3A_1443, %broadcast_in_dim3A_1431, %scan3A_1422 : vector<16xi1>, vector<16xi32>
      %add3A_1446 = arith.constant 32 : i32
      %add3A_1447 = arith.addi %mul3A_1430, %add3A_1446 : i32
      %get3A_1448 = arith.index_cast %add3A_1447 : i32 to index
      %get3A_1449 = tpu.vector_load %arg7[%get3A_1448] {strides = array<i32>} : memref<32768xf32, #tpu.memory_space<vmem>>, vector<16xf32>,
      %gt3A_1450 = arith.cmpf ogt, %get3A_1449, %scan3A_1415 : vector<16xf32>
      %select_n3A_1451 = arith.select %gt3A_1450, %get3A_1449, %scan3A_1415 : vector<16xi1>, vector<16xf32>
      %select_n3A_1452 = arith.select %gt3A_1450, %broadcast_in_dim3A_1431, %scan3A_1423 : vector<16xi1>, vector<16xi32>
      %add3A_1453 = arith.constant 48 : i32
      %add3A_1454 = arith.addi %mul3A_1430, %add3A_1453 : i32
      %get3A_1455 = arith.index_cast %add3A_1454 : i32 to index
      %get3A_1456 = tpu.vector_load %arg7[%get3A_1455] {strides = array<i32>} : memref<32768xf32, #tpu.memory_space<vmem>>, vector<16xf32>,
      %gt3A_1457 = arith.cmpf ogt, %get3A_1456, %scan3A_1416 : vector<16xf32>
      %select_n3A_1458 = arith.select %gt3A_1457, %get3A_1456, %scan3A_1416 : vector<16xi1>, vector<16xf32>
      %select_n3A_1459 = arith.select %gt3A_1457, %broadcast_in_dim3A_1431, %scan3A_1424 : vector<16xi1>, vector<16xi32>
      %add3A_1460 = arith.constant 64 : i32
      %add3A_1461 = arith.addi %mul3A_1430, %add3A_1460 : i32
      %get3A_1462 = arith.index_cast %add3A_1461 : i32 to index
      %get3A_1463 = tpu.vector_load %arg7[%get3A_1462] {strides = array<i32>} : memref<32768xf32, #tpu.memory_space<vmem>>, vector<16xf32>,
      %gt3A_1464 = arith.cmpf ogt, %get3A_1463, %scan3A_1417 : vector<16xf32>
      %select_n3A_1465 = arith.select %gt3A_1464, %get3A_1463, %scan3A_1417 : vector<16xi1>, vector<16xf32>
      %select_n3A_1466 = arith.select %gt3A_1464, %broadcast_in_dim3A_1431, %scan3A_1425 : vector<16xi1>, vector<16xi32>
      %add3A_1467 = arith.constant 80 : i32
      %add3A_1468 = arith.addi %mul3A_1430, %add3A_1467 : i32
      %get3A_1469 = arith.index_cast %add3A_1468 : i32 to index
      %get3A_1470 = tpu.vector_load %arg7[%get3A_1469] {strides = array<i32>} : memref<32768xf32, #tpu.memory_space<vmem>>, vector<16xf32>,
      %gt3A_1471 = arith.cmpf ogt, %get3A_1470, %scan3A_1418 : vector<16xf32>
      %select_n3A_1472 = arith.select %gt3A_1471, %get3A_1470, %scan3A_1418 : vector<16xi1>, vector<16xf32>
      %select_n3A_1473 = arith.select %gt3A_1471, %broadcast_in_dim3A_1431, %scan3A_1426 : vector<16xi1>, vector<16xi32>
      %add3A_1474 = arith.constant 96 : i32
      %add3A_1475 = arith.addi %mul3A_1430, %add3A_1474 : i32
      %get3A_1476 = arith.index_cast %add3A_1475 : i32 to index
      %get3A_1477 = tpu.vector_load %arg7[%get3A_1476] {strides = array<i32>} : memref<32768xf32, #tpu.memory_space<vmem>>, vector<16xf32>,
      %gt3A_1478 = arith.cmpf ogt, %get3A_1477, %scan3A_1419 : vector<16xf32>
      %select_n3A_1479 = arith.select %gt3A_1478, %get3A_1477, %scan3A_1419 : vector<16xi1>, vector<16xf32>
      %select_n3A_1480 = arith.select %gt3A_1478, %broadcast_in_dim3A_1431, %scan3A_1427 : vector<16xi1>, vector<16xi32>
      %add3A_1481 = arith.constant 112 : i32
      %add3A_1482 = arith.addi %mul3A_1430, %add3A_1481 : i32
      %get3A_1483 = arith.index_cast %add3A_1482 : i32 to index
      %get3A_1484 = tpu.vector_load %arg7[%get3A_1483] {strides = array<i32>} : memref<32768xf32, #tpu.memory_space<vmem>>, vector<16xf32>,
      %gt3A_1485 = arith.cmpf ogt, %get3A_1484, %scan3A_1420 : vector<16xf32>
      %select_n3A_1486 = arith.select %gt3A_1485, %get3A_1484, %scan3A_1420 : vector<16xi1>, vector<16xf32>
      %select_n3A_1487 = arith.select %gt3A_1485, %broadcast_in_dim3A_1431, %scan3A_1428 : vector<16xi1>, vector<16xi32>
      scf.yield %select_n3A_1437, %select_n3A_1444, %select_n3A_1451, %select_n3A_1458, %select_n3A_1465, %select_n3A_1472, %select_n3A_1479, %select_n3A_1486, %select_n3A_1438, %select_n3A_1445, %select_n3A_1452, %select_n3A_1459, %select_n3A_1466, %select_n3A_1473, %select_n3A_1480, %select_n3A_1487 : vector<16xf32>, vector<16xf32>, vector<16xf32>, vector<16xf32>, vector<16xf32>, vector<16xf32>, vector<16xf32>, vector<16xf32>, vector<16xi32>, vector<16xi32>, vector<16xi32>, vector<16xi32>, vector<16xi32>, vector<16xi32>, vector<16xi32>, vector<16xi32>
    }
    %scan3A_535 = arith.constant 256 : i32
    %reduce_max3A_536 = arith.constant true
    %reduce_max3A_537 = vector.broadcast %reduce_max3A_536 : i1 to vector<16xi1>
    %reduce_max3A_538 = tpu.scan <max>, %scan3A_534#0 masked %reduce_max3A_537 : vector<16xf32>, vector<16xi1> -> vector<16xf32>
    %reduce_max3A_539 = vector.extract %reduce_max3A_538[15] : f32 from vector<16xf32>
    %reduce_max3A_540 = arith.constant true
    %reduce_max3A_541 = vector.broadcast %reduce_max3A_540 : i1 to vector<16xi1>
    %reduce_max3A_542 = tpu.scan <max>, %scan3A_534#1 masked %reduce_max3A_541 : vector<16xf32>, vector<16xi1> -> vector<16xf32>
    %reduce_max3A_543 = vector.extract %reduce_max3A_542[15] : f32 from vector<16xf32>
    %max3A_544 = arith.maximumf %reduce_max3A_539, %reduce_max3A_543 : f32
    %reduce_max3A_545 = arith.constant true
    %reduce_max3A_546 = vector.broadcast %reduce_max3A_545 : i1 to vector<16xi1>
    %reduce_max3A_547 = tpu.scan <max>, %scan3A_534#2 masked %reduce_max3A_546 : vector<16xf32>, vector<16xi1> -> vector<16xf32>
    %reduce_max3A_548 = vector.extract %reduce_max3A_547[15] : f32 from vector<16xf32>
    %max3A_549 = arith.maximumf %max3A_544, %reduce_max3A_548 : f32
    %reduce_max3A_550 = arith.constant true
    %reduce_max3A_551 = vector.broadcast %reduce_max3A_550 : i1 to vector<16xi1>
    %reduce_max3A_552 = tpu.scan <max>, %scan3A_534#3 masked %reduce_max3A_551 : vector<16xf32>, vector<16xi1> -> vector<16xf32>
    %reduce_max3A_553 = vector.extract %reduce_max3A_552[15] : f32 from vector<16xf32>
    %max3A_554 = arith.maximumf %max3A_549, %reduce_max3A_553 : f32
    %reduce_max3A_555 = arith.constant true
    %reduce_max3A_556 = vector.broadcast %reduce_max3A_555 : i1 to vector<16xi1>
    %reduce_max3A_557 = tpu.scan <max>, %scan3A_534#4 masked %reduce_max3A_556 : vector<16xf32>, vector<16xi1> -> vector<16xf32>
    %reduce_max3A_558 = vector.extract %reduce_max3A_557[15] : f32 from vector<16xf32>
    %max3A_559 = arith.maximumf %max3A_554, %reduce_max3A_558 : f32
    %reduce_max3A_560 = arith.constant true
    %reduce_max3A_561 = vector.broadcast %reduce_max3A_560 : i1 to vector<16xi1>
    %reduce_max3A_562 = tpu.scan <max>, %scan3A_534#5 masked %reduce_max3A_561 : vector<16xf32>, vector<16xi1> -> vector<16xf32>
    %reduce_max3A_563 = vector.extract %reduce_max3A_562[15] : f32 from vector<16xf32>
    %max3A_564 = arith.maximumf %max3A_559, %reduce_max3A_563 : f32
    %reduce_max3A_565 = arith.constant true
    %reduce_max3A_566 = vector.broadcast %reduce_max3A_565 : i1 to vector<16xi1>
    %reduce_max3A_567 = tpu.scan <max>, %scan3A_534#6 masked %reduce_max3A_566 : vector<16xf32>, vector<16xi1> -> vector<16xf32>
    %reduce_max3A_568 = vector.extract %reduce_max3A_567[15] : f32 from vector<16xf32>
    %max3A_569 = arith.maximumf %max3A_564, %reduce_max3A_568 : f32
    %reduce_max3A_570 = arith.constant true
    %reduce_max3A_571 = vector.broadcast %reduce_max3A_570 : i1 to vector<16xi1>
    %reduce_max3A_572 = tpu.scan <max>, %scan3A_534#7 masked %reduce_max3A_571 : vector<16xf32>, vector<16xi1> -> vector<16xf32>
    %reduce_max3A_573 = vector.extract %reduce_max3A_572[15] : f32 from vector<16xf32>
    %max3A_574 = arith.maximumf %max3A_569, %reduce_max3A_573 : f32
    %mul3A_575 = arith.constant 128 : i32
    %mul3A_576 = vector.broadcast %mul3A_575 : i32 to vector<16xi32>
    %mul3A_577 = arith.muli %scan3A_534#8, %mul3A_576 : vector<16xi32>
    %add3A_578 = arith.addi %mul3A_577, %add3A_5 : vector<16xi32>
    %eq3A_579 = vector.broadcast %max3A_574 : f32 to vector<16xf32>
    %eq3A_580 = arith.cmpf oeq, %scan3A_534#0, %eq3A_579 : vector<16xf32>
    %jit3A_581 = arith.constant 32768 : i32
    %broadcast_in_dim3A_582 = vector.broadcast %jit3A_581 : i32 to vector<16xi32>
    %select_n3A_583 = arith.select %eq3A_580, %add3A_578, %broadcast_in_dim3A_582 : vector<16xi1>, vector<16xi32>
    %reduce_min3A_584 = arith.constant true
    %reduce_min3A_585 = vector.broadcast %reduce_min3A_584 : i1 to vector<16xi1>
    %reduce_min3A_586 = arith.constant -2147483648 : i32
    %reduce_min3A_587 = vector.broadcast %reduce_min3A_586 : i32 to vector<16xi32>
    %reduce_min3A_588 = arith.xori %select_n3A_583, %reduce_min3A_587 : vector<16xi32>
    %reduce_min3A_589 = tpu.scan <min>, %reduce_min3A_588 masked %reduce_min3A_585 : vector<16xi32>, vector<16xi1> -> vector<16xi32>
    %reduce_min3A_590 = arith.xori %reduce_min3A_589, %reduce_min3A_587 : vector<16xi32>
    %reduce_min3A_591 = vector.extract %reduce_min3A_590[15] : i32 from vector<16xi32>
    %min3A_592 = arith.constant 32768 : i32
    %min3A_593 = arith.minsi %min3A_592, %reduce_min3A_591 : i32
    %mul3A_594 = arith.constant 128 : i32
    %mul3A_595 = vector.broadcast %mul3A_594 : i32 to vector<16xi32>
    %mul3A_596 = arith.muli %scan3A_534#9, %mul3A_595 : vector<16xi32>
    %add3A_597 = arith.addi %mul3A_596, %add3A_8 : vector<16xi32>
    %eq3A_598 = vector.broadcast %max3A_574 : f32 to vector<16xf32>
    %eq3A_599 = arith.cmpf oeq, %scan3A_534#1, %eq3A_598 : vector<16xf32>
    %jit3A_600 = arith.constant 32768 : i32
    %broadcast_in_dim3A_601 = vector.broadcast %jit3A_600 : i32 to vector<16xi32>
    %select_n3A_602 = arith.select %eq3A_599, %add3A_597, %broadcast_in_dim3A_601 : vector<16xi1>, vector<16xi32>
    %reduce_min3A_603 = arith.constant true
    %reduce_min3A_604 = vector.broadcast %reduce_min3A_603 : i1 to vector<16xi1>
    %reduce_min3A_605 = arith.constant -2147483648 : i32
    %reduce_min3A_606 = vector.broadcast %reduce_min3A_605 : i32 to vector<16xi32>
    %reduce_min3A_607 = arith.xori %select_n3A_602, %reduce_min3A_606 : vector<16xi32>
    %reduce_min3A_608 = tpu.scan <min>, %reduce_min3A_607 masked %reduce_min3A_604 : vector<16xi32>, vector<16xi1> -> vector<16xi32>
    %reduce_min3A_609 = arith.xori %reduce_min3A_608, %reduce_min3A_606 : vector<16xi32>
    %reduce_min3A_610 = vector.extract %reduce_min3A_609[15] : i32 from vector<16xi32>
    %min3A_611 = arith.minsi %min3A_593, %reduce_min3A_610 : i32
    %mul3A_612 = arith.constant 128 : i32
    %mul3A_613 = vector.broadcast %mul3A_612 : i32 to vector<16xi32>
    %mul3A_614 = arith.muli %scan3A_534#10, %mul3A_613 : vector<16xi32>
    %add3A_615 = arith.addi %mul3A_614, %add3A_11 : vector<16xi32>
    %eq3A_616 = vector.broadcast %max3A_574 : f32 to vector<16xf32>
    %eq3A_617 = arith.cmpf oeq, %scan3A_534#2, %eq3A_616 : vector<16xf32>
    %jit3A_618 = arith.constant 32768 : i32
    %broadcast_in_dim3A_619 = vector.broadcast %jit3A_618 : i32 to vector<16xi32>
    %select_n3A_620 = arith.select %eq3A_617, %add3A_615, %broadcast_in_dim3A_619 : vector<16xi1>, vector<16xi32>
    %reduce_min3A_621 = arith.constant true
    %reduce_min3A_622 = vector.broadcast %reduce_min3A_621 : i1 to vector<16xi1>
    %reduce_min3A_623 = arith.constant -2147483648 : i32
    %reduce_min3A_624 = vector.broadcast %reduce_min3A_623 : i32 to vector<16xi32>
    %reduce_min3A_625 = arith.xori %select_n3A_620, %reduce_min3A_624 : vector<16xi32>
    %reduce_min3A_626 = tpu.scan <min>, %reduce_min3A_625 masked %reduce_min3A_622 : vector<16xi32>, vector<16xi1> -> vector<16xi32>
    %reduce_min3A_627 = arith.xori %reduce_min3A_626, %reduce_min3A_624 : vector<16xi32>
    %reduce_min3A_628 = vector.extract %reduce_min3A_627[15] : i32 from vector<16xi32>
    %min3A_629 = arith.minsi %min3A_611, %reduce_min3A_628 : i32
    %mul3A_630 = arith.constant 128 : i32
    %mul3A_631 = vector.broadcast %mul3A_630 : i32 to vector<16xi32>
    %mul3A_632 = arith.muli %scan3A_534#11, %mul3A_631 : vector<16xi32>
    %add3A_633 = arith.addi %mul3A_632, %add3A_14 : vector<16xi32>
    %eq3A_634 = vector.broadcast %max3A_574 : f32 to vector<16xf32>
    %eq3A_635 = arith.cmpf oeq, %scan3A_534#3, %eq3A_634 : vector<16xf32>
    %jit3A_636 = arith.constant 32768 : i32
    %broadcast_in_dim3A_637 = vector.broadcast %jit3A_636 : i32 to vector<16xi32>
    %select_n3A_638 = arith.select %eq3A_635, %add3A_633, %broadcast_in_dim3A_637 : vector<16xi1>, vector<16xi32>
    %reduce_min3A_639 = arith.constant true
    %reduce_min3A_640 = vector.broadcast %reduce_min3A_639 : i1 to vector<16xi1>
    %reduce_min3A_641 = arith.constant -2147483648 : i32
    %reduce_min3A_642 = vector.broadcast %reduce_min3A_641 : i32 to vector<16xi32>
    %reduce_min3A_643 = arith.xori %select_n3A_638, %reduce_min3A_642 : vector<16xi32>
    %reduce_min3A_644 = tpu.scan <min>, %reduce_min3A_643 masked %reduce_min3A_640 : vector<16xi32>, vector<16xi1> -> vector<16xi32>
    %reduce_min3A_645 = arith.xori %reduce_min3A_644, %reduce_min3A_642 : vector<16xi32>
    %reduce_min3A_646 = vector.extract %reduce_min3A_645[15] : i32 from vector<16xi32>
    %min3A_647 = arith.minsi %min3A_629, %reduce_min3A_646 : i32
    %mul3A_648 = arith.constant 128 : i32
    %mul3A_649 = vector.broadcast %mul3A_648 : i32 to vector<16xi32>
    %mul3A_650 = arith.muli %scan3A_534#12, %mul3A_649 : vector<16xi32>
    %add3A_651 = arith.addi %mul3A_650, %add3A_17 : vector<16xi32>
    %eq3A_652 = vector.broadcast %max3A_574 : f32 to vector<16xf32>
    %eq3A_653 = arith.cmpf oeq, %scan3A_534#4, %eq3A_652 : vector<16xf32>
    %jit3A_654 = arith.constant 32768 : i32
    %broadcast_in_dim3A_655 = vector.broadcast %jit3A_654 : i32 to vector<16xi32>
    %select_n3A_656 = arith.select %eq3A_653, %add3A_651, %broadcast_in_dim3A_655 : vector<16xi1>, vector<16xi32>
    %reduce_min3A_657 = arith.constant true
    %reduce_min3A_658 = vector.broadcast %reduce_min3A_657 : i1 to vector<16xi1>
    %reduce_min3A_659 = arith.constant -2147483648 : i32
    %reduce_min3A_660 = vector.broadcast %reduce_min3A_659 : i32 to vector<16xi32>
    %reduce_min3A_661 = arith.xori %select_n3A_656, %reduce_min3A_660 : vector<16xi32>
    %reduce_min3A_662 = tpu.scan <min>, %reduce_min3A_661 masked %reduce_min3A_658 : vector<16xi32>, vector<16xi1> -> vector<16xi32>
    %reduce_min3A_663 = arith.xori %reduce_min3A_662, %reduce_min3A_660 : vector<16xi32>
    %reduce_min3A_664 = vector.extract %reduce_min3A_663[15] : i32 from vector<16xi32>
    %min3A_665 = arith.minsi %min3A_647, %reduce_min3A_664 : i32
    %mul3A_666 = arith.constant 128 : i32
    %mul3A_667 = vector.broadcast %mul3A_666 : i32 to vector<16xi32>
    %mul3A_668 = arith.muli %scan3A_534#13, %mul3A_667 : vector<16xi32>
    %add3A_669 = arith.addi %mul3A_668, %add3A_20 : vector<16xi32>
    %eq3A_670 = vector.broadcast %max3A_574 : f32 to vector<16xf32>
    %eq3A_671 = arith.cmpf oeq, %scan3A_534#5, %eq3A_670 : vector<16xf32>
    %jit3A_672 = arith.constant 32768 : i32
    %broadcast_in_dim3A_673 = vector.broadcast %jit3A_672 : i32 to vector<16xi32>
    %select_n3A_674 = arith.select %eq3A_671, %add3A_669, %broadcast_in_dim3A_673 : vector<16xi1>, vector<16xi32>
    %reduce_min3A_675 = arith.constant true
    %reduce_min3A_676 = vector.broadcast %reduce_min3A_675 : i1 to vector<16xi1>
    %reduce_min3A_677 = arith.constant -2147483648 : i32
    %reduce_min3A_678 = vector.broadcast %reduce_min3A_677 : i32 to vector<16xi32>
    %reduce_min3A_679 = arith.xori %select_n3A_674, %reduce_min3A_678 : vector<16xi32>
    %reduce_min3A_680 = tpu.scan <min>, %reduce_min3A_679 masked %reduce_min3A_676 : vector<16xi32>, vector<16xi1> -> vector<16xi32>
    %reduce_min3A_681 = arith.xori %reduce_min3A_680, %reduce_min3A_678 : vector<16xi32>
    %reduce_min3A_682 = vector.extract %reduce_min3A_681[15] : i32 from vector<16xi32>
    %min3A_683 = arith.minsi %min3A_665, %reduce_min3A_682 : i32
    %mul3A_684 = arith.constant 128 : i32
    %mul3A_685 = vector.broadcast %mul3A_684 : i32 to vector<16xi32>
    %mul3A_686 = arith.muli %scan3A_534#14, %mul3A_685 : vector<16xi32>
    %add3A_687 = arith.addi %mul3A_686, %add3A_23 : vector<16xi32>
    %eq3A_688 = vector.broadcast %max3A_574 : f32 to vector<16xf32>
    %eq3A_689 = arith.cmpf oeq, %scan3A_534#6, %eq3A_688 : vector<16xf32>
    %jit3A_690 = arith.constant 32768 : i32
    %broadcast_in_dim3A_691 = vector.broadcast %jit3A_690 : i32 to vector<16xi32>
    %select_n3A_692 = arith.select %eq3A_689, %add3A_687, %broadcast_in_dim3A_691 : vector<16xi1>, vector<16xi32>
    %reduce_min3A_693 = arith.constant true
    %reduce_min3A_694 = vector.broadcast %reduce_min3A_693 : i1 to vector<16xi1>
    %reduce_min3A_695 = arith.constant -2147483648 : i32
    %reduce_min3A_696 = vector.broadcast %reduce_min3A_695 : i32 to vector<16xi32>
    %reduce_min3A_697 = arith.xori %select_n3A_692, %reduce_min3A_696 : vector<16xi32>
    %reduce_min3A_698 = tpu.scan <min>, %reduce_min3A_697 masked %reduce_min3A_694 : vector<16xi32>, vector<16xi1> -> vector<16xi32>
    %reduce_min3A_699 = arith.xori %reduce_min3A_698, %reduce_min3A_696 : vector<16xi32>
    %reduce_min3A_700 = vector.extract %reduce_min3A_699[15] : i32 from vector<16xi32>
    %min3A_701 = arith.minsi %min3A_683, %reduce_min3A_700 : i32
    %mul3A_702 = arith.constant 128 : i32
    %mul3A_703 = vector.broadcast %mul3A_702 : i32 to vector<16xi32>
    %mul3A_704 = arith.muli %scan3A_534#15, %mul3A_703 : vector<16xi32>
    %add3A_705 = arith.addi %mul3A_704, %add3A_26 : vector<16xi32>
    %eq3A_706 = vector.broadcast %max3A_574 : f32 to vector<16xf32>
    %eq3A_707 = arith.cmpf oeq, %scan3A_534#7, %eq3A_706 : vector<16xf32>
    %jit3A_708 = arith.constant 32768 : i32
    %broadcast_in_dim3A_709 = vector.broadcast %jit3A_708 : i32 to vector<16xi32>
    %select_n3A_710 = arith.select %eq3A_707, %add3A_705, %broadcast_in_dim3A_709 : vector<16xi1>, vector<16xi32>
    %reduce_min3A_711 = arith.constant true
    %reduce_min3A_712 = vector.broadcast %reduce_min3A_711 : i1 to vector<16xi1>
    %reduce_min3A_713 = arith.constant -2147483648 : i32
    %reduce_min3A_714 = vector.broadcast %reduce_min3A_713 : i32 to vector<16xi32>
    %reduce_min3A_715 = arith.xori %select_n3A_710, %reduce_min3A_714 : vector<16xi32>
    %reduce_min3A_716 = tpu.scan <min>, %reduce_min3A_715 masked %reduce_min3A_712 : vector<16xi32>, vector<16xi1> -> vector<16xi32>
    %reduce_min3A_717 = arith.xori %reduce_min3A_716, %reduce_min3A_714 : vector<16xi32>
    %reduce_min3A_718 = vector.extract %reduce_min3A_717[15] : i32 from vector<16xi32>
    %min3A_719 = arith.minsi %min3A_701, %reduce_min3A_718 : i32
    %add3A_720 = arith.constant 2 : i32
    %add3A_721 = arith.addi %mul3A_2, %add3A_720 : i32
    %dma_start3A_722 = arith.constant 0 : i32
    %dma_start3A_723 = tpu.memref_slice %arg2[%add3A_721, %dma_start3A_722] : memref<128x32768xf32, #tpu.memory_space<hbm>> -> memref<1x32768xf32, #tpu.memory_space<hbm>>
    %dma_start3A_724 = tpu.memref_squeeze %dma_start3A_723 : memref<1x32768xf32, #tpu.memory_space<hbm>> -> memref<32768xf32, #tpu.memory_space<hbm>>
    %dma_start3A_725 = arith.constant 0 : i32
    %dma_start3A_726 = tpu.memref_slice %arg2[%add3A_721, %dma_start3A_725] : memref<128x32768xf32, #tpu.memory_space<hbm>> -> memref<1x32768xf32, #tpu.memory_space<hbm>>
    %dma_start3A_727 = tpu.memref_squeeze %dma_start3A_726 : memref<1x32768xf32, #tpu.memory_space<hbm>> -> memref<32768xf32, #tpu.memory_space<hbm>>
    tpu.enqueue_dma source(%dma_start3A_727 : memref<32768xf32, #tpu.memory_space<hbm>>) target(%arg7 : memref<32768xf32, #tpu.memory_space<vmem>>) target_semaphore(%arg11 : memref<!tpu.dma_semaphore, #tpu.memory_space<semaphore_mem>>)
    %add3A_728 = arith.constant 1 : i32
    %add3A_729 = arith.addi %mul3A_2, %add3A_728 : i32
    %dma_wait3A_730 = arith.constant 0 : i32
    %dma_wait3A_731 = tpu.memref_slice %arg2[%add3A_729, %dma_wait3A_730] : memref<128x32768xf32, #tpu.memory_space<hbm>> -> memref<1x32768xf32, #tpu.memory_space<hbm>>
    %dma_wait3A_732 = tpu.memref_squeeze %dma_wait3A_731 : memref<1x32768xf32, #tpu.memory_space<hbm>> -> memref<32768xf32, #tpu.memory_space<hbm>>
    %dma_wait3A_733 = arith.constant 0 : i32
    %dma_wait3A_734 = tpu.memref_slice %arg2[%add3A_729, %dma_wait3A_733] : memref<128x32768xf32, #tpu.memory_space<hbm>> -> memref<1x32768xf32, #tpu.memory_space<hbm>>
    %dma_wait3A_735 = tpu.memref_squeeze %dma_wait3A_734 : memref<1x32768xf32, #tpu.memory_space<hbm>> -> memref<32768xf32, #tpu.memory_space<hbm>>
    tpu.wait_dma2 semaphore(%arg9 : memref<!tpu.dma_semaphore, #tpu.memory_space<semaphore_mem>>) src(%dma_wait3A_735 : memref<32768xf32, #tpu.memory_space<hbm>>) dst(%arg5 : memref<32768xf32, #tpu.memory_space<vmem>>)
    %broadcast_in_dim3A_736 = vector.broadcast %min3A_719 : i32 to vector<16xi32>
    %gather3A_737 = tpu.vector_load_idx %arg5[%broadcast_in_dim3A_736] : memref<32768xf32, #tpu.memory_space<vmem>>[vector<16xi32>], vector<16xf32>,
    %jit3A_738 = arith.constant 128 : i32
    %div3A_739 = arith.divsi %min3A_719, %jit3A_738 : i32
    %sign3A_740 = arith.constant 0 : i32
    %sign3A_741 = arith.cmpi sgt, %min3A_719, %sign3A_740 : i32
    %sign3A_742 = arith.extui %sign3A_741 : i1 to i32
    %sign3A_743 = arith.constant 0 : i32
    %sign3A_744 = arith.cmpi slt, %min3A_719, %sign3A_743 : i32
    %sign3A_745 = arith.extui %sign3A_744 : i1 to i32
    %sign3A_746 = arith.subi %sign3A_742, %sign3A_745 : i32
    %sign3A_747 = arith.constant 0 : i32
    %sign3A_748 = arith.cmpi sgt, %jit3A_738, %sign3A_747 : i32
    %sign3A_749 = arith.extui %sign3A_748 : i1 to i32
    %sign3A_750 = arith.constant 0 : i32
    %sign3A_751 = arith.cmpi slt, %jit3A_738, %sign3A_750 : i32
    %sign3A_752 = arith.extui %sign3A_751 : i1 to i32
    %sign3A_753 = arith.subi %sign3A_749, %sign3A_752 : i32
    %ne3A_754 = arith.cmpi ne, %sign3A_746, %sign3A_753 : i32
    %rem3A_755 = arith.remsi %min3A_719, %jit3A_738 : i32
    %ne3A_756 = arith.constant 0 : i32
    %ne3A_757 = arith.cmpi ne, %rem3A_755, %ne3A_756 : i32
    %and3A_758 = arith.andi %ne3A_754, %ne3A_757 : i1
    %sub3A_759 = arith.constant 1 : i32
    %sub3A_760 = arith.subi %div3A_739, %sub3A_759 : i32
    %select_n3A_761 = arith.select %and3A_758, %sub3A_760, %div3A_739 : i32
    %broadcast_in_dim3A_762 = arith.constant 0 : i32
    %broadcast_in_dim3A_763 = vector.broadcast %broadcast_in_dim3A_762 : i32 to vector<16xi32>
    %broadcast_in_dim3A_764 = arith.constant 0 : i32
    %broadcast_in_dim3A_765 = vector.broadcast %broadcast_in_dim3A_764 : i32 to vector<16xi32>
    %broadcast_in_dim3A_766 = arith.constant 0 : i32
    %broadcast_in_dim3A_767 = vector.broadcast %broadcast_in_dim3A_766 : i32 to vector<16xi32>
    %broadcast_in_dim3A_768 = arith.constant 0 : i32
    %broadcast_in_dim3A_769 = vector.broadcast %broadcast_in_dim3A_768 : i32 to vector<16xi32>
    %broadcast_in_dim3A_770 = arith.constant 0 : i32
    %broadcast_in_dim3A_771 = vector.broadcast %broadcast_in_dim3A_770 : i32 to vector<16xi32>
    %broadcast_in_dim3A_772 = arith.constant 0 : i32
    %broadcast_in_dim3A_773 = vector.broadcast %broadcast_in_dim3A_772 : i32 to vector<16xi32>
    %broadcast_in_dim3A_774 = arith.constant 0 : i32
    %broadcast_in_dim3A_775 = vector.broadcast %broadcast_in_dim3A_774 : i32 to vector<16xi32>
    %broadcast_in_dim3A_776 = arith.constant 0 : i32
    %broadcast_in_dim3A_777 = vector.broadcast %broadcast_in_dim3A_776 : i32 to vector<16xi32>
    %while3A_778 = arith.constant 0 : i32
    %while3A_779 = arith.subi %select_n3A_761, %while3A_778 : i32
    %while3A_780 = arith.addi %while3A_778, %while3A_779 : i32
    %while3A_781 = arith.constant 1 : i32
    %while3A_782 = arith.divsi %while3A_779, %while3A_781 : i32
    %while3A_783 = arith.muli %while3A_782, %while3A_781 : i32
    %while3A_784 = arith.addi %while3A_778, %while3A_783 : i32
    %while3A_785 = arith.constant 1 : i32
    %while3A_786:8 = scf.for %while3A_1412 = %while3A_778 to %while3A_784 step %while3A_785 iter_args(%while3A_1413 = %broadcast_in_dim3A_763, %while3A_1414 = %broadcast_in_dim3A_765, %while3A_1415 = %broadcast_in_dim3A_767, %while3A_1416 = %broadcast_in_dim3A_769, %while3A_1417 = %broadcast_in_dim3A_771, %while3A_1418 = %broadcast_in_dim3A_773, %while3A_1419 = %broadcast_in_dim3A_775, %while3A_1420 = %broadcast_in_dim3A_777) -> (vector<16xi32>, vector<16xi32>, vector<16xi32>, vector<16xi32>, vector<16xi32>, vector<16xi32>, vector<16xi32>, vector<16xi32>)  : i32 {
      %mul3A_1421 = arith.constant 128 : i32
      %mul3A_1422 = arith.muli %while3A_1412, %mul3A_1421 : i32
      %add3A_1423 = arith.constant 0 : i32
      %add3A_1424 = arith.addi %mul3A_1422, %add3A_1423 : i32
      %get3A_1425 = arith.index_cast %add3A_1424 : i32 to index
      %get3A_1426 = tpu.vector_load %arg5[%get3A_1425] {strides = array<i32>} : memref<32768xf32, #tpu.memory_space<vmem>>, vector<16xf32>,
      %ge3A = arith.cmpf oge, %get3A_1426, %gather3A_737 : vector<16xf32>
      %convert_element_type3A_1427 = arith.extui %ge3A : vector<16xi1> to vector<16xi32>
      %add3A_1428 = arith.addi %while3A_1413, %convert_element_type3A_1427 : vector<16xi32>
      %add3A_1429 = arith.constant 16 : i32
      %add3A_1430 = arith.addi %mul3A_1422, %add3A_1429 : i32
      %get3A_1431 = arith.index_cast %add3A_1430 : i32 to index
      %get3A_1432 = tpu.vector_load %arg5[%get3A_1431] {strides = array<i32>} : memref<32768xf32, #tpu.memory_space<vmem>>, vector<16xf32>,
      %ge3A_1433 = arith.cmpf oge, %get3A_1432, %gather3A_737 : vector<16xf32>
      %convert_element_type3A_1434 = arith.extui %ge3A_1433 : vector<16xi1> to vector<16xi32>
      %add3A_1435 = arith.addi %while3A_1414, %convert_element_type3A_1434 : vector<16xi32>
      %add3A_1436 = arith.constant 32 : i32
      %add3A_1437 = arith.addi %mul3A_1422, %add3A_1436 : i32
      %get3A_1438 = arith.index_cast %add3A_1437 : i32 to index
      %get3A_1439 = tpu.vector_load %arg5[%get3A_1438] {strides = array<i32>} : memref<32768xf32, #tpu.memory_space<vmem>>, vector<16xf32>,
      %ge3A_1440 = arith.cmpf oge, %get3A_1439, %gather3A_737 : vector<16xf32>
      %convert_element_type3A_1441 = arith.extui %ge3A_1440 : vector<16xi1> to vector<16xi32>
      %add3A_1442 = arith.addi %while3A_1415, %convert_element_type3A_1441 : vector<16xi32>
      %add3A_1443 = arith.constant 48 : i32
      %add3A_1444 = arith.addi %mul3A_1422, %add3A_1443 : i32
      %get3A_1445 = arith.index_cast %add3A_1444 : i32 to index
      %get3A_1446 = tpu.vector_load %arg5[%get3A_1445] {strides = array<i32>} : memref<32768xf32, #tpu.memory_space<vmem>>, vector<16xf32>,
      %ge3A_1447 = arith.cmpf oge, %get3A_1446, %gather3A_737 : vector<16xf32>
      %convert_element_type3A_1448 = arith.extui %ge3A_1447 : vector<16xi1> to vector<16xi32>
      %add3A_1449 = arith.addi %while3A_1416, %convert_element_type3A_1448 : vector<16xi32>
      %add3A_1450 = arith.constant 64 : i32
      %add3A_1451 = arith.addi %mul3A_1422, %add3A_1450 : i32
      %get3A_1452 = arith.index_cast %add3A_1451 : i32 to index
      %get3A_1453 = tpu.vector_load %arg5[%get3A_1452] {strides = array<i32>} : memref<32768xf32, #tpu.memory_space<vmem>>, vector<16xf32>,
      %ge3A_1454 = arith.cmpf oge, %get3A_1453, %gather3A_737 : vector<16xf32>
      %convert_element_type3A_1455 = arith.extui %ge3A_1454 : vector<16xi1> to vector<16xi32>
      %add3A_1456 = arith.addi %while3A_1417, %convert_element_type3A_1455 : vector<16xi32>
      %add3A_1457 = arith.constant 80 : i32
      %add3A_1458 = arith.addi %mul3A_1422, %add3A_1457 : i32
      %get3A_1459 = arith.index_cast %add3A_1458 : i32 to index
      %get3A_1460 = tpu.vector_load %arg5[%get3A_1459] {strides = array<i32>} : memref<32768xf32, #tpu.memory_space<vmem>>, vector<16xf32>,
      %ge3A_1461 = arith.cmpf oge, %get3A_1460, %gather3A_737 : vector<16xf32>
      %convert_element_type3A_1462 = arith.extui %ge3A_1461 : vector<16xi1> to vector<16xi32>
      %add3A_1463 = arith.addi %while3A_1418, %convert_element_type3A_1462 : vector<16xi32>
      %add3A_1464 = arith.constant 96 : i32
      %add3A_1465 = arith.addi %mul3A_1422, %add3A_1464 : i32
      %get3A_1466 = arith.index_cast %add3A_1465 : i32 to index
      %get3A_1467 = tpu.vector_load %arg5[%get3A_1466] {strides = array<i32>} : memref<32768xf32, #tpu.memory_space<vmem>>, vector<16xf32>,
      %ge3A_1468 = arith.cmpf oge, %get3A_1467, %gather3A_737 : vector<16xf32>
      %convert_element_type3A_1469 = arith.extui %ge3A_1468 : vector<16xi1> to vector<16xi32>
      %add3A_1470 = arith.addi %while3A_1419, %convert_element_type3A_1469 : vector<16xi32>
      %add3A_1471 = arith.constant 112 : i32
      %add3A_1472 = arith.addi %mul3A_1422, %add3A_1471 : i32
      %get3A_1473 = arith.index_cast %add3A_1472 : i32 to index
      %get3A_1474 = tpu.vector_load %arg5[%get3A_1473] {strides = array<i32>} : memref<32768xf32, #tpu.memory_space<vmem>>, vector<16xf32>,
      %ge3A_1475 = arith.cmpf oge, %get3A_1474, %gather3A_737 : vector<16xf32>
      %convert_element_type3A_1476 = arith.extui %ge3A_1475 : vector<16xi1> to vector<16xi32>
      %add3A_1477 = arith.addi %while3A_1420, %convert_element_type3A_1476 : vector<16xi32>
      scf.yield %add3A_1428, %add3A_1435, %add3A_1442, %add3A_1449, %add3A_1456, %add3A_1463, %add3A_1470, %add3A_1477 : vector<16xi32>, vector<16xi32>, vector<16xi32>, vector<16xi32>, vector<16xi32>, vector<16xi32>, vector<16xi32>, vector<16xi32>
    }
    %while3A_787 = arith.constant 1 : i32
    %while3A_788:8 = scf.for %while3A_1412 = %while3A_784 to %while3A_780 step %while3A_787 iter_args(%while3A_1413 = %while3A_786#0, %while3A_1414 = %while3A_786#1, %while3A_1415 = %while3A_786#2, %while3A_1416 = %while3A_786#3, %while3A_1417 = %while3A_786#4, %while3A_1418 = %while3A_786#5, %while3A_1419 = %while3A_786#6, %while3A_1420 = %while3A_786#7) -> (vector<16xi32>, vector<16xi32>, vector<16xi32>, vector<16xi32>, vector<16xi32>, vector<16xi32>, vector<16xi32>, vector<16xi32>)  : i32 {
      %mul3A_1421 = arith.constant 128 : i32
      %mul3A_1422 = arith.muli %while3A_1412, %mul3A_1421 : i32
      %add3A_1423 = arith.constant 0 : i32
      %add3A_1424 = arith.addi %mul3A_1422, %add3A_1423 : i32
      %get3A_1425 = arith.index_cast %add3A_1424 : i32 to index
      %get3A_1426 = tpu.vector_load %arg5[%get3A_1425] {strides = array<i32>} : memref<32768xf32, #tpu.memory_space<vmem>>, vector<16xf32>,
      %ge3A = arith.cmpf oge, %get3A_1426, %gather3A_737 : vector<16xf32>
      %convert_element_type3A_1427 = arith.extui %ge3A : vector<16xi1> to vector<16xi32>
      %add3A_1428 = arith.addi %while3A_1413, %convert_element_type3A_1427 : vector<16xi32>
      %add3A_1429 = arith.constant 16 : i32
      %add3A_1430 = arith.addi %mul3A_1422, %add3A_1429 : i32
      %get3A_1431 = arith.index_cast %add3A_1430 : i32 to index
      %get3A_1432 = tpu.vector_load %arg5[%get3A_1431] {strides = array<i32>} : memref<32768xf32, #tpu.memory_space<vmem>>, vector<16xf32>,
      %ge3A_1433 = arith.cmpf oge, %get3A_1432, %gather3A_737 : vector<16xf32>
      %convert_element_type3A_1434 = arith.extui %ge3A_1433 : vector<16xi1> to vector<16xi32>
      %add3A_1435 = arith.addi %while3A_1414, %convert_element_type3A_1434 : vector<16xi32>
      %add3A_1436 = arith.constant 32 : i32
      %add3A_1437 = arith.addi %mul3A_1422, %add3A_1436 : i32
      %get3A_1438 = arith.index_cast %add3A_1437 : i32 to index
      %get3A_1439 = tpu.vector_load %arg5[%get3A_1438] {strides = array<i32>} : memref<32768xf32, #tpu.memory_space<vmem>>, vector<16xf32>,
      %ge3A_1440 = arith.cmpf oge, %get3A_1439, %gather3A_737 : vector<16xf32>
      %convert_element_type3A_1441 = arith.extui %ge3A_1440 : vector<16xi1> to vector<16xi32>
      %add3A_1442 = arith.addi %while3A_1415, %convert_element_type3A_1441 : vector<16xi32>
      %add3A_1443 = arith.constant 48 : i32
      %add3A_1444 = arith.addi %mul3A_1422, %add3A_1443 : i32
      %get3A_1445 = arith.index_cast %add3A_1444 : i32 to index
      %get3A_1446 = tpu.vector_load %arg5[%get3A_1445] {strides = array<i32>} : memref<32768xf32, #tpu.memory_space<vmem>>, vector<16xf32>,
      %ge3A_1447 = arith.cmpf oge, %get3A_1446, %gather3A_737 : vector<16xf32>
      %convert_element_type3A_1448 = arith.extui %ge3A_1447 : vector<16xi1> to vector<16xi32>
      %add3A_1449 = arith.addi %while3A_1416, %convert_element_type3A_1448 : vector<16xi32>
      %add3A_1450 = arith.constant 64 : i32
      %add3A_1451 = arith.addi %mul3A_1422, %add3A_1450 : i32
      %get3A_1452 = arith.index_cast %add3A_1451 : i32 to index
      %get3A_1453 = tpu.vector_load %arg5[%get3A_1452] {strides = array<i32>} : memref<32768xf32, #tpu.memory_space<vmem>>, vector<16xf32>,
      %ge3A_1454 = arith.cmpf oge, %get3A_1453, %gather3A_737 : vector<16xf32>
      %convert_element_type3A_1455 = arith.extui %ge3A_1454 : vector<16xi1> to vector<16xi32>
      %add3A_1456 = arith.addi %while3A_1417, %convert_element_type3A_1455 : vector<16xi32>
      %add3A_1457 = arith.constant 80 : i32
      %add3A_1458 = arith.addi %mul3A_1422, %add3A_1457 : i32
      %get3A_1459 = arith.index_cast %add3A_1458 : i32 to index
      %get3A_1460 = tpu.vector_load %arg5[%get3A_1459] {strides = array<i32>} : memref<32768xf32, #tpu.memory_space<vmem>>, vector<16xf32>,
      %ge3A_1461 = arith.cmpf oge, %get3A_1460, %gather3A_737 : vector<16xf32>
      %convert_element_type3A_1462 = arith.extui %ge3A_1461 : vector<16xi1> to vector<16xi32>
      %add3A_1463 = arith.addi %while3A_1418, %convert_element_type3A_1462 : vector<16xi32>
      %add3A_1464 = arith.constant 96 : i32
      %add3A_1465 = arith.addi %mul3A_1422, %add3A_1464 : i32
      %get3A_1466 = arith.index_cast %add3A_1465 : i32 to index
      %get3A_1467 = tpu.vector_load %arg5[%get3A_1466] {strides = array<i32>} : memref<32768xf32, #tpu.memory_space<vmem>>, vector<16xf32>,
      %ge3A_1468 = arith.cmpf oge, %get3A_1467, %gather3A_737 : vector<16xf32>
      %convert_element_type3A_1469 = arith.extui %ge3A_1468 : vector<16xi1> to vector<16xi32>
      %add3A_1470 = arith.addi %while3A_1419, %convert_element_type3A_1469 : vector<16xi32>
      %add3A_1471 = arith.constant 112 : i32
      %add3A_1472 = arith.addi %mul3A_1422, %add3A_1471 : i32
      %get3A_1473 = arith.index_cast %add3A_1472 : i32 to index
      %get3A_1474 = tpu.vector_load %arg5[%get3A_1473] {strides = array<i32>} : memref<32768xf32, #tpu.memory_space<vmem>>, vector<16xf32>,
      %ge3A_1475 = arith.cmpf oge, %get3A_1474, %gather3A_737 : vector<16xf32>
      %convert_element_type3A_1476 = arith.extui %ge3A_1475 : vector<16xi1> to vector<16xi32>
      %add3A_1477 = arith.addi %while3A_1420, %convert_element_type3A_1476 : vector<16xi32>
      scf.yield %add3A_1428, %add3A_1435, %add3A_1442, %add3A_1449, %add3A_1456, %add3A_1463, %add3A_1470, %add3A_1477 : vector<16xi32>, vector<16xi32>, vector<16xi32>, vector<16xi32>, vector<16xi32>, vector<16xi32>, vector<16xi32>, vector<16xi32>
    }
    %add3A_789 = arith.constant 1 : i32
    %add3A_790 = arith.addi %select_n3A_761, %add3A_789 : i32
    %while3A_791 = arith.constant 256 : i32
    %while3A_792 = arith.subi %while3A_791, %add3A_790 : i32
    %while3A_793 = arith.addi %add3A_790, %while3A_792 : i32
    %while3A_794 = arith.constant 1 : i32
    %while3A_795 = arith.divsi %while3A_792, %while3A_794 : i32
    %while3A_796 = arith.muli %while3A_795, %while3A_794 : i32
    %while3A_797 = arith.addi %add3A_790, %while3A_796 : i32
    %while3A_798 = arith.constant 1 : i32
    %while3A_799:8 = scf.for %while3A_1412 = %add3A_790 to %while3A_797 step %while3A_798 iter_args(%while3A_1413 = %while3A_788#0, %while3A_1414 = %while3A_788#1, %while3A_1415 = %while3A_788#2, %while3A_1416 = %while3A_788#3, %while3A_1417 = %while3A_788#4, %while3A_1418 = %while3A_788#5, %while3A_1419 = %while3A_788#6, %while3A_1420 = %while3A_788#7) -> (vector<16xi32>, vector<16xi32>, vector<16xi32>, vector<16xi32>, vector<16xi32>, vector<16xi32>, vector<16xi32>, vector<16xi32>)  : i32 {
      %mul3A_1421 = arith.constant 128 : i32
      %mul3A_1422 = arith.muli %while3A_1412, %mul3A_1421 : i32
      %add3A_1423 = arith.constant 0 : i32
      %add3A_1424 = arith.addi %mul3A_1422, %add3A_1423 : i32
      %get3A_1425 = arith.index_cast %add3A_1424 : i32 to index
      %get3A_1426 = tpu.vector_load %arg5[%get3A_1425] {strides = array<i32>} : memref<32768xf32, #tpu.memory_space<vmem>>, vector<16xf32>,
      %gt3A_1427 = arith.cmpf ogt, %get3A_1426, %gather3A_737 : vector<16xf32>
      %convert_element_type3A_1428 = arith.extui %gt3A_1427 : vector<16xi1> to vector<16xi32>
      %add3A_1429 = arith.addi %while3A_1413, %convert_element_type3A_1428 : vector<16xi32>
      %add3A_1430 = arith.constant 16 : i32
      %add3A_1431 = arith.addi %mul3A_1422, %add3A_1430 : i32
      %get3A_1432 = arith.index_cast %add3A_1431 : i32 to index
      %get3A_1433 = tpu.vector_load %arg5[%get3A_1432] {strides = array<i32>} : memref<32768xf32, #tpu.memory_space<vmem>>, vector<16xf32>,
      %gt3A_1434 = arith.cmpf ogt, %get3A_1433, %gather3A_737 : vector<16xf32>
      %convert_element_type3A_1435 = arith.extui %gt3A_1434 : vector<16xi1> to vector<16xi32>
      %add3A_1436 = arith.addi %while3A_1414, %convert_element_type3A_1435 : vector<16xi32>
      %add3A_1437 = arith.constant 32 : i32
      %add3A_1438 = arith.addi %mul3A_1422, %add3A_1437 : i32
      %get3A_1439 = arith.index_cast %add3A_1438 : i32 to index
      %get3A_1440 = tpu.vector_load %arg5[%get3A_1439] {strides = array<i32>} : memref<32768xf32, #tpu.memory_space<vmem>>, vector<16xf32>,
      %gt3A_1441 = arith.cmpf ogt, %get3A_1440, %gather3A_737 : vector<16xf32>
      %convert_element_type3A_1442 = arith.extui %gt3A_1441 : vector<16xi1> to vector<16xi32>
      %add3A_1443 = arith.addi %while3A_1415, %convert_element_type3A_1442 : vector<16xi32>
      %add3A_1444 = arith.constant 48 : i32
      %add3A_1445 = arith.addi %mul3A_1422, %add3A_1444 : i32
      %get3A_1446 = arith.index_cast %add3A_1445 : i32 to index
      %get3A_1447 = tpu.vector_load %arg5[%get3A_1446] {strides = array<i32>} : memref<32768xf32, #tpu.memory_space<vmem>>, vector<16xf32>,
      %gt3A_1448 = arith.cmpf ogt, %get3A_1447, %gather3A_737 : vector<16xf32>
      %convert_element_type3A_1449 = arith.extui %gt3A_1448 : vector<16xi1> to vector<16xi32>
      %add3A_1450 = arith.addi %while3A_1416, %convert_element_type3A_1449 : vector<16xi32>
      %add3A_1451 = arith.constant 64 : i32
      %add3A_1452 = arith.addi %mul3A_1422, %add3A_1451 : i32
      %get3A_1453 = arith.index_cast %add3A_1452 : i32 to index
      %get3A_1454 = tpu.vector_load %arg5[%get3A_1453] {strides = array<i32>} : memref<32768xf32, #tpu.memory_space<vmem>>, vector<16xf32>,
      %gt3A_1455 = arith.cmpf ogt, %get3A_1454, %gather3A_737 : vector<16xf32>
      %convert_element_type3A_1456 = arith.extui %gt3A_1455 : vector<16xi1> to vector<16xi32>
      %add3A_1457 = arith.addi %while3A_1417, %convert_element_type3A_1456 : vector<16xi32>
      %add3A_1458 = arith.constant 80 : i32
      %add3A_1459 = arith.addi %mul3A_1422, %add3A_1458 : i32
      %get3A_1460 = arith.index_cast %add3A_1459 : i32 to index
      %get3A_1461 = tpu.vector_load %arg5[%get3A_1460] {strides = array<i32>} : memref<32768xf32, #tpu.memory_space<vmem>>, vector<16xf32>,
      %gt3A_1462 = arith.cmpf ogt, %get3A_1461, %gather3A_737 : vector<16xf32>
      %convert_element_type3A_1463 = arith.extui %gt3A_1462 : vector<16xi1> to vector<16xi32>
      %add3A_1464 = arith.addi %while3A_1418, %convert_element_type3A_1463 : vector<16xi32>
      %add3A_1465 = arith.constant 96 : i32
      %add3A_1466 = arith.addi %mul3A_1422, %add3A_1465 : i32
      %get3A_1467 = arith.index_cast %add3A_1466 : i32 to index
      %get3A_1468 = tpu.vector_load %arg5[%get3A_1467] {strides = array<i32>} : memref<32768xf32, #tpu.memory_space<vmem>>, vector<16xf32>,
      %gt3A_1469 = arith.cmpf ogt, %get3A_1468, %gather3A_737 : vector<16xf32>
      %convert_element_type3A_1470 = arith.extui %gt3A_1469 : vector<16xi1> to vector<16xi32>
      %add3A_1471 = arith.addi %while3A_1419, %convert_element_type3A_1470 : vector<16xi32>
      %add3A_1472 = arith.constant 112 : i32
      %add3A_1473 = arith.addi %mul3A_1422, %add3A_1472 : i32
      %get3A_1474 = arith.index_cast %add3A_1473 : i32 to index
      %get3A_1475 = tpu.vector_load %arg5[%get3A_1474] {strides = array<i32>} : memref<32768xf32, #tpu.memory_space<vmem>>, vector<16xf32>,
      %gt3A_1476 = arith.cmpf ogt, %get3A_1475, %gather3A_737 : vector<16xf32>
      %convert_element_type3A_1477 = arith.extui %gt3A_1476 : vector<16xi1> to vector<16xi32>
      %add3A_1478 = arith.addi %while3A_1420, %convert_element_type3A_1477 : vector<16xi32>
      scf.yield %add3A_1429, %add3A_1436, %add3A_1443, %add3A_1450, %add3A_1457, %add3A_1464, %add3A_1471, %add3A_1478 : vector<16xi32>, vector<16xi32>, vector<16xi32>, vector<16xi32>, vector<16xi32>, vector<16xi32>, vector<16xi32>, vector<16xi32>
    }
    %while3A_800 = arith.constant 1 : i32
    %while3A_801:8 = scf.for %while3A_1412 = %while3A_797 to %while3A_793 step %while3A_800 iter_args(%while3A_1413 = %while3A_799#0, %while3A_1414 = %while3A_799#1, %while3A_1415 = %while3A_799#2, %while3A_1416 = %while3A_799#3, %while3A_1417 = %while3A_799#4, %while3A_1418 = %while3A_799#5, %while3A_1419 = %while3A_799#6, %while3A_1420 = %while3A_799#7) -> (vector<16xi32>, vector<16xi32>, vector<16xi32>, vector<16xi32>, vector<16xi32>, vector<16xi32>, vector<16xi32>, vector<16xi32>)  : i32 {
      %mul3A_1421 = arith.constant 128 : i32
      %mul3A_1422 = arith.muli %while3A_1412, %mul3A_1421 : i32
      %add3A_1423 = arith.constant 0 : i32
      %add3A_1424 = arith.addi %mul3A_1422, %add3A_1423 : i32
      %get3A_1425 = arith.index_cast %add3A_1424 : i32 to index
      %get3A_1426 = tpu.vector_load %arg5[%get3A_1425] {strides = array<i32>} : memref<32768xf32, #tpu.memory_space<vmem>>, vector<16xf32>,
      %gt3A_1427 = arith.cmpf ogt, %get3A_1426, %gather3A_737 : vector<16xf32>
      %convert_element_type3A_1428 = arith.extui %gt3A_1427 : vector<16xi1> to vector<16xi32>
      %add3A_1429 = arith.addi %while3A_1413, %convert_element_type3A_1428 : vector<16xi32>
      %add3A_1430 = arith.constant 16 : i32
      %add3A_1431 = arith.addi %mul3A_1422, %add3A_1430 : i32
      %get3A_1432 = arith.index_cast %add3A_1431 : i32 to index
      %get3A_1433 = tpu.vector_load %arg5[%get3A_1432] {strides = array<i32>} : memref<32768xf32, #tpu.memory_space<vmem>>, vector<16xf32>,
      %gt3A_1434 = arith.cmpf ogt, %get3A_1433, %gather3A_737 : vector<16xf32>
      %convert_element_type3A_1435 = arith.extui %gt3A_1434 : vector<16xi1> to vector<16xi32>
      %add3A_1436 = arith.addi %while3A_1414, %convert_element_type3A_1435 : vector<16xi32>
      %add3A_1437 = arith.constant 32 : i32
      %add3A_1438 = arith.addi %mul3A_1422, %add3A_1437 : i32
      %get3A_1439 = arith.index_cast %add3A_1438 : i32 to index
      %get3A_1440 = tpu.vector_load %arg5[%get3A_1439] {strides = array<i32>} : memref<32768xf32, #tpu.memory_space<vmem>>, vector<16xf32>,
      %gt3A_1441 = arith.cmpf ogt, %get3A_1440, %gather3A_737 : vector<16xf32>
      %convert_element_type3A_1442 = arith.extui %gt3A_1441 : vector<16xi1> to vector<16xi32>
      %add3A_1443 = arith.addi %while3A_1415, %convert_element_type3A_1442 : vector<16xi32>
      %add3A_1444 = arith.constant 48 : i32
      %add3A_1445 = arith.addi %mul3A_1422, %add3A_1444 : i32
      %get3A_1446 = arith.index_cast %add3A_1445 : i32 to index
      %get3A_1447 = tpu.vector_load %arg5[%get3A_1446] {strides = array<i32>} : memref<32768xf32, #tpu.memory_space<vmem>>, vector<16xf32>,
      %gt3A_1448 = arith.cmpf ogt, %get3A_1447, %gather3A_737 : vector<16xf32>
      %convert_element_type3A_1449 = arith.extui %gt3A_1448 : vector<16xi1> to vector<16xi32>
      %add3A_1450 = arith.addi %while3A_1416, %convert_element_type3A_1449 : vector<16xi32>
      %add3A_1451 = arith.constant 64 : i32
      %add3A_1452 = arith.addi %mul3A_1422, %add3A_1451 : i32
      %get3A_1453 = arith.index_cast %add3A_1452 : i32 to index
      %get3A_1454 = tpu.vector_load %arg5[%get3A_1453] {strides = array<i32>} : memref<32768xf32, #tpu.memory_space<vmem>>, vector<16xf32>,
      %gt3A_1455 = arith.cmpf ogt, %get3A_1454, %gather3A_737 : vector<16xf32>
      %convert_element_type3A_1456 = arith.extui %gt3A_1455 : vector<16xi1> to vector<16xi32>
      %add3A_1457 = arith.addi %while3A_1417, %convert_element_type3A_1456 : vector<16xi32>
      %add3A_1458 = arith.constant 80 : i32
      %add3A_1459 = arith.addi %mul3A_1422, %add3A_1458 : i32
      %get3A_1460 = arith.index_cast %add3A_1459 : i32 to index
      %get3A_1461 = tpu.vector_load %arg5[%get3A_1460] {strides = array<i32>} : memref<32768xf32, #tpu.memory_space<vmem>>, vector<16xf32>,
      %gt3A_1462 = arith.cmpf ogt, %get3A_1461, %gather3A_737 : vector<16xf32>
      %convert_element_type3A_1463 = arith.extui %gt3A_1462 : vector<16xi1> to vector<16xi32>
      %add3A_1464 = arith.addi %while3A_1418, %convert_element_type3A_1463 : vector<16xi32>
      %add3A_1465 = arith.constant 96 : i32
      %add3A_1466 = arith.addi %mul3A_1422, %add3A_1465 : i32
      %get3A_1467 = arith.index_cast %add3A_1466 : i32 to index
      %get3A_1468 = tpu.vector_load %arg5[%get3A_1467] {strides = array<i32>} : memref<32768xf32, #tpu.memory_space<vmem>>, vector<16xf32>,
      %gt3A_1469 = arith.cmpf ogt, %get3A_1468, %gather3A_737 : vector<16xf32>
      %convert_element_type3A_1470 = arith.extui %gt3A_1469 : vector<16xi1> to vector<16xi32>
      %add3A_1471 = arith.addi %while3A_1419, %convert_element_type3A_1470 : vector<16xi32>
      %add3A_1472 = arith.constant 112 : i32
      %add3A_1473 = arith.addi %mul3A_1422, %add3A_1472 : i32
      %get3A_1474 = arith.index_cast %add3A_1473 : i32 to index
      %get3A_1475 = tpu.vector_load %arg5[%get3A_1474] {strides = array<i32>} : memref<32768xf32, #tpu.memory_space<vmem>>, vector<16xf32>,
      %gt3A_1476 = arith.cmpf ogt, %get3A_1475, %gather3A_737 : vector<16xf32>
      %convert_element_type3A_1477 = arith.extui %gt3A_1476 : vector<16xi1> to vector<16xi32>
      %add3A_1478 = arith.addi %while3A_1420, %convert_element_type3A_1477 : vector<16xi32>
      scf.yield %add3A_1429, %add3A_1436, %add3A_1443, %add3A_1450, %add3A_1457, %add3A_1464, %add3A_1471, %add3A_1478 : vector<16xi32>, vector<16xi32>, vector<16xi32>, vector<16xi32>, vector<16xi32>, vector<16xi32>, vector<16xi32>, vector<16xi32>
    }
    %mul3A_802 = arith.constant 128 : i32
    %mul3A_803 = arith.muli %select_n3A_761, %mul3A_802 : i32
    %add3A_804 = arith.constant 0 : i32
    %add3A_805 = arith.addi %mul3A_803, %add3A_804 : i32
    %get3A_806 = arith.index_cast %add3A_805 : i32 to index
    %get3A_807 = tpu.vector_load %arg5[%get3A_806] {strides = array<i32>} : memref<32768xf32, #tpu.memory_space<vmem>>, vector<16xf32>,
    %add3A_808 = vector.broadcast %mul3A_803 : i32 to vector<16xi32>
    %add3A_809 = arith.addi %add3A_5, %add3A_808 : vector<16xi32>
    %gt3A_810 = arith.cmpf ogt, %get3A_807, %gather3A_737 : vector<16xf32>
    %eq3A_811 = arith.cmpf oeq, %get3A_807, %gather3A_737 : vector<16xf32>
    %lt3A_812 = arith.cmpi slt, %add3A_809, %broadcast_in_dim3A_736 : vector<16xi32>
    %and3A_813 = arith.andi %eq3A_811, %lt3A_812 : vector<16xi1>
    %or3A_814 = arith.ori %gt3A_810, %and3A_813 : vector<16xi1>
    %convert_element_type3A_815 = arith.extui %or3A_814 : vector<16xi1> to vector<16xi32>
    %add3A_816 = arith.addi %convert_element_type3A_815, %while3A_801#0 : vector<16xi32>
    %reduce_sum3A_817 = arith.constant true
    %reduce_sum3A_818 = vector.broadcast %reduce_sum3A_817 : i1 to vector<16xi1>
    %reduce_sum3A_819 = tpu.scan <sum>, %add3A_816 masked %reduce_sum3A_818 : vector<16xi32>, vector<16xi1> -> vector<16xi32>
    %reduce_sum3A_820 = vector.extract %reduce_sum3A_819[15] : i32 from vector<16xi32>
    %add3A_821 = arith.constant 0 : i32
    %add3A_822 = arith.addi %add3A_821, %reduce_sum3A_820 : i32
    %add3A_823 = arith.constant 16 : i32
    %add3A_824 = arith.addi %mul3A_803, %add3A_823 : i32
    %get3A_825 = arith.index_cast %add3A_824 : i32 to index
    %get3A_826 = tpu.vector_load %arg5[%get3A_825] {strides = array<i32>} : memref<32768xf32, #tpu.memory_space<vmem>>, vector<16xf32>,
    %add3A_827 = vector.broadcast %mul3A_803 : i32 to vector<16xi32>
    %add3A_828 = arith.addi %add3A_8, %add3A_827 : vector<16xi32>
    %gt3A_829 = arith.cmpf ogt, %get3A_826, %gather3A_737 : vector<16xf32>
    %eq3A_830 = arith.cmpf oeq, %get3A_826, %gather3A_737 : vector<16xf32>
    %lt3A_831 = arith.cmpi slt, %add3A_828, %broadcast_in_dim3A_736 : vector<16xi32>
    %and3A_832 = arith.andi %eq3A_830, %lt3A_831 : vector<16xi1>
    %or3A_833 = arith.ori %gt3A_829, %and3A_832 : vector<16xi1>
    %convert_element_type3A_834 = arith.extui %or3A_833 : vector<16xi1> to vector<16xi32>
    %add3A_835 = arith.addi %convert_element_type3A_834, %while3A_801#1 : vector<16xi32>
    %reduce_sum3A_836 = arith.constant true
    %reduce_sum3A_837 = vector.broadcast %reduce_sum3A_836 : i1 to vector<16xi1>
    %reduce_sum3A_838 = tpu.scan <sum>, %add3A_835 masked %reduce_sum3A_837 : vector<16xi32>, vector<16xi1> -> vector<16xi32>
    %reduce_sum3A_839 = vector.extract %reduce_sum3A_838[15] : i32 from vector<16xi32>
    %add3A_840 = arith.addi %add3A_822, %reduce_sum3A_839 : i32
    %add3A_841 = arith.constant 32 : i32
    %add3A_842 = arith.addi %mul3A_803, %add3A_841 : i32
    %get3A_843 = arith.index_cast %add3A_842 : i32 to index
    %get3A_844 = tpu.vector_load %arg5[%get3A_843] {strides = array<i32>} : memref<32768xf32, #tpu.memory_space<vmem>>, vector<16xf32>,
    %add3A_845 = vector.broadcast %mul3A_803 : i32 to vector<16xi32>
    %add3A_846 = arith.addi %add3A_11, %add3A_845 : vector<16xi32>
    %gt3A_847 = arith.cmpf ogt, %get3A_844, %gather3A_737 : vector<16xf32>
    %eq3A_848 = arith.cmpf oeq, %get3A_844, %gather3A_737 : vector<16xf32>
    %lt3A_849 = arith.cmpi slt, %add3A_846, %broadcast_in_dim3A_736 : vector<16xi32>
    %and3A_850 = arith.andi %eq3A_848, %lt3A_849 : vector<16xi1>
    %or3A_851 = arith.ori %gt3A_847, %and3A_850 : vector<16xi1>
    %convert_element_type3A_852 = arith.extui %or3A_851 : vector<16xi1> to vector<16xi32>
    %add3A_853 = arith.addi %convert_element_type3A_852, %while3A_801#2 : vector<16xi32>
    %reduce_sum3A_854 = arith.constant true
    %reduce_sum3A_855 = vector.broadcast %reduce_sum3A_854 : i1 to vector<16xi1>
    %reduce_sum3A_856 = tpu.scan <sum>, %add3A_853 masked %reduce_sum3A_855 : vector<16xi32>, vector<16xi1> -> vector<16xi32>
    %reduce_sum3A_857 = vector.extract %reduce_sum3A_856[15] : i32 from vector<16xi32>
    %add3A_858 = arith.addi %add3A_840, %reduce_sum3A_857 : i32
    %add3A_859 = arith.constant 48 : i32
    %add3A_860 = arith.addi %mul3A_803, %add3A_859 : i32
    %get3A_861 = arith.index_cast %add3A_860 : i32 to index
    %get3A_862 = tpu.vector_load %arg5[%get3A_861] {strides = array<i32>} : memref<32768xf32, #tpu.memory_space<vmem>>, vector<16xf32>,
    %add3A_863 = vector.broadcast %mul3A_803 : i32 to vector<16xi32>
    %add3A_864 = arith.addi %add3A_14, %add3A_863 : vector<16xi32>
    %gt3A_865 = arith.cmpf ogt, %get3A_862, %gather3A_737 : vector<16xf32>
    %eq3A_866 = arith.cmpf oeq, %get3A_862, %gather3A_737 : vector<16xf32>
    %lt3A_867 = arith.cmpi slt, %add3A_864, %broadcast_in_dim3A_736 : vector<16xi32>
    %and3A_868 = arith.andi %eq3A_866, %lt3A_867 : vector<16xi1>
    %or3A_869 = arith.ori %gt3A_865, %and3A_868 : vector<16xi1>
    %convert_element_type3A_870 = arith.extui %or3A_869 : vector<16xi1> to vector<16xi32>
    %add3A_871 = arith.addi %convert_element_type3A_870, %while3A_801#3 : vector<16xi32>
    %reduce_sum3A_872 = arith.constant true
    %reduce_sum3A_873 = vector.broadcast %reduce_sum3A_872 : i1 to vector<16xi1>
    %reduce_sum3A_874 = tpu.scan <sum>, %add3A_871 masked %reduce_sum3A_873 : vector<16xi32>, vector<16xi1> -> vector<16xi32>
    %reduce_sum3A_875 = vector.extract %reduce_sum3A_874[15] : i32 from vector<16xi32>
    %add3A_876 = arith.addi %add3A_858, %reduce_sum3A_875 : i32
    %add3A_877 = arith.constant 64 : i32
    %add3A_878 = arith.addi %mul3A_803, %add3A_877 : i32
    %get3A_879 = arith.index_cast %add3A_878 : i32 to index
    %get3A_880 = tpu.vector_load %arg5[%get3A_879] {strides = array<i32>} : memref<32768xf32, #tpu.memory_space<vmem>>, vector<16xf32>,
    %add3A_881 = vector.broadcast %mul3A_803 : i32 to vector<16xi32>
    %add3A_882 = arith.addi %add3A_17, %add3A_881 : vector<16xi32>
    %gt3A_883 = arith.cmpf ogt, %get3A_880, %gather3A_737 : vector<16xf32>
    %eq3A_884 = arith.cmpf oeq, %get3A_880, %gather3A_737 : vector<16xf32>
    %lt3A_885 = arith.cmpi slt, %add3A_882, %broadcast_in_dim3A_736 : vector<16xi32>
    %and3A_886 = arith.andi %eq3A_884, %lt3A_885 : vector<16xi1>
    %or3A_887 = arith.ori %gt3A_883, %and3A_886 : vector<16xi1>
    %convert_element_type3A_888 = arith.extui %or3A_887 : vector<16xi1> to vector<16xi32>
    %add3A_889 = arith.addi %convert_element_type3A_888, %while3A_801#4 : vector<16xi32>
    %reduce_sum3A_890 = arith.constant true
    %reduce_sum3A_891 = vector.broadcast %reduce_sum3A_890 : i1 to vector<16xi1>
    %reduce_sum3A_892 = tpu.scan <sum>, %add3A_889 masked %reduce_sum3A_891 : vector<16xi32>, vector<16xi1> -> vector<16xi32>
    %reduce_sum3A_893 = vector.extract %reduce_sum3A_892[15] : i32 from vector<16xi32>
    %add3A_894 = arith.addi %add3A_876, %reduce_sum3A_893 : i32
    %add3A_895 = arith.constant 80 : i32
    %add3A_896 = arith.addi %mul3A_803, %add3A_895 : i32
    %get3A_897 = arith.index_cast %add3A_896 : i32 to index
    %get3A_898 = tpu.vector_load %arg5[%get3A_897] {strides = array<i32>} : memref<32768xf32, #tpu.memory_space<vmem>>, vector<16xf32>,
    %add3A_899 = vector.broadcast %mul3A_803 : i32 to vector<16xi32>
    %add3A_900 = arith.addi %add3A_20, %add3A_899 : vector<16xi32>
    %gt3A_901 = arith.cmpf ogt, %get3A_898, %gather3A_737 : vector<16xf32>
    %eq3A_902 = arith.cmpf oeq, %get3A_898, %gather3A_737 : vector<16xf32>
    %lt3A_903 = arith.cmpi slt, %add3A_900, %broadcast_in_dim3A_736 : vector<16xi32>
    %and3A_904 = arith.andi %eq3A_902, %lt3A_903 : vector<16xi1>
    %or3A_905 = arith.ori %gt3A_901, %and3A_904 : vector<16xi1>
    %convert_element_type3A_906 = arith.extui %or3A_905 : vector<16xi1> to vector<16xi32>
    %add3A_907 = arith.addi %convert_element_type3A_906, %while3A_801#5 : vector<16xi32>
    %reduce_sum3A_908 = arith.constant true
    %reduce_sum3A_909 = vector.broadcast %reduce_sum3A_908 : i1 to vector<16xi1>
    %reduce_sum3A_910 = tpu.scan <sum>, %add3A_907 masked %reduce_sum3A_909 : vector<16xi32>, vector<16xi1> -> vector<16xi32>
    %reduce_sum3A_911 = vector.extract %reduce_sum3A_910[15] : i32 from vector<16xi32>
    %add3A_912 = arith.addi %add3A_894, %reduce_sum3A_911 : i32
    %add3A_913 = arith.constant 96 : i32
    %add3A_914 = arith.addi %mul3A_803, %add3A_913 : i32
    %get3A_915 = arith.index_cast %add3A_914 : i32 to index
    %get3A_916 = tpu.vector_load %arg5[%get3A_915] {strides = array<i32>} : memref<32768xf32, #tpu.memory_space<vmem>>, vector<16xf32>,
    %add3A_917 = vector.broadcast %mul3A_803 : i32 to vector<16xi32>
    %add3A_918 = arith.addi %add3A_23, %add3A_917 : vector<16xi32>
    %gt3A_919 = arith.cmpf ogt, %get3A_916, %gather3A_737 : vector<16xf32>
    %eq3A_920 = arith.cmpf oeq, %get3A_916, %gather3A_737 : vector<16xf32>
    %lt3A_921 = arith.cmpi slt, %add3A_918, %broadcast_in_dim3A_736 : vector<16xi32>
    %and3A_922 = arith.andi %eq3A_920, %lt3A_921 : vector<16xi1>
    %or3A_923 = arith.ori %gt3A_919, %and3A_922 : vector<16xi1>
    %convert_element_type3A_924 = arith.extui %or3A_923 : vector<16xi1> to vector<16xi32>
    %add3A_925 = arith.addi %convert_element_type3A_924, %while3A_801#6 : vector<16xi32>
    %reduce_sum3A_926 = arith.constant true
    %reduce_sum3A_927 = vector.broadcast %reduce_sum3A_926 : i1 to vector<16xi1>
    %reduce_sum3A_928 = tpu.scan <sum>, %add3A_925 masked %reduce_sum3A_927 : vector<16xi32>, vector<16xi1> -> vector<16xi32>
    %reduce_sum3A_929 = vector.extract %reduce_sum3A_928[15] : i32 from vector<16xi32>
    %add3A_930 = arith.addi %add3A_912, %reduce_sum3A_929 : i32
    %add3A_931 = arith.constant 112 : i32
    %add3A_932 = arith.addi %mul3A_803, %add3A_931 : i32
    %get3A_933 = arith.index_cast %add3A_932 : i32 to index
    %get3A_934 = tpu.vector_load %arg5[%get3A_933] {strides = array<i32>} : memref<32768xf32, #tpu.memory_space<vmem>>, vector<16xf32>,
    %add3A_935 = vector.broadcast %mul3A_803 : i32 to vector<16xi32>
    %add3A_936 = arith.addi %add3A_26, %add3A_935 : vector<16xi32>
    %gt3A_937 = arith.cmpf ogt, %get3A_934, %gather3A_737 : vector<16xf32>
    %eq3A_938 = arith.cmpf oeq, %get3A_934, %gather3A_737 : vector<16xf32>
    %lt3A_939 = arith.cmpi slt, %add3A_936, %broadcast_in_dim3A_736 : vector<16xi32>
    %and3A_940 = arith.andi %eq3A_938, %lt3A_939 : vector<16xi1>
    %or3A_941 = arith.ori %gt3A_937, %and3A_940 : vector<16xi1>
    %convert_element_type3A_942 = arith.extui %or3A_941 : vector<16xi1> to vector<16xi32>
    %add3A_943 = arith.addi %convert_element_type3A_942, %while3A_801#7 : vector<16xi32>
    %reduce_sum3A_944 = arith.constant true
    %reduce_sum3A_945 = vector.broadcast %reduce_sum3A_944 : i1 to vector<16xi1>
    %reduce_sum3A_946 = tpu.scan <sum>, %add3A_943 masked %reduce_sum3A_945 : vector<16xi32>, vector<16xi1> -> vector<16xi32>
    %reduce_sum3A_947 = vector.extract %reduce_sum3A_946[15] : i32 from vector<16xi32>
    %add3A_948 = arith.addi %add3A_930, %reduce_sum3A_947 : i32
    %lt3A_949 = arith.constant 5 : i32
    %lt3A_950 = arith.cmpi slt, %add3A_948, %lt3A_949 : i32
    %jit3A_951 = arith.constant 1.000000e+00 : f32
    %jit3A_952 = arith.constant 0.000000e+00 : f32
    %select_n3A_953 = arith.select %lt3A_950, %jit3A_951, %jit3A_952 : f32
    %add3A_954 = arith.addf %add3A_485, %select_n3A_953 : f32
    %add3A_955 = arith.constant 2 : i32
    %add3A_956 = arith.addi %mul3A_2, %add3A_955 : i32
    %mul3A_957 = arith.constant 32768 : i32
    %mul3A_958 = arith.muli %add3A_956, %mul3A_957 : i32
    %dma_wait3A_959 = tpu.memref_slice %arg3[%mul3A_958] : memref<4194304xf32, #tpu.memory_space<hbm>> -> memref<32768xf32, #tpu.memory_space<hbm>>
    %dma_wait3A_960 = tpu.memref_slice %arg3[%mul3A_958] : memref<4194304xf32, #tpu.memory_space<hbm>> -> memref<32768xf32, #tpu.memory_space<hbm>>
    tpu.wait_dma2 semaphore(%arg10 : memref<!tpu.dma_semaphore, #tpu.memory_space<semaphore_mem>>) src(%dma_wait3A_960 : memref<32768xf32, #tpu.memory_space<hbm>>) dst(%arg6 : memref<32768xf32, #tpu.memory_space<vmem>>)
    %broadcast_in_dim3A_961 = arith.constant -3.40282347E+38 : f32
    %broadcast_in_dim3A_962 = vector.broadcast %broadcast_in_dim3A_961 : f32 to vector<16xf32>
    %broadcast_in_dim3A_963 = arith.constant -3.40282347E+38 : f32
    %broadcast_in_dim3A_964 = vector.broadcast %broadcast_in_dim3A_963 : f32 to vector<16xf32>
    %broadcast_in_dim3A_965 = arith.constant -3.40282347E+38 : f32
    %broadcast_in_dim3A_966 = vector.broadcast %broadcast_in_dim3A_965 : f32 to vector<16xf32>
    %broadcast_in_dim3A_967 = arith.constant -3.40282347E+38 : f32
    %broadcast_in_dim3A_968 = vector.broadcast %broadcast_in_dim3A_967 : f32 to vector<16xf32>
    %broadcast_in_dim3A_969 = arith.constant -3.40282347E+38 : f32
    %broadcast_in_dim3A_970 = vector.broadcast %broadcast_in_dim3A_969 : f32 to vector<16xf32>
    %broadcast_in_dim3A_971 = arith.constant -3.40282347E+38 : f32
    %broadcast_in_dim3A_972 = vector.broadcast %broadcast_in_dim3A_971 : f32 to vector<16xf32>
    %broadcast_in_dim3A_973 = arith.constant -3.40282347E+38 : f32
    %broadcast_in_dim3A_974 = vector.broadcast %broadcast_in_dim3A_973 : f32 to vector<16xf32>
    %broadcast_in_dim3A_975 = arith.constant -3.40282347E+38 : f32
    %broadcast_in_dim3A_976 = vector.broadcast %broadcast_in_dim3A_975 : f32 to vector<16xf32>
    %broadcast_in_dim3A_977 = arith.constant 0 : i32
    %broadcast_in_dim3A_978 = vector.broadcast %broadcast_in_dim3A_977 : i32 to vector<16xi32>
    %broadcast_in_dim3A_979 = arith.constant 0 : i32
    %broadcast_in_dim3A_980 = vector.broadcast %broadcast_in_dim3A_979 : i32 to vector<16xi32>
    %broadcast_in_dim3A_981 = arith.constant 0 : i32
    %broadcast_in_dim3A_982 = vector.broadcast %broadcast_in_dim3A_981 : i32 to vector<16xi32>
    %broadcast_in_dim3A_983 = arith.constant 0 : i32
    %broadcast_in_dim3A_984 = vector.broadcast %broadcast_in_dim3A_983 : i32 to vector<16xi32>
    %broadcast_in_dim3A_985 = arith.constant 0 : i32
    %broadcast_in_dim3A_986 = vector.broadcast %broadcast_in_dim3A_985 : i32 to vector<16xi32>
    %broadcast_in_dim3A_987 = arith.constant 0 : i32
    %broadcast_in_dim3A_988 = vector.broadcast %broadcast_in_dim3A_987 : i32 to vector<16xi32>
    %broadcast_in_dim3A_989 = arith.constant 0 : i32
    %broadcast_in_dim3A_990 = vector.broadcast %broadcast_in_dim3A_989 : i32 to vector<16xi32>
    %broadcast_in_dim3A_991 = arith.constant 0 : i32
    %broadcast_in_dim3A_992 = vector.broadcast %broadcast_in_dim3A_991 : i32 to vector<16xi32>
    %scan3A_993 = arith.constant 0 : i32
    %scan3A_994 = arith.constant 256 : i32
    %scan3A_995 = arith.addi %scan3A_993, %scan3A_994 : i32
    %scan3A_996 = arith.constant 1 : i32
    %scan3A_997:16 = scf.for %scan3A_1412 = %scan3A_993 to %scan3A_995 step %scan3A_996 iter_args(%scan3A_1413 = %broadcast_in_dim3A_962, %scan3A_1414 = %broadcast_in_dim3A_964, %scan3A_1415 = %broadcast_in_dim3A_966, %scan3A_1416 = %broadcast_in_dim3A_968, %scan3A_1417 = %broadcast_in_dim3A_970, %scan3A_1418 = %broadcast_in_dim3A_972, %scan3A_1419 = %broadcast_in_dim3A_974, %scan3A_1420 = %broadcast_in_dim3A_976, %scan3A_1421 = %broadcast_in_dim3A_978, %scan3A_1422 = %broadcast_in_dim3A_980, %scan3A_1423 = %broadcast_in_dim3A_982, %scan3A_1424 = %broadcast_in_dim3A_984, %scan3A_1425 = %broadcast_in_dim3A_986, %scan3A_1426 = %broadcast_in_dim3A_988, %scan3A_1427 = %broadcast_in_dim3A_990, %scan3A_1428 = %broadcast_in_dim3A_992) -> (vector<16xf32>, vector<16xf32>, vector<16xf32>, vector<16xf32>, vector<16xf32>, vector<16xf32>, vector<16xf32>, vector<16xf32>, vector<16xi32>, vector<16xi32>, vector<16xi32>, vector<16xi32>, vector<16xi32>, vector<16xi32>, vector<16xi32>, vector<16xi32>)  : i32 {
      %mul3A_1429 = arith.constant 128 : i32
      %mul3A_1430 = arith.muli %scan3A_1412, %mul3A_1429 : i32
      %broadcast_in_dim3A_1431 = vector.broadcast %scan3A_1412 : i32 to vector<16xi32>
      %add3A_1432 = arith.constant 0 : i32
      %add3A_1433 = arith.addi %mul3A_1430, %add3A_1432 : i32
      %get3A_1434 = arith.index_cast %add3A_1433 : i32 to index
      %get3A_1435 = tpu.vector_load %arg6[%get3A_1434] {strides = array<i32>} : memref<32768xf32, #tpu.memory_space<vmem>>, vector<16xf32>,
      %gt3A_1436 = arith.cmpf ogt, %get3A_1435, %scan3A_1413 : vector<16xf32>
      %select_n3A_1437 = arith.select %gt3A_1436, %get3A_1435, %scan3A_1413 : vector<16xi1>, vector<16xf32>
      %select_n3A_1438 = arith.select %gt3A_1436, %broadcast_in_dim3A_1431, %scan3A_1421 : vector<16xi1>, vector<16xi32>
      %add3A_1439 = arith.constant 16 : i32
      %add3A_1440 = arith.addi %mul3A_1430, %add3A_1439 : i32
      %get3A_1441 = arith.index_cast %add3A_1440 : i32 to index
      %get3A_1442 = tpu.vector_load %arg6[%get3A_1441] {strides = array<i32>} : memref<32768xf32, #tpu.memory_space<vmem>>, vector<16xf32>,
      %gt3A_1443 = arith.cmpf ogt, %get3A_1442, %scan3A_1414 : vector<16xf32>
      %select_n3A_1444 = arith.select %gt3A_1443, %get3A_1442, %scan3A_1414 : vector<16xi1>, vector<16xf32>
      %select_n3A_1445 = arith.select %gt3A_1443, %broadcast_in_dim3A_1431, %scan3A_1422 : vector<16xi1>, vector<16xi32>
      %add3A_1446 = arith.constant 32 : i32
      %add3A_1447 = arith.addi %mul3A_1430, %add3A_1446 : i32
      %get3A_1448 = arith.index_cast %add3A_1447 : i32 to index
      %get3A_1449 = tpu.vector_load %arg6[%get3A_1448] {strides = array<i32>} : memref<32768xf32, #tpu.memory_space<vmem>>, vector<16xf32>,
      %gt3A_1450 = arith.cmpf ogt, %get3A_1449, %scan3A_1415 : vector<16xf32>
      %select_n3A_1451 = arith.select %gt3A_1450, %get3A_1449, %scan3A_1415 : vector<16xi1>, vector<16xf32>
      %select_n3A_1452 = arith.select %gt3A_1450, %broadcast_in_dim3A_1431, %scan3A_1423 : vector<16xi1>, vector<16xi32>
      %add3A_1453 = arith.constant 48 : i32
      %add3A_1454 = arith.addi %mul3A_1430, %add3A_1453 : i32
      %get3A_1455 = arith.index_cast %add3A_1454 : i32 to index
      %get3A_1456 = tpu.vector_load %arg6[%get3A_1455] {strides = array<i32>} : memref<32768xf32, #tpu.memory_space<vmem>>, vector<16xf32>,
      %gt3A_1457 = arith.cmpf ogt, %get3A_1456, %scan3A_1416 : vector<16xf32>
      %select_n3A_1458 = arith.select %gt3A_1457, %get3A_1456, %scan3A_1416 : vector<16xi1>, vector<16xf32>
      %select_n3A_1459 = arith.select %gt3A_1457, %broadcast_in_dim3A_1431, %scan3A_1424 : vector<16xi1>, vector<16xi32>
      %add3A_1460 = arith.constant 64 : i32
      %add3A_1461 = arith.addi %mul3A_1430, %add3A_1460 : i32
      %get3A_1462 = arith.index_cast %add3A_1461 : i32 to index
      %get3A_1463 = tpu.vector_load %arg6[%get3A_1462] {strides = array<i32>} : memref<32768xf32, #tpu.memory_space<vmem>>, vector<16xf32>,
      %gt3A_1464 = arith.cmpf ogt, %get3A_1463, %scan3A_1417 : vector<16xf32>
      %select_n3A_1465 = arith.select %gt3A_1464, %get3A_1463, %scan3A_1417 : vector<16xi1>, vector<16xf32>
      %select_n3A_1466 = arith.select %gt3A_1464, %broadcast_in_dim3A_1431, %scan3A_1425 : vector<16xi1>, vector<16xi32>
      %add3A_1467 = arith.constant 80 : i32
      %add3A_1468 = arith.addi %mul3A_1430, %add3A_1467 : i32
      %get3A_1469 = arith.index_cast %add3A_1468 : i32 to index
      %get3A_1470 = tpu.vector_load %arg6[%get3A_1469] {strides = array<i32>} : memref<32768xf32, #tpu.memory_space<vmem>>, vector<16xf32>,
      %gt3A_1471 = arith.cmpf ogt, %get3A_1470, %scan3A_1418 : vector<16xf32>
      %select_n3A_1472 = arith.select %gt3A_1471, %get3A_1470, %scan3A_1418 : vector<16xi1>, vector<16xf32>
      %select_n3A_1473 = arith.select %gt3A_1471, %broadcast_in_dim3A_1431, %scan3A_1426 : vector<16xi1>, vector<16xi32>
      %add3A_1474 = arith.constant 96 : i32
      %add3A_1475 = arith.addi %mul3A_1430, %add3A_1474 : i32
      %get3A_1476 = arith.index_cast %add3A_1475 : i32 to index
      %get3A_1477 = tpu.vector_load %arg6[%get3A_1476] {strides = array<i32>} : memref<32768xf32, #tpu.memory_space<vmem>>, vector<16xf32>,
      %gt3A_1478 = arith.cmpf ogt, %get3A_1477, %scan3A_1419 : vector<16xf32>
      %select_n3A_1479 = arith.select %gt3A_1478, %get3A_1477, %scan3A_1419 : vector<16xi1>, vector<16xf32>
      %select_n3A_1480 = arith.select %gt3A_1478, %broadcast_in_dim3A_1431, %scan3A_1427 : vector<16xi1>, vector<16xi32>
      %add3A_1481 = arith.constant 112 : i32
      %add3A_1482 = arith.addi %mul3A_1430, %add3A_1481 : i32
      %get3A_1483 = arith.index_cast %add3A_1482 : i32 to index
      %get3A_1484 = tpu.vector_load %arg6[%get3A_1483] {strides = array<i32>} : memref<32768xf32, #tpu.memory_space<vmem>>, vector<16xf32>,
      %gt3A_1485 = arith.cmpf ogt, %get3A_1484, %scan3A_1420 : vector<16xf32>
      %select_n3A_1486 = arith.select %gt3A_1485, %get3A_1484, %scan3A_1420 : vector<16xi1>, vector<16xf32>
      %select_n3A_1487 = arith.select %gt3A_1485, %broadcast_in_dim3A_1431, %scan3A_1428 : vector<16xi1>, vector<16xi32>
      scf.yield %select_n3A_1437, %select_n3A_1444, %select_n3A_1451, %select_n3A_1458, %select_n3A_1465, %select_n3A_1472, %select_n3A_1479, %select_n3A_1486, %select_n3A_1438, %select_n3A_1445, %select_n3A_1452, %select_n3A_1459, %select_n3A_1466, %select_n3A_1473, %select_n3A_1480, %select_n3A_1487 : vector<16xf32>, vector<16xf32>, vector<16xf32>, vector<16xf32>, vector<16xf32>, vector<16xf32>, vector<16xf32>, vector<16xf32>, vector<16xi32>, vector<16xi32>, vector<16xi32>, vector<16xi32>, vector<16xi32>, vector<16xi32>, vector<16xi32>, vector<16xi32>
    }
    %scan3A_998 = arith.constant 256 : i32
    %reduce_max3A_999 = arith.constant true
    %reduce_max3A_1000 = vector.broadcast %reduce_max3A_999 : i1 to vector<16xi1>
    %reduce_max3A_1001 = tpu.scan <max>, %scan3A_997#0 masked %reduce_max3A_1000 : vector<16xf32>, vector<16xi1> -> vector<16xf32>
    %reduce_max3A_1002 = vector.extract %reduce_max3A_1001[15] : f32 from vector<16xf32>
    %reduce_max3A_1003 = arith.constant true
    %reduce_max3A_1004 = vector.broadcast %reduce_max3A_1003 : i1 to vector<16xi1>
    %reduce_max3A_1005 = tpu.scan <max>, %scan3A_997#1 masked %reduce_max3A_1004 : vector<16xf32>, vector<16xi1> -> vector<16xf32>
    %reduce_max3A_1006 = vector.extract %reduce_max3A_1005[15] : f32 from vector<16xf32>
    %max3A_1007 = arith.maximumf %reduce_max3A_1002, %reduce_max3A_1006 : f32
    %reduce_max3A_1008 = arith.constant true
    %reduce_max3A_1009 = vector.broadcast %reduce_max3A_1008 : i1 to vector<16xi1>
    %reduce_max3A_1010 = tpu.scan <max>, %scan3A_997#2 masked %reduce_max3A_1009 : vector<16xf32>, vector<16xi1> -> vector<16xf32>
    %reduce_max3A_1011 = vector.extract %reduce_max3A_1010[15] : f32 from vector<16xf32>
    %max3A_1012 = arith.maximumf %max3A_1007, %reduce_max3A_1011 : f32
    %reduce_max3A_1013 = arith.constant true
    %reduce_max3A_1014 = vector.broadcast %reduce_max3A_1013 : i1 to vector<16xi1>
    %reduce_max3A_1015 = tpu.scan <max>, %scan3A_997#3 masked %reduce_max3A_1014 : vector<16xf32>, vector<16xi1> -> vector<16xf32>
    %reduce_max3A_1016 = vector.extract %reduce_max3A_1015[15] : f32 from vector<16xf32>
    %max3A_1017 = arith.maximumf %max3A_1012, %reduce_max3A_1016 : f32
    %reduce_max3A_1018 = arith.constant true
    %reduce_max3A_1019 = vector.broadcast %reduce_max3A_1018 : i1 to vector<16xi1>
    %reduce_max3A_1020 = tpu.scan <max>, %scan3A_997#4 masked %reduce_max3A_1019 : vector<16xf32>, vector<16xi1> -> vector<16xf32>
    %reduce_max3A_1021 = vector.extract %reduce_max3A_1020[15] : f32 from vector<16xf32>
    %max3A_1022 = arith.maximumf %max3A_1017, %reduce_max3A_1021 : f32
    %reduce_max3A_1023 = arith.constant true
    %reduce_max3A_1024 = vector.broadcast %reduce_max3A_1023 : i1 to vector<16xi1>
    %reduce_max3A_1025 = tpu.scan <max>, %scan3A_997#5 masked %reduce_max3A_1024 : vector<16xf32>, vector<16xi1> -> vector<16xf32>
    %reduce_max3A_1026 = vector.extract %reduce_max3A_1025[15] : f32 from vector<16xf32>
    %max3A_1027 = arith.maximumf %max3A_1022, %reduce_max3A_1026 : f32
    %reduce_max3A_1028 = arith.constant true
    %reduce_max3A_1029 = vector.broadcast %reduce_max3A_1028 : i1 to vector<16xi1>
    %reduce_max3A_1030 = tpu.scan <max>, %scan3A_997#6 masked %reduce_max3A_1029 : vector<16xf32>, vector<16xi1> -> vector<16xf32>
    %reduce_max3A_1031 = vector.extract %reduce_max3A_1030[15] : f32 from vector<16xf32>
    %max3A_1032 = arith.maximumf %max3A_1027, %reduce_max3A_1031 : f32
    %reduce_max3A_1033 = arith.constant true
    %reduce_max3A_1034 = vector.broadcast %reduce_max3A_1033 : i1 to vector<16xi1>
    %reduce_max3A_1035 = tpu.scan <max>, %scan3A_997#7 masked %reduce_max3A_1034 : vector<16xf32>, vector<16xi1> -> vector<16xf32>
    %reduce_max3A_1036 = vector.extract %reduce_max3A_1035[15] : f32 from vector<16xf32>
    %max3A_1037 = arith.maximumf %max3A_1032, %reduce_max3A_1036 : f32
    %mul3A_1038 = arith.constant 128 : i32
    %mul3A_1039 = vector.broadcast %mul3A_1038 : i32 to vector<16xi32>
    %mul3A_1040 = arith.muli %scan3A_997#8, %mul3A_1039 : vector<16xi32>
    %add3A_1041 = arith.addi %mul3A_1040, %add3A_5 : vector<16xi32>
    %eq3A_1042 = vector.broadcast %max3A_1037 : f32 to vector<16xf32>
    %eq3A_1043 = arith.cmpf oeq, %scan3A_997#0, %eq3A_1042 : vector<16xf32>
    %jit3A_1044 = arith.constant 32768 : i32
    %broadcast_in_dim3A_1045 = vector.broadcast %jit3A_1044 : i32 to vector<16xi32>
    %select_n3A_1046 = arith.select %eq3A_1043, %add3A_1041, %broadcast_in_dim3A_1045 : vector<16xi1>, vector<16xi32>
    %reduce_min3A_1047 = arith.constant true
    %reduce_min3A_1048 = vector.broadcast %reduce_min3A_1047 : i1 to vector<16xi1>
    %reduce_min3A_1049 = arith.constant -2147483648 : i32
    %reduce_min3A_1050 = vector.broadcast %reduce_min3A_1049 : i32 to vector<16xi32>
    %reduce_min3A_1051 = arith.xori %select_n3A_1046, %reduce_min3A_1050 : vector<16xi32>
    %reduce_min3A_1052 = tpu.scan <min>, %reduce_min3A_1051 masked %reduce_min3A_1048 : vector<16xi32>, vector<16xi1> -> vector<16xi32>
    %reduce_min3A_1053 = arith.xori %reduce_min3A_1052, %reduce_min3A_1050 : vector<16xi32>
    %reduce_min3A_1054 = vector.extract %reduce_min3A_1053[15] : i32 from vector<16xi32>
    %min3A_1055 = arith.constant 32768 : i32
    %min3A_1056 = arith.minsi %min3A_1055, %reduce_min3A_1054 : i32
    %mul3A_1057 = arith.constant 128 : i32
    %mul3A_1058 = vector.broadcast %mul3A_1057 : i32 to vector<16xi32>
    %mul3A_1059 = arith.muli %scan3A_997#9, %mul3A_1058 : vector<16xi32>
    %add3A_1060 = arith.addi %mul3A_1059, %add3A_8 : vector<16xi32>
    %eq3A_1061 = vector.broadcast %max3A_1037 : f32 to vector<16xf32>
    %eq3A_1062 = arith.cmpf oeq, %scan3A_997#1, %eq3A_1061 : vector<16xf32>
    %jit3A_1063 = arith.constant 32768 : i32
    %broadcast_in_dim3A_1064 = vector.broadcast %jit3A_1063 : i32 to vector<16xi32>
    %select_n3A_1065 = arith.select %eq3A_1062, %add3A_1060, %broadcast_in_dim3A_1064 : vector<16xi1>, vector<16xi32>
    %reduce_min3A_1066 = arith.constant true
    %reduce_min3A_1067 = vector.broadcast %reduce_min3A_1066 : i1 to vector<16xi1>
    %reduce_min3A_1068 = arith.constant -2147483648 : i32
    %reduce_min3A_1069 = vector.broadcast %reduce_min3A_1068 : i32 to vector<16xi32>
    %reduce_min3A_1070 = arith.xori %select_n3A_1065, %reduce_min3A_1069 : vector<16xi32>
    %reduce_min3A_1071 = tpu.scan <min>, %reduce_min3A_1070 masked %reduce_min3A_1067 : vector<16xi32>, vector<16xi1> -> vector<16xi32>
    %reduce_min3A_1072 = arith.xori %reduce_min3A_1071, %reduce_min3A_1069 : vector<16xi32>
    %reduce_min3A_1073 = vector.extract %reduce_min3A_1072[15] : i32 from vector<16xi32>
    %min3A_1074 = arith.minsi %min3A_1056, %reduce_min3A_1073 : i32
    %mul3A_1075 = arith.constant 128 : i32
    %mul3A_1076 = vector.broadcast %mul3A_1075 : i32 to vector<16xi32>
    %mul3A_1077 = arith.muli %scan3A_997#10, %mul3A_1076 : vector<16xi32>
    %add3A_1078 = arith.addi %mul3A_1077, %add3A_11 : vector<16xi32>
    %eq3A_1079 = vector.broadcast %max3A_1037 : f32 to vector<16xf32>
    %eq3A_1080 = arith.cmpf oeq, %scan3A_997#2, %eq3A_1079 : vector<16xf32>
    %jit3A_1081 = arith.constant 32768 : i32
    %broadcast_in_dim3A_1082 = vector.broadcast %jit3A_1081 : i32 to vector<16xi32>
    %select_n3A_1083 = arith.select %eq3A_1080, %add3A_1078, %broadcast_in_dim3A_1082 : vector<16xi1>, vector<16xi32>
    %reduce_min3A_1084 = arith.constant true
    %reduce_min3A_1085 = vector.broadcast %reduce_min3A_1084 : i1 to vector<16xi1>
    %reduce_min3A_1086 = arith.constant -2147483648 : i32
    %reduce_min3A_1087 = vector.broadcast %reduce_min3A_1086 : i32 to vector<16xi32>
    %reduce_min3A_1088 = arith.xori %select_n3A_1083, %reduce_min3A_1087 : vector<16xi32>
    %reduce_min3A_1089 = tpu.scan <min>, %reduce_min3A_1088 masked %reduce_min3A_1085 : vector<16xi32>, vector<16xi1> -> vector<16xi32>
    %reduce_min3A_1090 = arith.xori %reduce_min3A_1089, %reduce_min3A_1087 : vector<16xi32>
    %reduce_min3A_1091 = vector.extract %reduce_min3A_1090[15] : i32 from vector<16xi32>
    %min3A_1092 = arith.minsi %min3A_1074, %reduce_min3A_1091 : i32
    %mul3A_1093 = arith.constant 128 : i32
    %mul3A_1094 = vector.broadcast %mul3A_1093 : i32 to vector<16xi32>
    %mul3A_1095 = arith.muli %scan3A_997#11, %mul3A_1094 : vector<16xi32>
    %add3A_1096 = arith.addi %mul3A_1095, %add3A_14 : vector<16xi32>
    %eq3A_1097 = vector.broadcast %max3A_1037 : f32 to vector<16xf32>
    %eq3A_1098 = arith.cmpf oeq, %scan3A_997#3, %eq3A_1097 : vector<16xf32>
    %jit3A_1099 = arith.constant 32768 : i32
    %broadcast_in_dim3A_1100 = vector.broadcast %jit3A_1099 : i32 to vector<16xi32>
    %select_n3A_1101 = arith.select %eq3A_1098, %add3A_1096, %broadcast_in_dim3A_1100 : vector<16xi1>, vector<16xi32>
    %reduce_min3A_1102 = arith.constant true
    %reduce_min3A_1103 = vector.broadcast %reduce_min3A_1102 : i1 to vector<16xi1>
    %reduce_min3A_1104 = arith.constant -2147483648 : i32
    %reduce_min3A_1105 = vector.broadcast %reduce_min3A_1104 : i32 to vector<16xi32>
    %reduce_min3A_1106 = arith.xori %select_n3A_1101, %reduce_min3A_1105 : vector<16xi32>
    %reduce_min3A_1107 = tpu.scan <min>, %reduce_min3A_1106 masked %reduce_min3A_1103 : vector<16xi32>, vector<16xi1> -> vector<16xi32>
    %reduce_min3A_1108 = arith.xori %reduce_min3A_1107, %reduce_min3A_1105 : vector<16xi32>
    %reduce_min3A_1109 = vector.extract %reduce_min3A_1108[15] : i32 from vector<16xi32>
    %min3A_1110 = arith.minsi %min3A_1092, %reduce_min3A_1109 : i32
    %mul3A_1111 = arith.constant 128 : i32
    %mul3A_1112 = vector.broadcast %mul3A_1111 : i32 to vector<16xi32>
    %mul3A_1113 = arith.muli %scan3A_997#12, %mul3A_1112 : vector<16xi32>
    %add3A_1114 = arith.addi %mul3A_1113, %add3A_17 : vector<16xi32>
    %eq3A_1115 = vector.broadcast %max3A_1037 : f32 to vector<16xf32>
    %eq3A_1116 = arith.cmpf oeq, %scan3A_997#4, %eq3A_1115 : vector<16xf32>
    %jit3A_1117 = arith.constant 32768 : i32
    %broadcast_in_dim3A_1118 = vector.broadcast %jit3A_1117 : i32 to vector<16xi32>
    %select_n3A_1119 = arith.select %eq3A_1116, %add3A_1114, %broadcast_in_dim3A_1118 : vector<16xi1>, vector<16xi32>
    %reduce_min3A_1120 = arith.constant true
    %reduce_min3A_1121 = vector.broadcast %reduce_min3A_1120 : i1 to vector<16xi1>
    %reduce_min3A_1122 = arith.constant -2147483648 : i32
    %reduce_min3A_1123 = vector.broadcast %reduce_min3A_1122 : i32 to vector<16xi32>
    %reduce_min3A_1124 = arith.xori %select_n3A_1119, %reduce_min3A_1123 : vector<16xi32>
    %reduce_min3A_1125 = tpu.scan <min>, %reduce_min3A_1124 masked %reduce_min3A_1121 : vector<16xi32>, vector<16xi1> -> vector<16xi32>
    %reduce_min3A_1126 = arith.xori %reduce_min3A_1125, %reduce_min3A_1123 : vector<16xi32>
    %reduce_min3A_1127 = vector.extract %reduce_min3A_1126[15] : i32 from vector<16xi32>
    %min3A_1128 = arith.minsi %min3A_1110, %reduce_min3A_1127 : i32
    %mul3A_1129 = arith.constant 128 : i32
    %mul3A_1130 = vector.broadcast %mul3A_1129 : i32 to vector<16xi32>
    %mul3A_1131 = arith.muli %scan3A_997#13, %mul3A_1130 : vector<16xi32>
    %add3A_1132 = arith.addi %mul3A_1131, %add3A_20 : vector<16xi32>
    %eq3A_1133 = vector.broadcast %max3A_1037 : f32 to vector<16xf32>
    %eq3A_1134 = arith.cmpf oeq, %scan3A_997#5, %eq3A_1133 : vector<16xf32>
    %jit3A_1135 = arith.constant 32768 : i32
    %broadcast_in_dim3A_1136 = vector.broadcast %jit3A_1135 : i32 to vector<16xi32>
    %select_n3A_1137 = arith.select %eq3A_1134, %add3A_1132, %broadcast_in_dim3A_1136 : vector<16xi1>, vector<16xi32>
    %reduce_min3A_1138 = arith.constant true
    %reduce_min3A_1139 = vector.broadcast %reduce_min3A_1138 : i1 to vector<16xi1>
    %reduce_min3A_1140 = arith.constant -2147483648 : i32
    %reduce_min3A_1141 = vector.broadcast %reduce_min3A_1140 : i32 to vector<16xi32>
    %reduce_min3A_1142 = arith.xori %select_n3A_1137, %reduce_min3A_1141 : vector<16xi32>
    %reduce_min3A_1143 = tpu.scan <min>, %reduce_min3A_1142 masked %reduce_min3A_1139 : vector<16xi32>, vector<16xi1> -> vector<16xi32>
    %reduce_min3A_1144 = arith.xori %reduce_min3A_1143, %reduce_min3A_1141 : vector<16xi32>
    %reduce_min3A_1145 = vector.extract %reduce_min3A_1144[15] : i32 from vector<16xi32>
    %min3A_1146 = arith.minsi %min3A_1128, %reduce_min3A_1145 : i32
    %mul3A_1147 = arith.constant 128 : i32
    %mul3A_1148 = vector.broadcast %mul3A_1147 : i32 to vector<16xi32>
    %mul3A_1149 = arith.muli %scan3A_997#14, %mul3A_1148 : vector<16xi32>
    %add3A_1150 = arith.addi %mul3A_1149, %add3A_23 : vector<16xi32>
    %eq3A_1151 = vector.broadcast %max3A_1037 : f32 to vector<16xf32>
    %eq3A_1152 = arith.cmpf oeq, %scan3A_997#6, %eq3A_1151 : vector<16xf32>
    %jit3A_1153 = arith.constant 32768 : i32
    %broadcast_in_dim3A_1154 = vector.broadcast %jit3A_1153 : i32 to vector<16xi32>
    %select_n3A_1155 = arith.select %eq3A_1152, %add3A_1150, %broadcast_in_dim3A_1154 : vector<16xi1>, vector<16xi32>
    %reduce_min3A_1156 = arith.constant true
    %reduce_min3A_1157 = vector.broadcast %reduce_min3A_1156 : i1 to vector<16xi1>
    %reduce_min3A_1158 = arith.constant -2147483648 : i32
    %reduce_min3A_1159 = vector.broadcast %reduce_min3A_1158 : i32 to vector<16xi32>
    %reduce_min3A_1160 = arith.xori %select_n3A_1155, %reduce_min3A_1159 : vector<16xi32>
    %reduce_min3A_1161 = tpu.scan <min>, %reduce_min3A_1160 masked %reduce_min3A_1157 : vector<16xi32>, vector<16xi1> -> vector<16xi32>
    %reduce_min3A_1162 = arith.xori %reduce_min3A_1161, %reduce_min3A_1159 : vector<16xi32>
    %reduce_min3A_1163 = vector.extract %reduce_min3A_1162[15] : i32 from vector<16xi32>
    %min3A_1164 = arith.minsi %min3A_1146, %reduce_min3A_1163 : i32
    %mul3A_1165 = arith.constant 128 : i32
    %mul3A_1166 = vector.broadcast %mul3A_1165 : i32 to vector<16xi32>
    %mul3A_1167 = arith.muli %scan3A_997#15, %mul3A_1166 : vector<16xi32>
    %add3A_1168 = arith.addi %mul3A_1167, %add3A_26 : vector<16xi32>
    %eq3A_1169 = vector.broadcast %max3A_1037 : f32 to vector<16xf32>
    %eq3A_1170 = arith.cmpf oeq, %scan3A_997#7, %eq3A_1169 : vector<16xf32>
    %jit3A_1171 = arith.constant 32768 : i32
    %broadcast_in_dim3A_1172 = vector.broadcast %jit3A_1171 : i32 to vector<16xi32>
    %select_n3A_1173 = arith.select %eq3A_1170, %add3A_1168, %broadcast_in_dim3A_1172 : vector<16xi1>, vector<16xi32>
    %reduce_min3A_1174 = arith.constant true
    %reduce_min3A_1175 = vector.broadcast %reduce_min3A_1174 : i1 to vector<16xi1>
    %reduce_min3A_1176 = arith.constant -2147483648 : i32
    %reduce_min3A_1177 = vector.broadcast %reduce_min3A_1176 : i32 to vector<16xi32>
    %reduce_min3A_1178 = arith.xori %select_n3A_1173, %reduce_min3A_1177 : vector<16xi32>
    %reduce_min3A_1179 = tpu.scan <min>, %reduce_min3A_1178 masked %reduce_min3A_1175 : vector<16xi32>, vector<16xi1> -> vector<16xi32>
    %reduce_min3A_1180 = arith.xori %reduce_min3A_1179, %reduce_min3A_1177 : vector<16xi32>
    %reduce_min3A_1181 = vector.extract %reduce_min3A_1180[15] : i32 from vector<16xi32>
    %min3A_1182 = arith.minsi %min3A_1164, %reduce_min3A_1181 : i32
    %add3A_1183 = arith.constant 2 : i32
    %add3A_1184 = arith.addi %mul3A_2, %add3A_1183 : i32
    %dma_wait3A_1185 = arith.constant 0 : i32
    %dma_wait3A_1186 = tpu.memref_slice %arg2[%add3A_1184, %dma_wait3A_1185] : memref<128x32768xf32, #tpu.memory_space<hbm>> -> memref<1x32768xf32, #tpu.memory_space<hbm>>
    %dma_wait3A_1187 = tpu.memref_squeeze %dma_wait3A_1186 : memref<1x32768xf32, #tpu.memory_space<hbm>> -> memref<32768xf32, #tpu.memory_space<hbm>>
    %dma_wait3A_1188 = arith.constant 0 : i32
    %dma_wait3A_1189 = tpu.memref_slice %arg2[%add3A_1184, %dma_wait3A_1188] : memref<128x32768xf32, #tpu.memory_space<hbm>> -> memref<1x32768xf32, #tpu.memory_space<hbm>>
    %dma_wait3A_1190 = tpu.memref_squeeze %dma_wait3A_1189 : memref<1x32768xf32, #tpu.memory_space<hbm>> -> memref<32768xf32, #tpu.memory_space<hbm>>
    tpu.wait_dma2 semaphore(%arg11 : memref<!tpu.dma_semaphore, #tpu.memory_space<semaphore_mem>>) src(%dma_wait3A_1190 : memref<32768xf32, #tpu.memory_space<hbm>>) dst(%arg7 : memref<32768xf32, #tpu.memory_space<vmem>>)
    %broadcast_in_dim3A_1191 = vector.broadcast %min3A_1182 : i32 to vector<16xi32>
    %gather3A_1192 = tpu.vector_load_idx %arg7[%broadcast_in_dim3A_1191] : memref<32768xf32, #tpu.memory_space<vmem>>[vector<16xi32>], vector<16xf32>,
    %jit3A_1193 = arith.constant 128 : i32
    %div3A_1194 = arith.divsi %min3A_1182, %jit3A_1193 : i32
    %sign3A_1195 = arith.constant 0 : i32
    %sign3A_1196 = arith.cmpi sgt, %min3A_1182, %sign3A_1195 : i32
    %sign3A_1197 = arith.extui %sign3A_1196 : i1 to i32
    %sign3A_1198 = arith.constant 0 : i32
    %sign3A_1199 = arith.cmpi slt, %min3A_1182, %sign3A_1198 : i32
    %sign3A_1200 = arith.extui %sign3A_1199 : i1 to i32
    %sign3A_1201 = arith.subi %sign3A_1197, %sign3A_1200 : i32
    %sign3A_1202 = arith.constant 0 : i32
    %sign3A_1203 = arith.cmpi sgt, %jit3A_1193, %sign3A_1202 : i32
    %sign3A_1204 = arith.extui %sign3A_1203 : i1 to i32
    %sign3A_1205 = arith.constant 0 : i32
    %sign3A_1206 = arith.cmpi slt, %jit3A_1193, %sign3A_1205 : i32
    %sign3A_1207 = arith.extui %sign3A_1206 : i1 to i32
    %sign3A_1208 = arith.subi %sign3A_1204, %sign3A_1207 : i32
    %ne3A_1209 = arith.cmpi ne, %sign3A_1201, %sign3A_1208 : i32
    %rem3A_1210 = arith.remsi %min3A_1182, %jit3A_1193 : i32
    %ne3A_1211 = arith.constant 0 : i32
    %ne3A_1212 = arith.cmpi ne, %rem3A_1210, %ne3A_1211 : i32
    %and3A_1213 = arith.andi %ne3A_1209, %ne3A_1212 : i1
    %sub3A_1214 = arith.constant 1 : i32
    %sub3A_1215 = arith.subi %div3A_1194, %sub3A_1214 : i32
    %select_n3A_1216 = arith.select %and3A_1213, %sub3A_1215, %div3A_1194 : i32
    %broadcast_in_dim3A_1217 = arith.constant 0 : i32
    %broadcast_in_dim3A_1218 = vector.broadcast %broadcast_in_dim3A_1217 : i32 to vector<16xi32>
    %broadcast_in_dim3A_1219 = arith.constant 0 : i32
    %broadcast_in_dim3A_1220 = vector.broadcast %broadcast_in_dim3A_1219 : i32 to vector<16xi32>
    %broadcast_in_dim3A_1221 = arith.constant 0 : i32
    %broadcast_in_dim3A_1222 = vector.broadcast %broadcast_in_dim3A_1221 : i32 to vector<16xi32>
    %broadcast_in_dim3A_1223 = arith.constant 0 : i32
    %broadcast_in_dim3A_1224 = vector.broadcast %broadcast_in_dim3A_1223 : i32 to vector<16xi32>
    %broadcast_in_dim3A_1225 = arith.constant 0 : i32
    %broadcast_in_dim3A_1226 = vector.broadcast %broadcast_in_dim3A_1225 : i32 to vector<16xi32>
    %broadcast_in_dim3A_1227 = arith.constant 0 : i32
    %broadcast_in_dim3A_1228 = vector.broadcast %broadcast_in_dim3A_1227 : i32 to vector<16xi32>
    %broadcast_in_dim3A_1229 = arith.constant 0 : i32
    %broadcast_in_dim3A_1230 = vector.broadcast %broadcast_in_dim3A_1229 : i32 to vector<16xi32>
    %broadcast_in_dim3A_1231 = arith.constant 0 : i32
    %broadcast_in_dim3A_1232 = vector.broadcast %broadcast_in_dim3A_1231 : i32 to vector<16xi32>
    %while3A_1233 = arith.constant 0 : i32
    %while3A_1234 = arith.subi %select_n3A_1216, %while3A_1233 : i32
    %while3A_1235 = arith.addi %while3A_1233, %while3A_1234 : i32
    %while3A_1236 = arith.constant 1 : i32
    %while3A_1237 = arith.divsi %while3A_1234, %while3A_1236 : i32
    %while3A_1238 = arith.muli %while3A_1237, %while3A_1236 : i32
    %while3A_1239 = arith.addi %while3A_1233, %while3A_1238 : i32
    %while3A_1240 = arith.constant 1 : i32
    %while3A_1241:8 = scf.for %while3A_1412 = %while3A_1233 to %while3A_1239 step %while3A_1240 iter_args(%while3A_1413 = %broadcast_in_dim3A_1218, %while3A_1414 = %broadcast_in_dim3A_1220, %while3A_1415 = %broadcast_in_dim3A_1222, %while3A_1416 = %broadcast_in_dim3A_1224, %while3A_1417 = %broadcast_in_dim3A_1226, %while3A_1418 = %broadcast_in_dim3A_1228, %while3A_1419 = %broadcast_in_dim3A_1230, %while3A_1420 = %broadcast_in_dim3A_1232) -> (vector<16xi32>, vector<16xi32>, vector<16xi32>, vector<16xi32>, vector<16xi32>, vector<16xi32>, vector<16xi32>, vector<16xi32>)  : i32 {
      %mul3A_1421 = arith.constant 128 : i32
      %mul3A_1422 = arith.muli %while3A_1412, %mul3A_1421 : i32
      %add3A_1423 = arith.constant 0 : i32
      %add3A_1424 = arith.addi %mul3A_1422, %add3A_1423 : i32
      %get3A_1425 = arith.index_cast %add3A_1424 : i32 to index
      %get3A_1426 = tpu.vector_load %arg7[%get3A_1425] {strides = array<i32>} : memref<32768xf32, #tpu.memory_space<vmem>>, vector<16xf32>,
      %ge3A = arith.cmpf oge, %get3A_1426, %gather3A_1192 : vector<16xf32>
      %convert_element_type3A_1427 = arith.extui %ge3A : vector<16xi1> to vector<16xi32>
      %add3A_1428 = arith.addi %while3A_1413, %convert_element_type3A_1427 : vector<16xi32>
      %add3A_1429 = arith.constant 16 : i32
      %add3A_1430 = arith.addi %mul3A_1422, %add3A_1429 : i32
      %get3A_1431 = arith.index_cast %add3A_1430 : i32 to index
      %get3A_1432 = tpu.vector_load %arg7[%get3A_1431] {strides = array<i32>} : memref<32768xf32, #tpu.memory_space<vmem>>, vector<16xf32>,
      %ge3A_1433 = arith.cmpf oge, %get3A_1432, %gather3A_1192 : vector<16xf32>
      %convert_element_type3A_1434 = arith.extui %ge3A_1433 : vector<16xi1> to vector<16xi32>
      %add3A_1435 = arith.addi %while3A_1414, %convert_element_type3A_1434 : vector<16xi32>
      %add3A_1436 = arith.constant 32 : i32
      %add3A_1437 = arith.addi %mul3A_1422, %add3A_1436 : i32
      %get3A_1438 = arith.index_cast %add3A_1437 : i32 to index
      %get3A_1439 = tpu.vector_load %arg7[%get3A_1438] {strides = array<i32>} : memref<32768xf32, #tpu.memory_space<vmem>>, vector<16xf32>,
      %ge3A_1440 = arith.cmpf oge, %get3A_1439, %gather3A_1192 : vector<16xf32>
      %convert_element_type3A_1441 = arith.extui %ge3A_1440 : vector<16xi1> to vector<16xi32>
      %add3A_1442 = arith.addi %while3A_1415, %convert_element_type3A_1441 : vector<16xi32>
      %add3A_1443 = arith.constant 48 : i32
      %add3A_1444 = arith.addi %mul3A_1422, %add3A_1443 : i32
      %get3A_1445 = arith.index_cast %add3A_1444 : i32 to index
      %get3A_1446 = tpu.vector_load %arg7[%get3A_1445] {strides = array<i32>} : memref<32768xf32, #tpu.memory_space<vmem>>, vector<16xf32>,
      %ge3A_1447 = arith.cmpf oge, %get3A_1446, %gather3A_1192 : vector<16xf32>
      %convert_element_type3A_1448 = arith.extui %ge3A_1447 : vector<16xi1> to vector<16xi32>
      %add3A_1449 = arith.addi %while3A_1416, %convert_element_type3A_1448 : vector<16xi32>
      %add3A_1450 = arith.constant 64 : i32
      %add3A_1451 = arith.addi %mul3A_1422, %add3A_1450 : i32
      %get3A_1452 = arith.index_cast %add3A_1451 : i32 to index
      %get3A_1453 = tpu.vector_load %arg7[%get3A_1452] {strides = array<i32>} : memref<32768xf32, #tpu.memory_space<vmem>>, vector<16xf32>,
      %ge3A_1454 = arith.cmpf oge, %get3A_1453, %gather3A_1192 : vector<16xf32>
      %convert_element_type3A_1455 = arith.extui %ge3A_1454 : vector<16xi1> to vector<16xi32>
      %add3A_1456 = arith.addi %while3A_1417, %convert_element_type3A_1455 : vector<16xi32>
      %add3A_1457 = arith.constant 80 : i32
      %add3A_1458 = arith.addi %mul3A_1422, %add3A_1457 : i32
      %get3A_1459 = arith.index_cast %add3A_1458 : i32 to index
      %get3A_1460 = tpu.vector_load %arg7[%get3A_1459] {strides = array<i32>} : memref<32768xf32, #tpu.memory_space<vmem>>, vector<16xf32>,
      %ge3A_1461 = arith.cmpf oge, %get3A_1460, %gather3A_1192 : vector<16xf32>
      %convert_element_type3A_1462 = arith.extui %ge3A_1461 : vector<16xi1> to vector<16xi32>
      %add3A_1463 = arith.addi %while3A_1418, %convert_element_type3A_1462 : vector<16xi32>
      %add3A_1464 = arith.constant 96 : i32
      %add3A_1465 = arith.addi %mul3A_1422, %add3A_1464 : i32
      %get3A_1466 = arith.index_cast %add3A_1465 : i32 to index
      %get3A_1467 = tpu.vector_load %arg7[%get3A_1466] {strides = array<i32>} : memref<32768xf32, #tpu.memory_space<vmem>>, vector<16xf32>,
      %ge3A_1468 = arith.cmpf oge, %get3A_1467, %gather3A_1192 : vector<16xf32>
      %convert_element_type3A_1469 = arith.extui %ge3A_1468 : vector<16xi1> to vector<16xi32>
      %add3A_1470 = arith.addi %while3A_1419, %convert_element_type3A_1469 : vector<16xi32>
      %add3A_1471 = arith.constant 112 : i32
      %add3A_1472 = arith.addi %mul3A_1422, %add3A_1471 : i32
      %get3A_1473 = arith.index_cast %add3A_1472 : i32 to index
      %get3A_1474 = tpu.vector_load %arg7[%get3A_1473] {strides = array<i32>} : memref<32768xf32, #tpu.memory_space<vmem>>, vector<16xf32>,
      %ge3A_1475 = arith.cmpf oge, %get3A_1474, %gather3A_1192 : vector<16xf32>
      %convert_element_type3A_1476 = arith.extui %ge3A_1475 : vector<16xi1> to vector<16xi32>
      %add3A_1477 = arith.addi %while3A_1420, %convert_element_type3A_1476 : vector<16xi32>
      scf.yield %add3A_1428, %add3A_1435, %add3A_1442, %add3A_1449, %add3A_1456, %add3A_1463, %add3A_1470, %add3A_1477 : vector<16xi32>, vector<16xi32>, vector<16xi32>, vector<16xi32>, vector<16xi32>, vector<16xi32>, vector<16xi32>, vector<16xi32>
    }
    %while3A_1242 = arith.constant 1 : i32
    %while3A_1243:8 = scf.for %while3A_1412 = %while3A_1239 to %while3A_1235 step %while3A_1242 iter_args(%while3A_1413 = %while3A_1241#0, %while3A_1414 = %while3A_1241#1, %while3A_1415 = %while3A_1241#2, %while3A_1416 = %while3A_1241#3, %while3A_1417 = %while3A_1241#4, %while3A_1418 = %while3A_1241#5, %while3A_1419 = %while3A_1241#6, %while3A_1420 = %while3A_1241#7) -> (vector<16xi32>, vector<16xi32>, vector<16xi32>, vector<16xi32>, vector<16xi32>, vector<16xi32>, vector<16xi32>, vector<16xi32>)  : i32 {
      %mul3A_1421 = arith.constant 128 : i32
      %mul3A_1422 = arith.muli %while3A_1412, %mul3A_1421 : i32
      %add3A_1423 = arith.constant 0 : i32
      %add3A_1424 = arith.addi %mul3A_1422, %add3A_1423 : i32
      %get3A_1425 = arith.index_cast %add3A_1424 : i32 to index
      %get3A_1426 = tpu.vector_load %arg7[%get3A_1425] {strides = array<i32>} : memref<32768xf32, #tpu.memory_space<vmem>>, vector<16xf32>,
      %ge3A = arith.cmpf oge, %get3A_1426, %gather3A_1192 : vector<16xf32>
      %convert_element_type3A_1427 = arith.extui %ge3A : vector<16xi1> to vector<16xi32>
      %add3A_1428 = arith.addi %while3A_1413, %convert_element_type3A_1427 : vector<16xi32>
      %add3A_1429 = arith.constant 16 : i32
      %add3A_1430 = arith.addi %mul3A_1422, %add3A_1429 : i32
      %get3A_1431 = arith.index_cast %add3A_1430 : i32 to index
      %get3A_1432 = tpu.vector_load %arg7[%get3A_1431] {strides = array<i32>} : memref<32768xf32, #tpu.memory_space<vmem>>, vector<16xf32>,
      %ge3A_1433 = arith.cmpf oge, %get3A_1432, %gather3A_1192 : vector<16xf32>
      %convert_element_type3A_1434 = arith.extui %ge3A_1433 : vector<16xi1> to vector<16xi32>
      %add3A_1435 = arith.addi %while3A_1414, %convert_element_type3A_1434 : vector<16xi32>
      %add3A_1436 = arith.constant 32 : i32
      %add3A_1437 = arith.addi %mul3A_1422, %add3A_1436 : i32
      %get3A_1438 = arith.index_cast %add3A_1437 : i32 to index
      %get3A_1439 = tpu.vector_load %arg7[%get3A_1438] {strides = array<i32>} : memref<32768xf32, #tpu.memory_space<vmem>>, vector<16xf32>,
      %ge3A_1440 = arith.cmpf oge, %get3A_1439, %gather3A_1192 : vector<16xf32>
      %convert_element_type3A_1441 = arith.extui %ge3A_1440 : vector<16xi1> to vector<16xi32>
      %add3A_1442 = arith.addi %while3A_1415, %convert_element_type3A_1441 : vector<16xi32>
      %add3A_1443 = arith.constant 48 : i32
      %add3A_1444 = arith.addi %mul3A_1422, %add3A_1443 : i32
      %get3A_1445 = arith.index_cast %add3A_1444 : i32 to index
      %get3A_1446 = tpu.vector_load %arg7[%get3A_1445] {strides = array<i32>} : memref<32768xf32, #tpu.memory_space<vmem>>, vector<16xf32>,
      %ge3A_1447 = arith.cmpf oge, %get3A_1446, %gather3A_1192 : vector<16xf32>
      %convert_element_type3A_1448 = arith.extui %ge3A_1447 : vector<16xi1> to vector<16xi32>
      %add3A_1449 = arith.addi %while3A_1416, %convert_element_type3A_1448 : vector<16xi32>
      %add3A_1450 = arith.constant 64 : i32
      %add3A_1451 = arith.addi %mul3A_1422, %add3A_1450 : i32
      %get3A_1452 = arith.index_cast %add3A_1451 : i32 to index
      %get3A_1453 = tpu.vector_load %arg7[%get3A_1452] {strides = array<i32>} : memref<32768xf32, #tpu.memory_space<vmem>>, vector<16xf32>,
      %ge3A_1454 = arith.cmpf oge, %get3A_1453, %gather3A_1192 : vector<16xf32>
      %convert_element_type3A_1455 = arith.extui %ge3A_1454 : vector<16xi1> to vector<16xi32>
      %add3A_1456 = arith.addi %while3A_1417, %convert_element_type3A_1455 : vector<16xi32>
      %add3A_1457 = arith.constant 80 : i32
      %add3A_1458 = arith.addi %mul3A_1422, %add3A_1457 : i32
      %get3A_1459 = arith.index_cast %add3A_1458 : i32 to index
      %get3A_1460 = tpu.vector_load %arg7[%get3A_1459] {strides = array<i32>} : memref<32768xf32, #tpu.memory_space<vmem>>, vector<16xf32>,
      %ge3A_1461 = arith.cmpf oge, %get3A_1460, %gather3A_1192 : vector<16xf32>
      %convert_element_type3A_1462 = arith.extui %ge3A_1461 : vector<16xi1> to vector<16xi32>
      %add3A_1463 = arith.addi %while3A_1418, %convert_element_type3A_1462 : vector<16xi32>
      %add3A_1464 = arith.constant 96 : i32
      %add3A_1465 = arith.addi %mul3A_1422, %add3A_1464 : i32
      %get3A_1466 = arith.index_cast %add3A_1465 : i32 to index
      %get3A_1467 = tpu.vector_load %arg7[%get3A_1466] {strides = array<i32>} : memref<32768xf32, #tpu.memory_space<vmem>>, vector<16xf32>,
      %ge3A_1468 = arith.cmpf oge, %get3A_1467, %gather3A_1192 : vector<16xf32>
      %convert_element_type3A_1469 = arith.extui %ge3A_1468 : vector<16xi1> to vector<16xi32>
      %add3A_1470 = arith.addi %while3A_1419, %convert_element_type3A_1469 : vector<16xi32>
      %add3A_1471 = arith.constant 112 : i32
      %add3A_1472 = arith.addi %mul3A_1422, %add3A_1471 : i32
      %get3A_1473 = arith.index_cast %add3A_1472 : i32 to index
      %get3A_1474 = tpu.vector_load %arg7[%get3A_1473] {strides = array<i32>} : memref<32768xf32, #tpu.memory_space<vmem>>, vector<16xf32>,
      %ge3A_1475 = arith.cmpf oge, %get3A_1474, %gather3A_1192 : vector<16xf32>
      %convert_element_type3A_1476 = arith.extui %ge3A_1475 : vector<16xi1> to vector<16xi32>
      %add3A_1477 = arith.addi %while3A_1420, %convert_element_type3A_1476 : vector<16xi32>
      scf.yield %add3A_1428, %add3A_1435, %add3A_1442, %add3A_1449, %add3A_1456, %add3A_1463, %add3A_1470, %add3A_1477 : vector<16xi32>, vector<16xi32>, vector<16xi32>, vector<16xi32>, vector<16xi32>, vector<16xi32>, vector<16xi32>, vector<16xi32>
    }
    %add3A_1244 = arith.constant 1 : i32
    %add3A_1245 = arith.addi %select_n3A_1216, %add3A_1244 : i32
    %while3A_1246 = arith.constant 256 : i32
    %while3A_1247 = arith.subi %while3A_1246, %add3A_1245 : i32
    %while3A_1248 = arith.addi %add3A_1245, %while3A_1247 : i32
    %while3A_1249 = arith.constant 1 : i32
    %while3A_1250 = arith.divsi %while3A_1247, %while3A_1249 : i32
    %while3A_1251 = arith.muli %while3A_1250, %while3A_1249 : i32
    %while3A_1252 = arith.addi %add3A_1245, %while3A_1251 : i32
    %while3A_1253 = arith.constant 1 : i32
    %while3A_1254:8 = scf.for %while3A_1412 = %add3A_1245 to %while3A_1252 step %while3A_1253 iter_args(%while3A_1413 = %while3A_1243#0, %while3A_1414 = %while3A_1243#1, %while3A_1415 = %while3A_1243#2, %while3A_1416 = %while3A_1243#3, %while3A_1417 = %while3A_1243#4, %while3A_1418 = %while3A_1243#5, %while3A_1419 = %while3A_1243#6, %while3A_1420 = %while3A_1243#7) -> (vector<16xi32>, vector<16xi32>, vector<16xi32>, vector<16xi32>, vector<16xi32>, vector<16xi32>, vector<16xi32>, vector<16xi32>)  : i32 {
      %mul3A_1421 = arith.constant 128 : i32
      %mul3A_1422 = arith.muli %while3A_1412, %mul3A_1421 : i32
      %add3A_1423 = arith.constant 0 : i32
      %add3A_1424 = arith.addi %mul3A_1422, %add3A_1423 : i32
      %get3A_1425 = arith.index_cast %add3A_1424 : i32 to index
      %get3A_1426 = tpu.vector_load %arg7[%get3A_1425] {strides = array<i32>} : memref<32768xf32, #tpu.memory_space<vmem>>, vector<16xf32>,
      %gt3A_1427 = arith.cmpf ogt, %get3A_1426, %gather3A_1192 : vector<16xf32>
      %convert_element_type3A_1428 = arith.extui %gt3A_1427 : vector<16xi1> to vector<16xi32>
      %add3A_1429 = arith.addi %while3A_1413, %convert_element_type3A_1428 : vector<16xi32>
      %add3A_1430 = arith.constant 16 : i32
      %add3A_1431 = arith.addi %mul3A_1422, %add3A_1430 : i32
      %get3A_1432 = arith.index_cast %add3A_1431 : i32 to index
      %get3A_1433 = tpu.vector_load %arg7[%get3A_1432] {strides = array<i32>} : memref<32768xf32, #tpu.memory_space<vmem>>, vector<16xf32>,
      %gt3A_1434 = arith.cmpf ogt, %get3A_1433, %gather3A_1192 : vector<16xf32>
      %convert_element_type3A_1435 = arith.extui %gt3A_1434 : vector<16xi1> to vector<16xi32>
      %add3A_1436 = arith.addi %while3A_1414, %convert_element_type3A_1435 : vector<16xi32>
      %add3A_1437 = arith.constant 32 : i32
      %add3A_1438 = arith.addi %mul3A_1422, %add3A_1437 : i32
      %get3A_1439 = arith.index_cast %add3A_1438 : i32 to index
      %get3A_1440 = tpu.vector_load %arg7[%get3A_1439] {strides = array<i32>} : memref<32768xf32, #tpu.memory_space<vmem>>, vector<16xf32>,
      %gt3A_1441 = arith.cmpf ogt, %get3A_1440, %gather3A_1192 : vector<16xf32>
      %convert_element_type3A_1442 = arith.extui %gt3A_1441 : vector<16xi1> to vector<16xi32>
      %add3A_1443 = arith.addi %while3A_1415, %convert_element_type3A_1442 : vector<16xi32>
      %add3A_1444 = arith.constant 48 : i32
      %add3A_1445 = arith.addi %mul3A_1422, %add3A_1444 : i32
      %get3A_1446 = arith.index_cast %add3A_1445 : i32 to index
      %get3A_1447 = tpu.vector_load %arg7[%get3A_1446] {strides = array<i32>} : memref<32768xf32, #tpu.memory_space<vmem>>, vector<16xf32>,
      %gt3A_1448 = arith.cmpf ogt, %get3A_1447, %gather3A_1192 : vector<16xf32>
      %convert_element_type3A_1449 = arith.extui %gt3A_1448 : vector<16xi1> to vector<16xi32>
      %add3A_1450 = arith.addi %while3A_1416, %convert_element_type3A_1449 : vector<16xi32>
      %add3A_1451 = arith.constant 64 : i32
      %add3A_1452 = arith.addi %mul3A_1422, %add3A_1451 : i32
      %get3A_1453 = arith.index_cast %add3A_1452 : i32 to index
      %get3A_1454 = tpu.vector_load %arg7[%get3A_1453] {strides = array<i32>} : memref<32768xf32, #tpu.memory_space<vmem>>, vector<16xf32>,
      %gt3A_1455 = arith.cmpf ogt, %get3A_1454, %gather3A_1192 : vector<16xf32>
      %convert_element_type3A_1456 = arith.extui %gt3A_1455 : vector<16xi1> to vector<16xi32>
      %add3A_1457 = arith.addi %while3A_1417, %convert_element_type3A_1456 : vector<16xi32>
      %add3A_1458 = arith.constant 80 : i32
      %add3A_1459 = arith.addi %mul3A_1422, %add3A_1458 : i32
      %get3A_1460 = arith.index_cast %add3A_1459 : i32 to index
      %get3A_1461 = tpu.vector_load %arg7[%get3A_1460] {strides = array<i32>} : memref<32768xf32, #tpu.memory_space<vmem>>, vector<16xf32>,
      %gt3A_1462 = arith.cmpf ogt, %get3A_1461, %gather3A_1192 : vector<16xf32>
      %convert_element_type3A_1463 = arith.extui %gt3A_1462 : vector<16xi1> to vector<16xi32>
      %add3A_1464 = arith.addi %while3A_1418, %convert_element_type3A_1463 : vector<16xi32>
      %add3A_1465 = arith.constant 96 : i32
      %add3A_1466 = arith.addi %mul3A_1422, %add3A_1465 : i32
      %get3A_1467 = arith.index_cast %add3A_1466 : i32 to index
      %get3A_1468 = tpu.vector_load %arg7[%get3A_1467] {strides = array<i32>} : memref<32768xf32, #tpu.memory_space<vmem>>, vector<16xf32>,
      %gt3A_1469 = arith.cmpf ogt, %get3A_1468, %gather3A_1192 : vector<16xf32>
      %convert_element_type3A_1470 = arith.extui %gt3A_1469 : vector<16xi1> to vector<16xi32>
      %add3A_1471 = arith.addi %while3A_1419, %convert_element_type3A_1470 : vector<16xi32>
      %add3A_1472 = arith.constant 112 : i32
      %add3A_1473 = arith.addi %mul3A_1422, %add3A_1472 : i32
      %get3A_1474 = arith.index_cast %add3A_1473 : i32 to index
      %get3A_1475 = tpu.vector_load %arg7[%get3A_1474] {strides = array<i32>} : memref<32768xf32, #tpu.memory_space<vmem>>, vector<16xf32>,
      %gt3A_1476 = arith.cmpf ogt, %get3A_1475, %gather3A_1192 : vector<16xf32>
      %convert_element_type3A_1477 = arith.extui %gt3A_1476 : vector<16xi1> to vector<16xi32>
      %add3A_1478 = arith.addi %while3A_1420, %convert_element_type3A_1477 : vector<16xi32>
      scf.yield %add3A_1429, %add3A_1436, %add3A_1443, %add3A_1450, %add3A_1457, %add3A_1464, %add3A_1471, %add3A_1478 : vector<16xi32>, vector<16xi32>, vector<16xi32>, vector<16xi32>, vector<16xi32>, vector<16xi32>, vector<16xi32>, vector<16xi32>
    }
    %while3A_1255 = arith.constant 1 : i32
    %while3A_1256:8 = scf.for %while3A_1412 = %while3A_1252 to %while3A_1248 step %while3A_1255 iter_args(%while3A_1413 = %while3A_1254#0, %while3A_1414 = %while3A_1254#1, %while3A_1415 = %while3A_1254#2, %while3A_1416 = %while3A_1254#3, %while3A_1417 = %while3A_1254#4, %while3A_1418 = %while3A_1254#5, %while3A_1419 = %while3A_1254#6, %while3A_1420 = %while3A_1254#7) -> (vector<16xi32>, vector<16xi32>, vector<16xi32>, vector<16xi32>, vector<16xi32>, vector<16xi32>, vector<16xi32>, vector<16xi32>)  : i32 {
      %mul3A_1421 = arith.constant 128 : i32
      %mul3A_1422 = arith.muli %while3A_1412, %mul3A_1421 : i32
      %add3A_1423 = arith.constant 0 : i32
      %add3A_1424 = arith.addi %mul3A_1422, %add3A_1423 : i32
      %get3A_1425 = arith.index_cast %add3A_1424 : i32 to index
      %get3A_1426 = tpu.vector_load %arg7[%get3A_1425] {strides = array<i32>} : memref<32768xf32, #tpu.memory_space<vmem>>, vector<16xf32>,
      %gt3A_1427 = arith.cmpf ogt, %get3A_1426, %gather3A_1192 : vector<16xf32>
      %convert_element_type3A_1428 = arith.extui %gt3A_1427 : vector<16xi1> to vector<16xi32>
      %add3A_1429 = arith.addi %while3A_1413, %convert_element_type3A_1428 : vector<16xi32>
      %add3A_1430 = arith.constant 16 : i32
      %add3A_1431 = arith.addi %mul3A_1422, %add3A_1430 : i32
      %get3A_1432 = arith.index_cast %add3A_1431 : i32 to index
      %get3A_1433 = tpu.vector_load %arg7[%get3A_1432] {strides = array<i32>} : memref<32768xf32, #tpu.memory_space<vmem>>, vector<16xf32>,
      %gt3A_1434 = arith.cmpf ogt, %get3A_1433, %gather3A_1192 : vector<16xf32>
      %convert_element_type3A_1435 = arith.extui %gt3A_1434 : vector<16xi1> to vector<16xi32>
      %add3A_1436 = arith.addi %while3A_1414, %convert_element_type3A_1435 : vector<16xi32>
      %add3A_1437 = arith.constant 32 : i32
      %add3A_1438 = arith.addi %mul3A_1422, %add3A_1437 : i32
      %get3A_1439 = arith.index_cast %add3A_1438 : i32 to index
      %get3A_1440 = tpu.vector_load %arg7[%get3A_1439] {strides = array<i32>} : memref<32768xf32, #tpu.memory_space<vmem>>, vector<16xf32>,
      %gt3A_1441 = arith.cmpf ogt, %get3A_1440, %gather3A_1192 : vector<16xf32>
      %convert_element_type3A_1442 = arith.extui %gt3A_1441 : vector<16xi1> to vector<16xi32>
      %add3A_1443 = arith.addi %while3A_1415, %convert_element_type3A_1442 : vector<16xi32>
      %add3A_1444 = arith.constant 48 : i32
      %add3A_1445 = arith.addi %mul3A_1422, %add3A_1444 : i32
      %get3A_1446 = arith.index_cast %add3A_1445 : i32 to index
      %get3A_1447 = tpu.vector_load %arg7[%get3A_1446] {strides = array<i32>} : memref<32768xf32, #tpu.memory_space<vmem>>, vector<16xf32>,
      %gt3A_1448 = arith.cmpf ogt, %get3A_1447, %gather3A_1192 : vector<16xf32>
      %convert_element_type3A_1449 = arith.extui %gt3A_1448 : vector<16xi1> to vector<16xi32>
      %add3A_1450 = arith.addi %while3A_1416, %convert_element_type3A_1449 : vector<16xi32>
      %add3A_1451 = arith.constant 64 : i32
      %add3A_1452 = arith.addi %mul3A_1422, %add3A_1451 : i32
      %get3A_1453 = arith.index_cast %add3A_1452 : i32 to index
      %get3A_1454 = tpu.vector_load %arg7[%get3A_1453] {strides = array<i32>} : memref<32768xf32, #tpu.memory_space<vmem>>, vector<16xf32>,
      %gt3A_1455 = arith.cmpf ogt, %get3A_1454, %gather3A_1192 : vector<16xf32>
      %convert_element_type3A_1456 = arith.extui %gt3A_1455 : vector<16xi1> to vector<16xi32>
      %add3A_1457 = arith.addi %while3A_1417, %convert_element_type3A_1456 : vector<16xi32>
      %add3A_1458 = arith.constant 80 : i32
      %add3A_1459 = arith.addi %mul3A_1422, %add3A_1458 : i32
      %get3A_1460 = arith.index_cast %add3A_1459 : i32 to index
      %get3A_1461 = tpu.vector_load %arg7[%get3A_1460] {strides = array<i32>} : memref<32768xf32, #tpu.memory_space<vmem>>, vector<16xf32>,
      %gt3A_1462 = arith.cmpf ogt, %get3A_1461, %gather3A_1192 : vector<16xf32>
      %convert_element_type3A_1463 = arith.extui %gt3A_1462 : vector<16xi1> to vector<16xi32>
      %add3A_1464 = arith.addi %while3A_1418, %convert_element_type3A_1463 : vector<16xi32>
      %add3A_1465 = arith.constant 96 : i32
      %add3A_1466 = arith.addi %mul3A_1422, %add3A_1465 : i32
      %get3A_1467 = arith.index_cast %add3A_1466 : i32 to index
      %get3A_1468 = tpu.vector_load %arg7[%get3A_1467] {strides = array<i32>} : memref<32768xf32, #tpu.memory_space<vmem>>, vector<16xf32>,
      %gt3A_1469 = arith.cmpf ogt, %get3A_1468, %gather3A_1192 : vector<16xf32>
      %convert_element_type3A_1470 = arith.extui %gt3A_1469 : vector<16xi1> to vector<16xi32>
      %add3A_1471 = arith.addi %while3A_1419, %convert_element_type3A_1470 : vector<16xi32>
      %add3A_1472 = arith.constant 112 : i32
      %add3A_1473 = arith.addi %mul3A_1422, %add3A_1472 : i32
      %get3A_1474 = arith.index_cast %add3A_1473 : i32 to index
      %get3A_1475 = tpu.vector_load %arg7[%get3A_1474] {strides = array<i32>} : memref<32768xf32, #tpu.memory_space<vmem>>, vector<16xf32>,
      %gt3A_1476 = arith.cmpf ogt, %get3A_1475, %gather3A_1192 : vector<16xf32>
      %convert_element_type3A_1477 = arith.extui %gt3A_1476 : vector<16xi1> to vector<16xi32>
      %add3A_1478 = arith.addi %while3A_1420, %convert_element_type3A_1477 : vector<16xi32>
      scf.yield %add3A_1429, %add3A_1436, %add3A_1443, %add3A_1450, %add3A_1457, %add3A_1464, %add3A_1471, %add3A_1478 : vector<16xi32>, vector<16xi32>, vector<16xi32>, vector<16xi32>, vector<16xi32>, vector<16xi32>, vector<16xi32>, vector<16xi32>
    }
    %mul3A_1257 = arith.constant 128 : i32
    %mul3A_1258 = arith.muli %select_n3A_1216, %mul3A_1257 : i32
    %add3A_1259 = arith.constant 0 : i32
    %add3A_1260 = arith.addi %mul3A_1258, %add3A_1259 : i32
    %get3A_1261 = arith.index_cast %add3A_1260 : i32 to index
    %get3A_1262 = tpu.vector_load %arg7[%get3A_1261] {strides = array<i32>} : memref<32768xf32, #tpu.memory_space<vmem>>, vector<16xf32>,
    %add3A_1263 = vector.broadcast %mul3A_1258 : i32 to vector<16xi32>
    %add3A_1264 = arith.addi %add3A_5, %add3A_1263 : vector<16xi32>
    %gt3A_1265 = arith.cmpf ogt, %get3A_1262, %gather3A_1192 : vector<16xf32>
    %eq3A_1266 = arith.cmpf oeq, %get3A_1262, %gather3A_1192 : vector<16xf32>
    %lt3A_1267 = arith.cmpi slt, %add3A_1264, %broadcast_in_dim3A_1191 : vector<16xi32>
    %and3A_1268 = arith.andi %eq3A_1266, %lt3A_1267 : vector<16xi1>
    %or3A_1269 = arith.ori %gt3A_1265, %and3A_1268 : vector<16xi1>
    %convert_element_type3A_1270 = arith.extui %or3A_1269 : vector<16xi1> to vector<16xi32>
    %add3A_1271 = arith.addi %convert_element_type3A_1270, %while3A_1256#0 : vector<16xi32>
    %reduce_sum3A_1272 = arith.constant true
    %reduce_sum3A_1273 = vector.broadcast %reduce_sum3A_1272 : i1 to vector<16xi1>
    %reduce_sum3A_1274 = tpu.scan <sum>, %add3A_1271 masked %reduce_sum3A_1273 : vector<16xi32>, vector<16xi1> -> vector<16xi32>
    %reduce_sum3A_1275 = vector.extract %reduce_sum3A_1274[15] : i32 from vector<16xi32>
    %add3A_1276 = arith.constant 0 : i32
    %add3A_1277 = arith.addi %add3A_1276, %reduce_sum3A_1275 : i32
    %add3A_1278 = arith.constant 16 : i32
    %add3A_1279 = arith.addi %mul3A_1258, %add3A_1278 : i32
    %get3A_1280 = arith.index_cast %add3A_1279 : i32 to index
    %get3A_1281 = tpu.vector_load %arg7[%get3A_1280] {strides = array<i32>} : memref<32768xf32, #tpu.memory_space<vmem>>, vector<16xf32>,
    %add3A_1282 = vector.broadcast %mul3A_1258 : i32 to vector<16xi32>
    %add3A_1283 = arith.addi %add3A_8, %add3A_1282 : vector<16xi32>
    %gt3A_1284 = arith.cmpf ogt, %get3A_1281, %gather3A_1192 : vector<16xf32>
    %eq3A_1285 = arith.cmpf oeq, %get3A_1281, %gather3A_1192 : vector<16xf32>
    %lt3A_1286 = arith.cmpi slt, %add3A_1283, %broadcast_in_dim3A_1191 : vector<16xi32>
    %and3A_1287 = arith.andi %eq3A_1285, %lt3A_1286 : vector<16xi1>
    %or3A_1288 = arith.ori %gt3A_1284, %and3A_1287 : vector<16xi1>
    %convert_element_type3A_1289 = arith.extui %or3A_1288 : vector<16xi1> to vector<16xi32>
    %add3A_1290 = arith.addi %convert_element_type3A_1289, %while3A_1256#1 : vector<16xi32>
    %reduce_sum3A_1291 = arith.constant true
    %reduce_sum3A_1292 = vector.broadcast %reduce_sum3A_1291 : i1 to vector<16xi1>
    %reduce_sum3A_1293 = tpu.scan <sum>, %add3A_1290 masked %reduce_sum3A_1292 : vector<16xi32>, vector<16xi1> -> vector<16xi32>
    %reduce_sum3A_1294 = vector.extract %reduce_sum3A_1293[15] : i32 from vector<16xi32>
    %add3A_1295 = arith.addi %add3A_1277, %reduce_sum3A_1294 : i32
    %add3A_1296 = arith.constant 32 : i32
    %add3A_1297 = arith.addi %mul3A_1258, %add3A_1296 : i32
    %get3A_1298 = arith.index_cast %add3A_1297 : i32 to index
    %get3A_1299 = tpu.vector_load %arg7[%get3A_1298] {strides = array<i32>} : memref<32768xf32, #tpu.memory_space<vmem>>, vector<16xf32>,
    %add3A_1300 = vector.broadcast %mul3A_1258 : i32 to vector<16xi32>
    %add3A_1301 = arith.addi %add3A_11, %add3A_1300 : vector<16xi32>
    %gt3A_1302 = arith.cmpf ogt, %get3A_1299, %gather3A_1192 : vector<16xf32>
    %eq3A_1303 = arith.cmpf oeq, %get3A_1299, %gather3A_1192 : vector<16xf32>
    %lt3A_1304 = arith.cmpi slt, %add3A_1301, %broadcast_in_dim3A_1191 : vector<16xi32>
    %and3A_1305 = arith.andi %eq3A_1303, %lt3A_1304 : vector<16xi1>
    %or3A_1306 = arith.ori %gt3A_1302, %and3A_1305 : vector<16xi1>
    %convert_element_type3A_1307 = arith.extui %or3A_1306 : vector<16xi1> to vector<16xi32>
    %add3A_1308 = arith.addi %convert_element_type3A_1307, %while3A_1256#2 : vector<16xi32>
    %reduce_sum3A_1309 = arith.constant true
    %reduce_sum3A_1310 = vector.broadcast %reduce_sum3A_1309 : i1 to vector<16xi1>
    %reduce_sum3A_1311 = tpu.scan <sum>, %add3A_1308 masked %reduce_sum3A_1310 : vector<16xi32>, vector<16xi1> -> vector<16xi32>
    %reduce_sum3A_1312 = vector.extract %reduce_sum3A_1311[15] : i32 from vector<16xi32>
    %add3A_1313 = arith.addi %add3A_1295, %reduce_sum3A_1312 : i32
    %add3A_1314 = arith.constant 48 : i32
    %add3A_1315 = arith.addi %mul3A_1258, %add3A_1314 : i32
    %get3A_1316 = arith.index_cast %add3A_1315 : i32 to index
    %get3A_1317 = tpu.vector_load %arg7[%get3A_1316] {strides = array<i32>} : memref<32768xf32, #tpu.memory_space<vmem>>, vector<16xf32>,
    %add3A_1318 = vector.broadcast %mul3A_1258 : i32 to vector<16xi32>
    %add3A_1319 = arith.addi %add3A_14, %add3A_1318 : vector<16xi32>
    %gt3A_1320 = arith.cmpf ogt, %get3A_1317, %gather3A_1192 : vector<16xf32>
    %eq3A_1321 = arith.cmpf oeq, %get3A_1317, %gather3A_1192 : vector<16xf32>
    %lt3A_1322 = arith.cmpi slt, %add3A_1319, %broadcast_in_dim3A_1191 : vector<16xi32>
    %and3A_1323 = arith.andi %eq3A_1321, %lt3A_1322 : vector<16xi1>
    %or3A_1324 = arith.ori %gt3A_1320, %and3A_1323 : vector<16xi1>
    %convert_element_type3A_1325 = arith.extui %or3A_1324 : vector<16xi1> to vector<16xi32>
    %add3A_1326 = arith.addi %convert_element_type3A_1325, %while3A_1256#3 : vector<16xi32>
    %reduce_sum3A_1327 = arith.constant true
    %reduce_sum3A_1328 = vector.broadcast %reduce_sum3A_1327 : i1 to vector<16xi1>
    %reduce_sum3A_1329 = tpu.scan <sum>, %add3A_1326 masked %reduce_sum3A_1328 : vector<16xi32>, vector<16xi1> -> vector<16xi32>
    %reduce_sum3A_1330 = vector.extract %reduce_sum3A_1329[15] : i32 from vector<16xi32>
    %add3A_1331 = arith.addi %add3A_1313, %reduce_sum3A_1330 : i32
    %add3A_1332 = arith.constant 64 : i32
    %add3A_1333 = arith.addi %mul3A_1258, %add3A_1332 : i32
    %get3A_1334 = arith.index_cast %add3A_1333 : i32 to index
    %get3A_1335 = tpu.vector_load %arg7[%get3A_1334] {strides = array<i32>} : memref<32768xf32, #tpu.memory_space<vmem>>, vector<16xf32>,
    %add3A_1336 = vector.broadcast %mul3A_1258 : i32 to vector<16xi32>
    %add3A_1337 = arith.addi %add3A_17, %add3A_1336 : vector<16xi32>
    %gt3A_1338 = arith.cmpf ogt, %get3A_1335, %gather3A_1192 : vector<16xf32>
    %eq3A_1339 = arith.cmpf oeq, %get3A_1335, %gather3A_1192 : vector<16xf32>
    %lt3A_1340 = arith.cmpi slt, %add3A_1337, %broadcast_in_dim3A_1191 : vector<16xi32>
    %and3A_1341 = arith.andi %eq3A_1339, %lt3A_1340 : vector<16xi1>
    %or3A_1342 = arith.ori %gt3A_1338, %and3A_1341 : vector<16xi1>
    %convert_element_type3A_1343 = arith.extui %or3A_1342 : vector<16xi1> to vector<16xi32>
    %add3A_1344 = arith.addi %convert_element_type3A_1343, %while3A_1256#4 : vector<16xi32>
    %reduce_sum3A_1345 = arith.constant true
    %reduce_sum3A_1346 = vector.broadcast %reduce_sum3A_1345 : i1 to vector<16xi1>
    %reduce_sum3A_1347 = tpu.scan <sum>, %add3A_1344 masked %reduce_sum3A_1346 : vector<16xi32>, vector<16xi1> -> vector<16xi32>
    %reduce_sum3A_1348 = vector.extract %reduce_sum3A_1347[15] : i32 from vector<16xi32>
    %add3A_1349 = arith.addi %add3A_1331, %reduce_sum3A_1348 : i32
    %add3A_1350 = arith.constant 80 : i32
    %add3A_1351 = arith.addi %mul3A_1258, %add3A_1350 : i32
    %get3A_1352 = arith.index_cast %add3A_1351 : i32 to index
    %get3A_1353 = tpu.vector_load %arg7[%get3A_1352] {strides = array<i32>} : memref<32768xf32, #tpu.memory_space<vmem>>, vector<16xf32>,
    %add3A_1354 = vector.broadcast %mul3A_1258 : i32 to vector<16xi32>
    %add3A_1355 = arith.addi %add3A_20, %add3A_1354 : vector<16xi32>
    %gt3A_1356 = arith.cmpf ogt, %get3A_1353, %gather3A_1192 : vector<16xf32>
    %eq3A_1357 = arith.cmpf oeq, %get3A_1353, %gather3A_1192 : vector<16xf32>
    %lt3A_1358 = arith.cmpi slt, %add3A_1355, %broadcast_in_dim3A_1191 : vector<16xi32>
    %and3A_1359 = arith.andi %eq3A_1357, %lt3A_1358 : vector<16xi1>
    %or3A_1360 = arith.ori %gt3A_1356, %and3A_1359 : vector<16xi1>
    %convert_element_type3A_1361 = arith.extui %or3A_1360 : vector<16xi1> to vector<16xi32>
    %add3A_1362 = arith.addi %convert_element_type3A_1361, %while3A_1256#5 : vector<16xi32>
    %reduce_sum3A_1363 = arith.constant true
    %reduce_sum3A_1364 = vector.broadcast %reduce_sum3A_1363 : i1 to vector<16xi1>
    %reduce_sum3A_1365 = tpu.scan <sum>, %add3A_1362 masked %reduce_sum3A_1364 : vector<16xi32>, vector<16xi1> -> vector<16xi32>
    %reduce_sum3A_1366 = vector.extract %reduce_sum3A_1365[15] : i32 from vector<16xi32>
    %add3A_1367 = arith.addi %add3A_1349, %reduce_sum3A_1366 : i32
    %add3A_1368 = arith.constant 96 : i32
    %add3A_1369 = arith.addi %mul3A_1258, %add3A_1368 : i32
    %get3A_1370 = arith.index_cast %add3A_1369 : i32 to index
    %get3A_1371 = tpu.vector_load %arg7[%get3A_1370] {strides = array<i32>} : memref<32768xf32, #tpu.memory_space<vmem>>, vector<16xf32>,
    %add3A_1372 = vector.broadcast %mul3A_1258 : i32 to vector<16xi32>
    %add3A_1373 = arith.addi %add3A_23, %add3A_1372 : vector<16xi32>
    %gt3A_1374 = arith.cmpf ogt, %get3A_1371, %gather3A_1192 : vector<16xf32>
    %eq3A_1375 = arith.cmpf oeq, %get3A_1371, %gather3A_1192 : vector<16xf32>
    %lt3A_1376 = arith.cmpi slt, %add3A_1373, %broadcast_in_dim3A_1191 : vector<16xi32>
    %and3A_1377 = arith.andi %eq3A_1375, %lt3A_1376 : vector<16xi1>
    %or3A_1378 = arith.ori %gt3A_1374, %and3A_1377 : vector<16xi1>
    %convert_element_type3A_1379 = arith.extui %or3A_1378 : vector<16xi1> to vector<16xi32>
    %add3A_1380 = arith.addi %convert_element_type3A_1379, %while3A_1256#6 : vector<16xi32>
    %reduce_sum3A_1381 = arith.constant true
    %reduce_sum3A_1382 = vector.broadcast %reduce_sum3A_1381 : i1 to vector<16xi1>
    %reduce_sum3A_1383 = tpu.scan <sum>, %add3A_1380 masked %reduce_sum3A_1382 : vector<16xi32>, vector<16xi1> -> vector<16xi32>
    %reduce_sum3A_1384 = vector.extract %reduce_sum3A_1383[15] : i32 from vector<16xi32>
    %add3A_1385 = arith.addi %add3A_1367, %reduce_sum3A_1384 : i32
    %add3A_1386 = arith.constant 112 : i32
    %add3A_1387 = arith.addi %mul3A_1258, %add3A_1386 : i32
    %get3A_1388 = arith.index_cast %add3A_1387 : i32 to index
    %get3A_1389 = tpu.vector_load %arg7[%get3A_1388] {strides = array<i32>} : memref<32768xf32, #tpu.memory_space<vmem>>, vector<16xf32>,
    %add3A_1390 = vector.broadcast %mul3A_1258 : i32 to vector<16xi32>
    %add3A_1391 = arith.addi %add3A_26, %add3A_1390 : vector<16xi32>
    %gt3A_1392 = arith.cmpf ogt, %get3A_1389, %gather3A_1192 : vector<16xf32>
    %eq3A_1393 = arith.cmpf oeq, %get3A_1389, %gather3A_1192 : vector<16xf32>
    %lt3A_1394 = arith.cmpi slt, %add3A_1391, %broadcast_in_dim3A_1191 : vector<16xi32>
    %and3A_1395 = arith.andi %eq3A_1393, %lt3A_1394 : vector<16xi1>
    %or3A_1396 = arith.ori %gt3A_1392, %and3A_1395 : vector<16xi1>
    %convert_element_type3A_1397 = arith.extui %or3A_1396 : vector<16xi1> to vector<16xi32>
    %add3A_1398 = arith.addi %convert_element_type3A_1397, %while3A_1256#7 : vector<16xi32>
    %reduce_sum3A_1399 = arith.constant true
    %reduce_sum3A_1400 = vector.broadcast %reduce_sum3A_1399 : i1 to vector<16xi1>
    %reduce_sum3A_1401 = tpu.scan <sum>, %add3A_1398 masked %reduce_sum3A_1400 : vector<16xi32>, vector<16xi1> -> vector<16xi32>
    %reduce_sum3A_1402 = vector.extract %reduce_sum3A_1401[15] : i32 from vector<16xi32>
    %add3A_1403 = arith.addi %add3A_1385, %reduce_sum3A_1402 : i32
    %lt3A_1404 = arith.constant 5 : i32
    %lt3A_1405 = arith.cmpi slt, %add3A_1403, %lt3A_1404 : i32
    %jit3A_1406 = arith.constant 1.000000e+00 : f32
    %jit3A_1407 = arith.constant 0.000000e+00 : f32
    %select_n3A_1408 = arith.select %lt3A_1405, %jit3A_1406, %jit3A_1407 : f32
    %add3A_1409 = arith.addf %add3A_954, %select_n3A_1408 : f32
    %broadcast_in_dim3A_1410 = vector.broadcast %add3A_1409 : f32 to vector<16xf32>
    %swap3A = arith.constant 0 : index
    %swap3A_1411 = tpu.vector_load %arg8[%swap3A] {strides = array<i32>} : memref<16xf32, #tpu.memory_space<vmem>>, vector<16xf32>,
    tpu.vector_store %arg8[%swap3A], %broadcast_in_dim3A_1410 {strides = array<i32>} : memref<16xf32, #tpu.memory_space<vmem>>, vector<16xf32>,
    "tpu.region"() ({
      %run_scoped3A = tpu.sem_alloc : memref<!tpu.dma_semaphore, #tpu.memory_space<semaphore_mem>>
      %dma_start3A_1412 = arith.constant 0 : i32
      %dma_start3A_1413 = tpu.memref_slice %arg4[%add3A, %dma_start3A_1412] : memref<32x16xf32, #tpu.memory_space<hbm>> -> memref<1x16xf32, #tpu.memory_space<hbm>>
      %dma_start3A_1414 = tpu.memref_squeeze %dma_start3A_1413 : memref<1x16xf32, #tpu.memory_space<hbm>> -> memref<16xf32, #tpu.memory_space<hbm>>
      %dma_start3A_1415 = arith.constant 0 : i32
      %dma_start3A_1416 = tpu.memref_slice %arg4[%add3A, %dma_start3A_1415] : memref<32x16xf32, #tpu.memory_space<hbm>> -> memref<1x16xf32, #tpu.memory_space<hbm>>
      %dma_start3A_1417 = tpu.memref_squeeze %dma_start3A_1416 : memref<1x16xf32, #tpu.memory_space<hbm>> -> memref<16xf32, #tpu.memory_space<hbm>>
      tpu.enqueue_dma source(%arg8 : memref<16xf32, #tpu.memory_space<vmem>>) target(%dma_start3A_1417 : memref<16xf32, #tpu.memory_space<hbm>>) target_semaphore(%run_scoped3A : memref<!tpu.dma_semaphore, #tpu.memory_space<semaphore_mem>>)
      %dma_wait3A_1418 = arith.constant 0 : i32
      %dma_wait3A_1419 = tpu.memref_slice %arg4[%add3A, %dma_wait3A_1418] : memref<32x16xf32, #tpu.memory_space<hbm>> -> memref<1x16xf32, #tpu.memory_space<hbm>>
      %dma_wait3A_1420 = tpu.memref_squeeze %dma_wait3A_1419 : memref<1x16xf32, #tpu.memory_space<hbm>> -> memref<16xf32, #tpu.memory_space<hbm>>
      %dma_wait3A_1421 = arith.constant 0 : i32
      %dma_wait3A_1422 = tpu.memref_slice %arg4[%add3A, %dma_wait3A_1421] : memref<32x16xf32, #tpu.memory_space<hbm>> -> memref<1x16xf32, #tpu.memory_space<hbm>>
      %dma_wait3A_1423 = tpu.memref_squeeze %dma_wait3A_1422 : memref<1x16xf32, #tpu.memory_space<hbm>> -> memref<16xf32, #tpu.memory_space<hbm>>
      tpu.wait_dma2 semaphore(%run_scoped3A : memref<!tpu.dma_semaphore, #tpu.memory_space<semaphore_mem>>) src(%arg8 : memref<16xf32, #tpu.memory_space<vmem>>) dst(%dma_wait3A_1423 : memref<16xf32, #tpu.memory_space<hbm>>)
      tpu.yield
    }) : () -> ()
    return
  }
}

module attributes {stable_mosaic.version = 14 : i64} {
  func.func @_tc_count(%arg0: i32, %arg1: memref<32x32768xf32, #tpu.memory_space<vmem>>, %arg2: memref<32x1x128xi32, #tpu.memory_space<vmem>>, %arg3: memref<1x1xf32, #tpu.memory_space<vmem>>) attributes {dimension_semantics = [#tpu.dimension_semantics<arbitrary>], iteration_bounds = array<i64: 1>, scalar_prefetch = 0 : i64, scratch_operands = 0 : i64, tpu.core_type = #tpu.core_type<tc>, window_params = [{transform_indices = @transform_0, window_bounds = array<i64: 32, 32768>}, {pipeline_mode = #tpu.pipeline_mode<synchronous>, transform_indices = @transform_1, window_bounds = array<i64: 32, 1, 128>}, {pipeline_mode = #tpu.pipeline_mode<synchronous>, transform_indices = @transform_2, window_bounds = array<i64: 1, 1>}]} {
    %get3A = arith.constant 0 : index
    %get3A_0 = arith.constant 0 : index
    %get3A_1 = vector.load %arg1[%get3A, %get3A_0] : memref<32x32768xf32, #tpu.memory_space<vmem>>, vector<32x32768xf32>
    %get3A_2 = arith.constant 0 : index
    %get3A_3 = arith.constant 0 : index
    %get3A_4 = arith.constant 0 : index
    %get3A_5 = vector.load %arg2[%get3A_2, %get3A_3, %get3A_4] : memref<32x1x128xi32, #tpu.memory_space<vmem>>, vector<32x1x128xi32>
    %slice3A = vector.extract_strided_slice %get3A_5 {offsets = [0, 0, 0], sizes = [32, 1, 1], strides = [1, 1, 1]} : vector<32x1x128xi32> to vector<32x1x1xi32>
    %squeeze3A = vector.shape_cast %slice3A : vector<32x1x1xi32> to vector<32x1xi32>
    %iota3A = tpu.iota {dimensions = array<i32: 1>} : vector<32x32768xi32>
    %eq3A = vector.broadcast %squeeze3A : vector<32x1xi32> to vector<32x32768xi32>
    %eq3A_6 = arith.cmpi eq, %iota3A, %eq3A : vector<32x32768xi32>
    %jit3A = arith.constant 0.000000e+00 : f32
    %broadcast_in_dim3A = vector.broadcast %jit3A : f32 to vector<32x32768xf32>
    %select_n3A = arith.select %eq3A_6, %get3A_1, %broadcast_in_dim3A : vector<32x32768xi1>, vector<32x32768xf32>
    %reduce_sum3A = arith.constant dense<0.000000e+00> : vector<32xf32>
    %reduce_sum3A_7 = vector.multi_reduction <add>, %select_n3A, %reduce_sum3A [1] : vector<32x32768xf32> to vector<32xf32>
    %broadcast_in_dim3A_8 = vector.shape_cast %reduce_sum3A_7 : vector<32xf32> to vector<32x1xf32>
    %gt3A = vector.broadcast %broadcast_in_dim3A_8 : vector<32x1xf32> to vector<32x32768xf32>
    %gt3A_9 = arith.cmpf ogt, %get3A_1, %gt3A : vector<32x32768xf32>
    %eq3A_10 = vector.broadcast %broadcast_in_dim3A_8 : vector<32x1xf32> to vector<32x32768xf32>
    %eq3A_11 = arith.cmpf oeq, %get3A_1, %eq3A_10 : vector<32x32768xf32>
    %lt3A = vector.broadcast %squeeze3A : vector<32x1xi32> to vector<32x32768xi32>
    %lt3A_12 = arith.cmpi slt, %iota3A, %lt3A : vector<32x32768xi32>
    %and3A = arith.andi %eq3A_11, %lt3A_12 : vector<32x32768xi1>
    %or3A = arith.ori %gt3A_9, %and3A : vector<32x32768xi1>
    %convert_element_type3A = arith.extui %or3A : vector<32x32768xi1> to vector<32x32768xi32>
    %reduce_sum3A_13 = arith.constant dense<0> : vector<32xi32>
    %reduce_sum3A_14 = vector.multi_reduction <add>, %convert_element_type3A, %reduce_sum3A_13 [1] : vector<32x32768xi32> to vector<32xi32>
    %broadcast_in_dim3A_15 = vector.shape_cast %reduce_sum3A_14 : vector<32xi32> to vector<32x1xi32>
    %lt3A_16 = arith.constant 5 : i32
    %lt3A_17 = vector.broadcast %lt3A_16 : i32 to vector<32x1xi32>
    %lt3A_18 = arith.cmpi slt, %broadcast_in_dim3A_15, %lt3A_17 : vector<32x1xi32>
    %convert_element_type3A_19 = arith.extui %lt3A_18 : vector<32x1xi1> to vector<32x1xi32>
    %convert_element_type3A_20 = arith.sitofp %convert_element_type3A_19 : vector<32x1xi32> to vector<32x1xf32>
    %reduce_sum3A_21 = vector.shape_cast %convert_element_type3A_20 : vector<32x1xf32> to vector<1x32x1xf32>
    %reduce_sum3A_22 = arith.constant dense<0.000000e+00> : vector<1xf32>
    %reduce_sum3A_23 = vector.multi_reduction <add>, %reduce_sum3A_21, %reduce_sum3A_22 [1, 2] : vector<1x32x1xf32> to vector<1xf32>
    %reduce_sum3A_24 = vector.shape_cast %reduce_sum3A_23 : vector<1xf32> to vector<1x1x1xf32>
    %reduce_sum3A_25 = vector.extract %reduce_sum3A_24[0, 0, 0] : f32 from vector<1x1x1xf32>
    %broadcast_in_dim3A_26 = vector.broadcast %reduce_sum3A_25 : f32 to vector<1x1xf32>
    %swap3A = arith.constant 0 : index
    %swap3A_27 = arith.constant 0 : index
    %swap3A_28 = vector.load %arg3[%swap3A, %swap3A_27] : memref<1x1xf32, #tpu.memory_space<vmem>>, vector<1x1xf32>
    tpu.vector_store %arg3[%swap3A, %swap3A_27], %broadcast_in_dim3A_26 {strides = array<i32>} : memref<1x1xf32, #tpu.memory_space<vmem>>, vector<1x1xf32>,
    return
  }
  func.func @transform_0(%arg0: i32) -> (i32, i32) {
    %c3_i32 = arith.constant 3 : i32
    %c0_i32 = arith.constant 0 : i32
    %c0_i32_0 = arith.constant 0 : i32
    return %c3_i32, %c0_i32 : i32, i32
  }
  func.func @transform_1(%arg0: i32) -> (i32, i32, i32) {
    %c0_i32 = arith.constant 0 : i32
    %c0_i32_0 = arith.constant 0 : i32
    %c0_i32_1 = arith.constant 0 : i32
    %c0_i32_2 = arith.constant 0 : i32
    return %c0_i32, %c0_i32_0, %c0_i32_1 : i32, i32, i32
  }
  func.func @transform_2(%arg0: i32) -> (i32, i32) {
    %c0_i32 = arith.constant 0 : i32
    %c0_i32_0 = arith.constant 0 : i32
    %c0_i32_1 = arith.constant 0 : i32
    return %c0_i32, %c0_i32_0 : i32, i32
  }
}

module attributes {stable_mosaic.version = 14 : i64} {
  func.func @_tc_argmax(%arg0: i32, %arg1: memref<8192x128xf32, #tpu.memory_space<vmem>>, %arg2: memref<32x1x128xi32, #tpu.memory_space<vmem>>) attributes {dimension_semantics = [#tpu.dimension_semantics<arbitrary>], iteration_bounds = array<i64: 1>, scalar_prefetch = 0 : i64, scratch_operands = 0 : i64, tpu.core_type = #tpu.core_type<tc>, window_params = [{transform_indices = @transform_0, window_bounds = array<i64: 8192, 128>}, {pipeline_mode = #tpu.pipeline_mode<synchronous>, transform_indices = @transform_1, window_bounds = array<i64: 32, 1, 128>}]} {
    %get3A = arith.constant 0 : index
    %get3A_0 = arith.constant 0 : index
    %get3A_1 = vector.load %arg1[%get3A, %get3A_0] : memref<8192x128xf32, #tpu.memory_space<vmem>>, vector<8192x128xf32>
    %reshape3A = vector.shape_cast %get3A_1 : vector<8192x128xf32> to vector<32x256x128xf32>
    %reduce_max3A = arith.constant dense<0xFF800000> : vector<32x128xf32>
    %reduce_max3A_2 = vector.multi_reduction <maximumf>, %reshape3A, %reduce_max3A [1] : vector<32x256x128xf32> to vector<32x128xf32>
    %reduce_max3A_3 = arith.constant dense<0xFF800000> : vector<32xf32>
    %reduce_max3A_4 = vector.multi_reduction <maximumf>, %reduce_max3A_2, %reduce_max3A_3 [1] : vector<32x128xf32> to vector<32xf32>
    %broadcast_in_dim3A = vector.shape_cast %reduce_max3A_4 : vector<32xf32> to vector<32x1xf32>
    %iota3A = tpu.iota {dimensions = array<i32: 1>} : vector<32x256x128xi32>
    %iota3A_5 = tpu.iota {dimensions = array<i32: 2>} : vector<32x256x128xi32>
    %mul3A = arith.constant 128 : i32
    %mul3A_6 = vector.broadcast %mul3A : i32 to vector<32x256x128xi32>
    %mul3A_7 = arith.muli %iota3A, %mul3A_6 : vector<32x256x128xi32>
    %add3A = arith.addi %mul3A_7, %iota3A_5 : vector<32x256x128xi32>
    %broadcast_in_dim3A_8 = vector.shape_cast %broadcast_in_dim3A : vector<32x1xf32> to vector<32x1x1xf32>
    %eq3A = vector.broadcast %broadcast_in_dim3A_8 : vector<32x1x1xf32> to vector<32x256x128xf32>
    %eq3A_9 = arith.cmpf oeq, %reshape3A, %eq3A : vector<32x256x128xf32>
    %jit3A = arith.constant 32768 : i32
    %broadcast_in_dim3A_10 = vector.broadcast %jit3A : i32 to vector<32x256x128xi32>
    %select_n3A = arith.select %eq3A_9, %add3A, %broadcast_in_dim3A_10 : vector<32x256x128xi1>, vector<32x256x128xi32>
    %reduce_min3A = arith.constant dense<2147483647> : vector<32x128xi32>
    %reduce_min3A_11 = vector.multi_reduction <minsi>, %select_n3A, %reduce_min3A [1] : vector<32x256x128xi32> to vector<32x128xi32>
    %reduce_min3A_12 = arith.constant dense<2147483647> : vector<32xi32>
    %reduce_min3A_13 = vector.multi_reduction <minsi>, %reduce_min3A_11, %reduce_min3A_12 [1] : vector<32x128xi32> to vector<32xi32>
    %broadcast_in_dim3A_14 = vector.shape_cast %reduce_min3A_13 : vector<32xi32> to vector<32x1xi32>
    %broadcast_in_dim3A_15 = vector.shape_cast %broadcast_in_dim3A_14 : vector<32x1xi32> to vector<32x1x1xi32>
    %broadcast_in_dim3A_16 = vector.shape_cast %broadcast_in_dim3A_15 : vector<32x1x1xi32> to vector<32x1x1xi32>
    %broadcast_in_dim3A_17 = vector.broadcast %broadcast_in_dim3A_16 : vector<32x1x1xi32> to vector<32x1x128xi32>
    %swap3A = arith.constant 0 : index
    %swap3A_18 = arith.constant 0 : index
    %swap3A_19 = arith.constant 0 : index
    %swap3A_20 = vector.load %arg2[%swap3A, %swap3A_18, %swap3A_19] : memref<32x1x128xi32, #tpu.memory_space<vmem>>, vector<32x1x128xi32>
    tpu.vector_store %arg2[%swap3A, %swap3A_18, %swap3A_19], %broadcast_in_dim3A_17 {strides = array<i32>} : memref<32x1x128xi32, #tpu.memory_space<vmem>>, vector<32x1x128xi32>,
    return
  }
  func.func @transform_0(%arg0: i32) -> (i32, i32) {
    %c3_i32 = arith.constant 3 : i32
    %c0_i32 = arith.constant 0 : i32
    %c0_i32_0 = arith.constant 0 : i32
    return %c3_i32, %c0_i32 : i32, i32
  }
  func.func @transform_1(%arg0: i32) -> (i32, i32, i32) {
    %c0_i32 = arith.constant 0 : i32
    %c0_i32_0 = arith.constant 0 : i32
    %c0_i32_1 = arith.constant 0 : i32
    %c0_i32_2 = arith.constant 0 : i32
    return %c0_i32, %c0_i32_0, %c0_i32_1 : i32, i32, i32
  }
}

module attributes {stable_mosaic.version = 14 : i64} {
  func.func @_tc_merge(%arg0: memref<32x16xf32, #tpu.memory_space<vmem>>, %arg1: memref<1x1xf32, #tpu.memory_space<vmem>>, %arg2: memref<1x1xf32, #tpu.memory_space<vmem>>) attributes {dimension_semantics = [], scalar_prefetch = 0 : i64, scratch_operands = 0 : i64, tpu.core_type = #tpu.core_type<tc>} {
    %get3A = arith.constant 0 : index
    %get3A_0 = arith.constant 0 : index
    %get3A_1 = vector.load %arg0[%get3A, %get3A_0] : memref<32x16xf32, #tpu.memory_space<vmem>>, vector<32x16xf32>
    %reduce_sum3A = vector.shape_cast %get3A_1 : vector<32x16xf32> to vector<1x32x16xf32>
    %reduce_sum3A_2 = arith.constant dense<0.000000e+00> : vector<1xf32>
    %reduce_sum3A_3 = vector.multi_reduction <add>, %reduce_sum3A, %reduce_sum3A_2 [1, 2] : vector<1x32x16xf32> to vector<1xf32>
    %reduce_sum3A_4 = vector.shape_cast %reduce_sum3A_3 : vector<1xf32> to vector<1x1x1xf32>
    %reduce_sum3A_5 = vector.extract %reduce_sum3A_4[0, 0, 0] : f32 from vector<1x1x1xf32>
    %mul3A = arith.constant 6.250000e-02 : f32
    %mul3A_6 = arith.mulf %reduce_sum3A_5, %mul3A : f32
    %get3A_7 = arith.constant 0 : index
    %get3A_8 = arith.constant 0 : index
    %get3A_9 = vector.load %arg1[%get3A_7, %get3A_8] : memref<1x1xf32, #tpu.memory_space<vmem>>, vector<1x1xf32>
    %get3A_10 = vector.extract %get3A_9[0, 0] : f32 from vector<1x1xf32>
    %add3A = arith.addf %mul3A_6, %get3A_10 : f32
    %div3A = arith.constant 1.280000e+02 : f32
    %div3A_11 = arith.divf %add3A, %div3A : f32
    %sub3A = arith.constant 1.000000e+00 : f32
    %sub3A_12 = arith.subf %sub3A, %div3A_11 : f32
    %mul3A_13 = arith.constant 1.000000e+02 : f32
    %mul3A_14 = arith.mulf %sub3A_12, %mul3A_13 : f32
    %broadcast_in_dim3A = vector.broadcast %mul3A_14 : f32 to vector<1x1xf32>
    %swap3A = arith.constant 0 : index
    %swap3A_15 = arith.constant 0 : index
    %swap3A_16 = vector.load %arg2[%swap3A, %swap3A_15] : memref<1x1xf32, #tpu.memory_space<vmem>>, vector<1x1xf32>
    tpu.vector_store %arg2[%swap3A, %swap3A_15], %broadcast_in_dim3A {strides = array<i32>} : memref<1x1xf32, #tpu.memory_space<vmem>>, vector<1x1xf32>,
    return
  }
}

</mosaic_0001>

<sc_bundles>
// kernel: kernel.6.cloned.1.call-start
scs
__scs_entry_jumppad:
0x0: {  	(pc) =	sbr.rel $0x88, $3  }
0x1: {  	(tag) =	ssettag $0x0;
	lr =	simm.s32 $0x1  }
0x2: {  	[smem:$0x3F9F] =	sst lr;
	_ =	strace $0xD0000000  }
0x3: {  	_ = 	snop  }
0x4: {  	_ = 	snop  }
0x5: {  	_ = 	snop  }
0x6: {  	_ = 	snop  }
0x7: {  	_ = 	snop  }
__scs_overlays_trampoline_lowered:
0x8: {  	[smem:$0x3FAE] =	sst s0  }
0x9: {  	[smem:$0x3FAF] =	sst s1  }
0xa: {  	[smem:$0x3FB0] =	sst s2  }
0xb: {  	[smem:$0x3FB1] =	sst s3  }
0xc: {  	[smem:$0x3FB2] =	sst s4  }
0xd: {  	[smem:$0x3FB3] =	sst s5  }
0xe: {  	[smem:$0x3FB4] =	sst s6  }
0xf: {  	[smem:$0x3FB5] =	sst s7  }
0x10: {  	[smem:$0x3FB6] =	sst s8  }
0x11: {  	[smem:$0x3FB7] =	sst s9;
	s0 =	simm.s32 @!p0 $0x0  }
0x12: {  	s1 =	sld [smem:$0x3F9D];
	s0 =	simm.s32 @p0 $0x1  }
0x13: {  	[smem:$0x3FB8] =	sst s0;
	s0 =	simm.s32 @!p1 $0x0  }
0x14: {  	s2 =	sld [smem:$0x3F9C];
	s0 =	simm.s32 @p1 $0x1  }
0x15: {  	[smem:$0x3FB9] =	sst s0;
	s0 =	simm.s32 @!p2 $0x0  }
0x16: {  	s3 =	sld [smem:$0x3FDB];
	s0 =	simm.s32 @p2 $0x1  }
0x17: {  	s4 =	simm.s32 $0x1BF5;
	[smem:$0x3FBB] =	sst s0  }
0x18: {  	s0 =	sld [smem:$0x3F9E];
	_ =	swait.ge [sflag:s4], $0x0  }
0x19: {  	s7 =	sld [smem:$0x3F9F]  }
0x1a: {  	s8 =	sadd.s32 $0xFFFFE003, lr  }
0x1b: {  	s9 =	sadd.s32 $0xFFFFFEF7, lr;
	s5 =	simm.s32 $0xFFFFFFFF;
	p2 =	slt.u32 s8, $0xFFFFF086  }
0x1c: {  	p1 =	slt.u32 s9, $0xF7A;
	s5 =	simm.s32 @!p2 $0x0  }
0x1d: {  	s5 =	simm.s32 @p1 $0x1;
	p0 =	seq.s32 s7, s2  }
0x1e: {  	s7 =	smul.u32 @!p0 $0xF7A, s2;
	p2 =	seq.s32 @!p0 s5, $0x0  }
0x1f: {  	s9 =	smul.u32 $0xF7A, s1;
	s8 =	simm.s32 @!p0 $0x1BF5;
	p2 =	por !p2, p0  }
0x20: {  	[sflag:s8] =	ssyncset.s32 @!p0 $0xFFFFF086;
	s6 =	sadd.s32 @!p0 s3, s7;
	s7 =	simm.s32 @!p0 $0x108  }
0x21: {  	s3 =	sadd.s32 s3, s9;
	s6 =	sadd.s32 @!p0 $0x88, s6;
	s7 =	simm.s32 @p2 $0x1082  }
0x22: {  	[simem:s7], [sflag:s8] =	dma.local @!p0 [hbm:s6], $0xF7A  }
0x23: {  	s9 =	sor.u32 $0xD0000000, s2;
	s6 =	simm.s32 $0x108;
	_ =	swait.ge @!p0 [sflag:s8], $0x0  }
0x24: {  	s3 =	sadd.s32 $0x88, s3;
	s6 =	simm.s32 @!p1 $0x1082;
	[sflag:s4] =	ssyncset.s32 $0xFFFFF086  }
0x25: {  	[simem:s6], [sflag:s4] =	dma.local [hbm:s3], $0xF7A  }
0x26: {  	[smem:$0x3F9F] =	sst s1;
	(tag) =	ssettag s2;
	_ =	strace s9  }
0x27: {  	s1 =	sld [smem:$0x3FAF]  }
0x28: {  	s2 =	sld [smem:$0x3FB0]  }
0x29: {  	s4 =	sld [smem:$0x3FB2]  }
0x2a: {  	p0 =	seq.s32 s5, $0x0;
	s5 =	sld [smem:$0x3FB3]  }
0x2b: {  	s6 =	sld [smem:$0x3FB4]  }
0x2c: {  	s7 =	sld [smem:$0x3FB5]  }
0x2d: {  	s3 =	simm.s32 $0x108;
	s8 =	sld [smem:$0x3FB6]  }
0x2e: {  	s3 =	simm.s32 @!p0 $0x1082;
	s9 =	sld [smem:$0x3FB7]  }
0x2f: {  	lr =	sadd.s32 s0, s3;
	s0 =	sld [smem:$0x3FAE]  }
0x30: {  	s3 =	sld [smem:$0x3FB1]  }
0x31: {  	[smem:$0x3FBA] =	sst s10  }
0x32: {  	s10 =	sld [smem:$0x3FB8];
	_ =	sdelay $0x3  }
0x33: {  	p0 =	seq.s32 s10, $0x1;
	s10 =	sld [smem:$0x3FBA];
	_ =	sdelay $0x3  }
0x34: {  	[smem:$0x3FBA] =	sst s10  }
0x35: {  	s10 =	sld [smem:$0x3FB9];
	_ =	sdelay $0x3  }
0x36: {  	p1 =	seq.s32 s10, $0x1;
	s10 =	sld [smem:$0x3FBA];
	_ =	sdelay $0x3  }
0x37: {  	[smem:$0x3FBA] =	sst s10  }
0x38: {  	s10 =	sld [smem:$0x3FBB]  }
0x39: {  	_ = 	snop;
	(pc) =	sbr.ind lr, $3  }
0x3a: {  	_ = 	snop  }
0x3b: {  	_ = 	snop  }
0x3c: {  	p2 =	seq.s32 s10, $0x1;
	s10 =	sld [smem:$0x3FBA]  }
0x3d: {  	_ =	shalt  }
0x3e: {  	_ =	shalt  }
0x3f: {  	_ =	shalt  }
0x40: {  	_ =	shalt  }
0x41: {  	_ =	shalt  }
0x42: {  	_ =	shalt  }
0x43: {  	_ =	shalt  }
0x44: {  	_ =	shalt  }
0x45: {  	_ =	shalt  }
0x46: {  	_ =	shalt  }
0x47: {  	_ =	shalt  }
0x48: {  	_ =	shalt  }
0x49: {  	_ =	shalt  }
0x4a: {  	_ =	shalt  }
0x4b: {  	_ =	shalt  }
0x4c: {  	_ =	shalt  }
0x4d: {  	_ =	shalt  }
0x4e: {  	_ =	shalt  }
0x4f: {  	_ =	shalt  }
0x50: {  	_ =	shalt  }
0x51: {  	_ =	shalt  }
0x52: {  	_ =	shalt  }
0x53: {  	_ =	shalt  }
0x54: {  	_ =	shalt  }
0x55: {  	_ =	shalt  }
0x56: {  	_ =	shalt  }
0x57: {  	_ =	shalt  }
0x58: {  	_ =	shalt  }
0x59: {  	_ =	shalt  }
0x5a: {  	_ =	shalt  }
0x5b: {  	_ =	shalt  }
0x5c: {  	_ =	shalt  }
0x5d: {  	_ =	shalt  }
0x5e: {  	_ =	shalt  }
0x5f: {  	_ =	shalt  }
0x60: {  	_ =	shalt  }
0x61: {  	_ =	shalt  }
0x62: {  	_ =	shalt  }
0x63: {  	_ =	shalt  }
0x64: {  	_ =	shalt  }
0x65: {  	_ =	shalt  }
0x66: {  	_ =	shalt  }
0x67: {  	_ =	shalt  }
0x68: {  	_ =	shalt  }
0x69: {  	_ =	shalt  }
0x6a: {  	_ =	shalt  }
0x6b: {  	_ =	shalt  }
0x6c: {  	_ =	shalt  }
0x6d: {  	_ =	shalt  }
0x6e: {  	_ =	shalt  }
0x6f: {  	_ =	shalt  }
0x70: {  	_ =	shalt  }
0x71: {  	_ =	shalt  }
0x72: {  	_ =	shalt  }
0x73: {  	_ =	shalt  }
0x74: {  	_ =	shalt  }
0x75: {  	_ =	shalt  }
0x76: {  	_ =	shalt  }
0x77: {  	_ =	shalt  }
0x78: {  	_ =	shalt  }
0x79: {  	_ =	shalt  }
0x7a: {  	_ =	shalt  }
0x7b: {  	_ =	shalt  }
0x7c: {  	_ =	shalt  }
0x7d: {  	_ =	shalt  }
0x7e: {  	_ =	shalt  }
0x7f: {  	_ =	shalt  }
0x80: {  	_ =	shalt  }
0x81: {  	_ =	shalt  }
0x82: {  	_ =	shalt  }
0x83: {  	_ =	shalt  }
0x84: {  	_ =	shalt  }
0x85: {  	_ =	shalt  }
0x86: {  	_ =	shalt  }
0x87: {  	_ =	shalt  }
.Lfunc_end0:
.L_simem_size_0:
called_computation_lowered:
.L_overlay_start_0:
0x88: {  	s2 =	sld [smem:$0x3FD9]  }
0x89: {  	s3 =	sld [smem:$0x3FFE];
	_ =	sdelay $0x1  }
0x8a: {  	s1 =	srdreg.scid  }
0x8b: {  	s0 =	sand.u32 $0x1, s1  }
0x8c: {  	s17 =	sshll.u32 s0, $0xA;
	s2 =	sadd.s32 s3, s2  }
0x8d: {  	s2 =	sadd.s32 s2, s17  }
0x8e: {  	[smem:$0x3FC6] =	sst s2  }
0x8f: {  	_ = 	snop  }
0x90: {  	s2 =	sld [smem:$0x3FC9]  }
0x91: {  	s18 =	sld [smem:$0x3FC8];
	(tm) =	ssettm $0x1  }
0x92: {  	s4 =	sld [smem:$0x3FFB];
	_ =	sdelay $0x3  }
0x93: {  	_ =	strace s4  }
0x94: {  	s4 =	sld [smem:$0x3FFC];
	_ =	sdelay $0x3  }
0x95: {  	_ =	strace s4  }
0x96: {  	s4 =	sld [smem:$0x3FFD];
	_ =	sdelay $0x3  }
0x97: {  	_ =	strace s4  }
0x98: {  	_ =	strace $0x8FFFFFFF  }
0x99: {  	s19 =	sld [smem:$0x3FDB];
	_ =	sdelay $0x1  }
0x9a: {  	s5 =	simm.s32 $_scs_section_size  }
0x9b: {  	s6 =	simm.s32 $_size__tile_overlayer_lowered;
	s7 =	simm.s32 $_tile_overlayer_lowered  }
0x9c: {  	s22 =	simm.s32 $0x1BFF;
	s21 =	sshll.u32 s7, $0x1;
	s4 =	sadd.s32 s5, s19  }
0x9d: {  	s8 =	simm.s32 $0x0;
	s20 =	sshll.u32 s6, $0x1;
	s6 =	sadd.s32 s21, s4  }
0x9e: {  	[timem:s8], [sflag:s22] =	dma.local [hbm:s6], s20  }
0x9f: {  	_ =	swait.ge [sflag:s22], s20  }
0xa0: {  	s5 =	ssub.s32 $0x0, s20;
	[sflag:s22] =	ssyncset.done $0x0  }
0xa1: {  	[sflag:s22] =	ssyncadd.s32 s5;
	_ =	sdelay $0x1  }
0xa2: {  	s23 =	simm.s32 $0x1B8B  }
0xa3: {  	_ =	swait.ge [sflag:s23], $0x1  }
0xa4: {  	[sflag:s23] =	ssyncset.done $0x0  }
0xa5: {  	s25 =	simm.s32 $0x1B8E;
	s24 =	sld [smem:$0x3FFE];
	[sflag:s23] =	ssyncadd.s32 $0xFFFFFFFF  }
0xa6: {  	s26 =	simm.s32 $execute0_lowered;
	[smem:$0x3FD2] =	sst s25  }
0xa7: {  	s6 =	sshll.u32 s26, $0x1;
	_ =	strace $0x80000046;
	[dreg:$0x1] =	wrdreg $0xFFFFFFFF  }
0xa8: {  	s28 =	simm.s32 $_size_execute0_lowered;
	s4 =	sadd.s32 s4, s6;
	[dreg:$0x0] =	wrdreg $0x0  }
0xa9: {  	s6 =	sshll.u32 s28, $0x1;
	[dreg:$0x2] =	wrdreg s4  }
0xaa: {  	[dreg:$0x3] =	wrdreg s6  }
0xab: {  	[dreg:$0x4] =	wrdreg $0xC0  }
0xac: {  	_ =	task [dreg:s8], $0x5FFFF  }
0xad: {  	[dreg:$0x1] =	wrdreg $0xFFFFFFFF  }
0xae: {  	[dreg:$0x0] =	wrdreg $0x60  }
0xaf: {  	[dreg:$0x2] =	wrdreg s2  }
0xb0: {  	[dreg:$0x3] =	wrdreg s18  }
0xb1: {  	[dreg:$0x4] =	wrdreg s24  }
0xb2: {  	[dreg:$0x5] =	wrdreg $0x9  }
0xb3: {  	_ =	task.clear_ibuf [dreg:s8], $0x6FFFF;
	_ =	strace $0x90000046  }
0xb4: {  	s29 =	simm.s32 $0x9;
	_ =	strace $0x80000048  }
0xb5: {  	_ =	swait.ge [sflag:s29], $0x1  }
0xb6: {  	[sflag:s29] =	ssyncadd.s32 $0xFFFFFFFF  }
0xb7: {  	_ =	strace $0x90000048  }
0xb8: {  	_ =	sfence  }
0xb9: {  	s30 =	sld [smem:$0x0];
	_ =	sdelay $0x2  }
0xba: {  	s31 =	sshll.u32 s1, $0xD;
	s1 =	sshrl.u32 s1, $0x2  }
0xbb: {  	s3 =	sand.u32 $0x4000, s31;
	s1 =	sadd.s32 s1, s30  }
0xbc: {  	s0 =	sor.u32 s3, s0;
	s1 =	sshll.u32 s1, $0x11  }
0xbd: {  	s0 =	sor.u32 s1, s0  }
0xbe: {  	s0 =	sadd.s32 $0x8F2B, s0  }
0xbf: {  	[sflag:s0] =	ssyncadd.remote.s32 $0x1  }
0xc0: {  	_ =	sfence.sel $0xFFFF  }
0xc1: {  	[dreg:$0x0] =	wrdreg $0xFFFFFFFF;
	(pc) =	sbr.abs _section_cstart, $3  }
0xc2: {  	[dreg:$0x1] =	wrdreg $0xFFFFFFFF  }
0xc3: {  	_ =	task.clear_ibuf [dreg:s8], $0x2FFFF;
	_ =	strace $0x9FFFFFFF  }
0xc4: {  	(tm) =	ssettm $0x7FFFFFFF  }
0xc5: {  	_ =	shalt  }
tec
execute0_lowered:
.L_overlay_start_1:
0x0: {  	(tag) =	ssettag $0x1  }
0x1: {  	s0 =	rddreg [dreg:$0x0]  }
0x2: {  	s1 =	rddreg [dreg:$0x1];
	s2 =	srdreg.scid  }
0x3: {  	s5 =	stileid.u32;
	s3 =	rddreg [dreg:$0x2]  }
0x4: {  	s13 =	simm.s32 $0x8000;
	s14 =	simm.s32 $0x10000;
	s15 =	simm.s32 $0x1  }
0x5: {  	s16 =	simm.s32 $0x2;
	s4 =	sand.u32 $0x1, s2;
	s5 =	sshll.u32 s5, $0x1  }
0x6: {  	s17 =	simm.s32 $0x3;
	s19 =	simm.s32 $0x4;
	s5 =	sor.u32 s4, s5  }
0x7: {  	s20 =	simm.s32 $0x0;
	s2 =	simm.s32 $0x0;
	s6 =	smul.u32 $0x18000, s5  }
0x8: {  	[smem:$0x7FF] =	sst s2;
	s26 =	ssub.s32 $0x2, s4;
	s8 =	smul.u32 $0x180, s5  }
0x9: {  	_ =	strace $0x80000047;
	s7 =	sshll.u32 s5, $0x4;
	s28 =	smul.u32 $0x3, s5  }
0xa: {  	s4 =	sshrl.u32 s26, $0x1;
	s5 =	smul.u32 $0x3000, s5;
	s9 =	sadd.s32 s7, s3  }
0xb: {  	s10 =	ssub.s32 s26, s4;
	s6 =	sor.u32 s8, s6;
	s30 =	sadd.s32 $0x1, s28  }
0xc: {  	s3 =	sadd.s32 s1, s5;
	s7 =	sadd.s32 $0x2, s28;
	s9 =	sadd.s32 $0xA00, s9  }
0xd: {  	s10 =	smax.u32 s10, $0x1;
	s29 =	sand.u32 $0x3C0380, s6;
	s31 =	sshll.u32 s30, $0xC  }
0xe: {  	s6 =	sshll.u32 s30, $0x4;
	s11 =	sshll.u32 s7, $0x4;
	s7 =	sshll.u32 s7, $0xC  }
.Ltmp0:
0xf: {  	s4 =	sshrl.u32 s29, $0x3;
	s5 =	sadd.s32 s1, s31;
	(pc) =	sbr.rel .LBB2_1-.Ltmp0, $4  }
0x10: {  	v0 =	vlaneseq.u32;
	s8 =	sand.u32 $0xF8000, s31;
	s6 =	sand.u32 $0x70, s6;
	s11 =	sand.u32 $0x70, s11  }
0x11: {  	v9 =	vimm.s32 $0x0;
	v2 =	vor.u32 $0x80000010, v0;
	v3 =	vor.u32 $0x80000020, v0;
	s12 =	sand.u32 $0xF8000, s7;
	s7 =	sadd.s32 s1, s7;
	s4 =	sadd.s32 s0, s4  }
0x12: {  	v1 =	vor.u32 $0x80000000, v0;
	v4 =	vor.u32 $0x80000030, v0;
	v5 =	vor.u32 $0x80000040, v0;
	s6 =	sadd.s32 s0, s6;
	s0 =	sadd.s32 s0, s11;
	s11 =	simm.s32 $0x400  }
0x13: {  	v6 =	vor.u32 $0x80000050, v0;
	v7 =	vor.u32 $0x80000060, v0;
	v8 =	vor.u32 $0x80000070, v0;
	s6 =	sadd.s32 s8, s6;
	s8 =	sadd.s32 s12, s0;
	s12 =	simm.s32 $0x80  }
.LBB2_41:
0x14: {  	v32 =	vmov v24  }
0x15: {  	v35 =	vmovc v23;
	v36 =	vmovc v22;
	v37 =	vmov v21;
	v34 =	vmov v19;
	v33 =	vmov v26  }
.LBB2_51:
0x16: {  	v39 =	vld [tilespmem:s1+$0xFFFFFFA0]  }
0x17: {  	v32 =	vadd.s32 @p0 v38, v32;
	v38 =	vsel @p0 vm0, $0x1, v9;
	vm0 =	vgt.f32 @p0 v29, v18;
	v55 =	vld [tilespmem:s1+$0xFFFFFFB0]  }
0x18: {  	v56 =	vld [tilespmem:s1+$0xFFFFFFC0];
	vm1 =	vgt.f32 @p0 v31, v18;
	vm8 =	vgt.f32 v27, v18;
	v35 =	vadd.s32 @p0 v38, v35  }
0x19: {  	v57 =	vld [tilespmem:s1+$0xFFFFFFD0];
	v38 =	vsel @p0 vm0, $0x1, v9;
	vm0 =	vgt.f32 @p0 v28, v18;
	v27 =	vsel @p0 vm1, $0x1, v9  }
0x1a: {  	v58 =	vld [tilespmem:s1+$0xFFFFFFE0];
	v59 =	vsel vm8, $0x1, v9;
	v24 =	vpsel p0, v32, v24;
	v36 =	vadd.s32 @p0 v38, v36  }
0x1b: {  	v60 =	vld [tilespmem:s1+$0xFFFFFFF0];
	v38 =	vsel @p0 vm0, $0x1, v9;
	vm0 =	vgt.f32 @p0 v30, v18;
	v27 =	vadd.s32 @p0 v27, v33  }
0x1c: {  	v61 =	vld [tilespmem:s1+$0xFFFFFF90];
	v20 =	vadd.s32 v59, v20;
	v23 =	vpsel p0, v35, v23;
	v30 =	vadd.s32 @p0 v38, v37  }
0x1d: {  	v31 =	vsel @p0 vm0, $0x1, v9;
	v22 =	vpsel p0, v36, v22;
	v26 =	vpsel p0, v27, v26  }
0x1e: {  	v31 =	vadd.s32 @p0 v31, v34;
	v21 =	vpsel p0, v30, v21;
	vm9 =	vgt.f32 v39, v18  }
0x1f: {  	vm10 =	vgt.f32 v55, v18;
	vm11 =	vgt.f32 v56, v18;
	v19 =	vpsel p0, v31, v19  }
0x20: {  	vm12 =	vgt.f32 v57, v18;
	vm13 =	vgt.f32 v58, v18;
	vm14 =	vgt.f32 v60, v18  }
0x21: {  	vm15 =	vgt.f32 v61, v18;
	v39 =	vsel vm9, $0x1, v9;
	v62 =	vsel vm10, $0x1, v9  }
0x22: {  	v27 =	vsel vm11, $0x1, v9;
	v63 =	vsel vm13, $0x1, v9;
	v29 =	vsel vm15, $0x1, v9  }
0x23: {  	v25 =	vadd.s32 v39, v25;
	v23 =	vadd.s32 v27, v23;
	v27 =	vsel vm12, $0x1, v9  }
0x24: {  	v24 =	vadd.s32 v62, v24;
	v22 =	vadd.s32 v27, v22;
	v27 =	vsel vm14, $0x1, v9  }
0x25: {  	v21 =	vadd.s32 v63, v21;
	v26 =	vadd.s32 v29, v26;
	v19 =	vadd.s32 v27, v19  }
.LBB2_52:
0x26: {  	s0 =	sshll.u32 s31, $0x9  }
0x27: {  	s0 =	sshra.s32 s0, $0x2  }
0x28: {  	v27 =	vld [tilespmem:s0+$0x10000]  }
0x29: {  	v28 =	vld [tilespmem:s0+$0x10010]  }
0x2a: {  	s1 =	sshll.u32 s31, $0x7;
	v52 =	vld [tilespmem:s0+$0x10020]  }
0x2b: {  	v10 =	vor.u32 s1, v10;
	v53 =	vld [tilespmem:s0+$0x10030]  }
0x2c: {  	v29 =	vor.u32 s1, v0;
	v16 =	vor.u32 s1, v16;
	vm9 =	vlt.s32 v10, v17;
	v10 =	vld [tilespmem:s0+$0x10040]  }
0x2d: {  	v13 =	vor.u32 s1, v13;
	v11 =	vor.u32 s1, v11;
	v14 =	vor.u32 s1, v14;
	v56 =	vld [tilespmem:s0+$0x10050]  }
0x2e: {  	vm2 =	vlt.s32 v29, v17;
	vm3 =	vlt.s32 v16, v17;
	vm12 =	vlt.s32 v13, v17  }
0x2f: {  	vm0 =	vgt.f32 v27, v18;
	vm1 =	veq.f32 v27, v18;
	vm15 =	veq.f32 v28, v18  }
0x30: {  	vm7 =	vgt.f32 v28, v18;
	vm8 =	veq.f32 v52, v18;
	vm10 =	vgt.f32 v52, v18  }
0x31: {  	v60 =	vld [tilespmem:s0+$0x10070];
	vm11 =	veq.f32 v53, v18;
	vm13 =	vgt.f32 v53, v18;
	vm14 =	veq.f32 v10, v18  }
0x32: {  	vm4 =	vgt.f32 v10, v18;
	v10 =	vor.u32 s1, v15;
	vm5 =	veq.f32 v56, v18  }
0x33: {  	vm1 =	vmand vm2, vm1;
	vm6 =	vmand vm3, vm15;
	vm15 =	vlt.s32 v11, v17  }
0x34: {  	vm0 =	vmor vm0, vm1;
	vm1 =	vmor vm7, vm6;
	vm6 =	vlt.s32 v10, v17  }
0x35: {  	v11 =	vld [tilespmem:s0+$0x10060];
	vm7 =	vgt.f32 v56, v18;
	v54 =	vsel vm0, $0x1, v9;
	v55 =	vsel vm1, $0x1, v9  }
0x36: {  	vm0 =	vmand vm9, vm8;
	vm1 =	vmand vm12, vm11;
	vm12 =	veq.f32 v60, v18  }
0x37: {  	v26 =	vadd.s32 v54, v26;
	v25 =	vadd.s32 v55, v25;
	vm0 =	vmor vm10, vm0  }
0x38: {  	vm10 =	vlt.s32 v14, v17;
	v57 =	vsel vm0, $0x1, v9;
	vm0 =	vmor vm13, vm1  }
0x39: {  	vm1 =	vmand vm6, vm5;
	v58 =	vadd.s32 v57, v24;
	v59 =	vsel vm0, $0x1, v9  }
0x3a: {  	vm0 =	vmand vm15, vm14;
	vm8 =	vmor vm7, vm1;
	vm9 =	veq.f32 v11, v18  }
0x3b: {  	(xrf0) =	vadd.scan.msk.s32 $0xffff, v26;
	vm11 =	vgt.f32 v11, v18;
	v11 =	vor.u32 s1, v12;
	vm14 =	vgt.f32 v60, v18  }
0x3c: {  	(xrf0) =	vadd.scan.msk.s32 $0xffff, v25;
	vm0 =	vmor vm4, vm0;
	v10 =	vadd.s32 v59, v23;
	v62 =	vsel vm8, $0x1, v9  }
0x3d: {  	(xrf0) =	vadd.scan.msk.s32 $0xffff, v58;
	vm13 =	vlt.s32 v11, v17;
	v61 =	vsel vm0, $0x1, v9;
	vm0 =	vmand vm10, vm9  }
0x3e: {  	(xrf0) =	vadd.scan.msk.s32 $0xffff, v10;
	vm1 =	vmand vm13, vm12;
	vm0 =	vmor vm11, vm0;
	v10 =	vadd.s32 v61, v22  }
0x3f: {  	vm15 =	vmor vm14, vm1;
	(xrf0) =	vadd.scan.msk.s32 $0xffff, v10;
	v10 =	vadd.s32 v62, v21;
	v11 =	vsel vm0, $0x1, v9  }
0x40: {  	(xrf0) =	vadd.scan.msk.s32 $0xffff, v10;
	v10 =	vadd.s32 v11, v19;
	v11 =	vsel vm15, $0x1, v9  }
0x41: {  	v63, _, _ =	vpop (xrf0);
	(xrf0) =	vadd.scan.msk.s32 $0xffff, v10;
	v10 =	vadd.s32 v11, v20;
	_ =	sdelay $0x1  }
0x42: {  	(v2sf) =	vpush v63, $0xF;
	v11, _, _ =	vpop (xrf0);
	(xrf0) =	vadd.scan.msk.s32 $0xffff, v10  }
0x43: {  	v10, _, _ =	vpop (xrf0);
	(v2sf) =	vpush v11, $0xF  }
0x44: {  	v11, _, _ =	vpop (xrf0);
	(v2sf) =	vpush v10, $0xF  }
0x45: {  	v10, _, _ =	vpop (xrf0);
	(v2sf) =	vpush v11, $0xF  }
0x46: {  	v11, _, _ =	vpop (xrf0);
	(v2sf) =	vpush v10, $0xF  }
0x47: {  	v10, _, _ =	vpop (xrf0);
	(v2sf) =	vpush v11, $0xF  }
0x48: {  	(v2sf) =	vpush v10, $0xF;
	v10, _, _ =	vpop (xrf0)  }
0x49: {  	(v2sf) =	vpush v10, $0xF;
	_ =	sdelay $0x6  }
0x4a: {  	s18 =	sadd.s32 s26, s30  }
0x4b: {  	s0 =	sadd.s32 s29, s18;
	s26 =	spop (v2sf)  }
0x4c: {  	s0 =	sadd.s32 s28, s0;
	s18 =	spop (v2sf)  }
0x4d: {  	s0 =	sadd.s32 s25, s0;
	s30 =	spop (v2sf);
	s1 =	sadd.s32 s26, s18  }
0x4e: {  	s0 =	sadd.s32 s24, s0;
	s31 =	spop (v2sf);
	s1 =	sadd.s32 s30, s1  }
0x4f: {  	s0 =	sadd.s32 s23, s0;
	s25 =	spop (v2sf);
	s1 =	sadd.s32 s31, s1  }
0x50: {  	s0 =	sadd.s32 s22, s0;
	s26 =	spop (v2sf);
	s1 =	sadd.s32 s25, s1  }
0x51: {  	p0 =	slt.s32 s0, $0x5;
	s28 =	spop (v2sf);
	s29 =	sadd.s32 s26, s1  }
0x52: {  	s1 =	simm.f32 $1.000000000e+00;
	s0 =	sadd.s32 s28, s29;
	s30 =	spop (v2sf)  }
0x53: {  	s1 =	simm.s32 @!p0 $0x0;
	s0 =	sadd.s32 s30, s0  }
0x54: {  	s1 =	sadd.f32 s1, s21;
	p0 =	slt.s32 s0, $0x5;
	s0 =	simm.f32 $1.000000000e+00  }
0x55: {  	s0 =	simm.s32 @!p0 $0x0  }
0x56: {  	s0 =	sadd.f32 s0, s1  }
0x57: {  	s20 =	sadd.s32 $0x1, s20  }
0x58: {  	p0 =	sne.s32 s20, s10;
	v10 =	vmov s0  }
.Ltmp1:
0x59: {  	s31 =	simm.s32 $0x18000;
	[tilespmem:$0x18000] =	vst v10;
	(pc) =	sbr.rel @!p0 .LBB2_53-.Ltmp1, $4  }
0x5a: {  	[hbm4b:s9+s2] =	stream.linear.scatter [tilespmem:s31], [sflag:$0x4], $0x80, $0x38;
	[tilespmem:$0x18080] =	vst v63  }
0x5b: {  	_ =	swait.ge [sflag:s19], $0x80  }
0x5c: {  	[sflag:s19] =	ssyncset.done $0x0  }
0x5d: {  	[sflag:s19] =	ssyncadd.s32 $0xFFFFFF80  }
.LBB2_1:
0x5e: {  	[tilespmem:s2], [sflag:$0x1] =	stream.linear.gather [hbm4b:s3+s2], $0x8000, $0x38;
	[tilespmem:$0x18080] =	vst v63  }
0x5f: {  	_ = 	snop  }
0x60: {  	[tilespmem:s13], [sflag:$0x2] =	stream.strided.gather [hbm4b:s4+s12], $0x8000, s11, s12, $0x38;
	[tilespmem:$0x18080] =	vst v63  }
0x61: {  	_ = 	snop  }
0x62: {  	[tilespmem:s14], [sflag:$0x3] =	stream.linear.gather [hbm4b:s5+s2], $0x8000, $0x38;
	[tilespmem:$0x18080] =	vst v63  }
0x63: {  	_ =	swait.ge [sflag:s15], $0x8000  }
0x64: {  	[sflag:s15] =	ssyncset.done $0x0  }
0x65: {  	s0 =	simm.s32 $0x40;
	[sflag:s15] =	ssyncadd.s32 $0xFFFF8000  }
0x66: {  	v10 =	vld [tilespmem:s0+$0xFFFFFFC0]  }
0x67: {  	v11 =	vld [tilespmem:s0+$0xFFFFFFD0]  }
0x68: {  	v13 =	vld [tilespmem:s0+$0xFFFFFFE0]  }
0x69: {  	v14 =	vld [tilespmem:s0+$0xFFFFFFF0]  }
0x6a: {  	v15 =	vld [tilespmem:s0+$0x0]  }
0x6b: {  	v16 =	vld [tilespmem:s0+$0x10]  }
0x6c: {  	v19 =	vld [tilespmem:s0+$0x20];
	_ =	sdelay $0x1  }
0x6d: {  	v17 =	vimm.f32 $-3.402823470e+38;
	s31 =	simm.s32 $0xC0;
	v30 =	vld [tilespmem:s0+$0x30]  }
0x6e: {  	v32 =	vld [tilespmem:s31+$0xFFFFFFC0];
	vm0 =	vgt.f32 v10, v17;
	vm1 =	vgt.f32 v11, v17;
	vm2 =	vgt.f32 v13, v17  }
0x6f: {  	v20 =	vld [tilespmem:s31+$0xFFFFFFD0];
	vm3 =	vgt.f32 v14, v17;
	vm4 =	vgt.f32 v15, v17;
	vm5 =	vgt.f32 v16, v17  }
0x70: {  	v33 =	vld [tilespmem:s31+$0xFFFFFFE0];
	vm6 =	vgt.f32 v19, v17;
	v18 =	vsel vm0, v10, v17;
	v12 =	vsel vm0, s2, v9  }
0x71: {  	v24 =	vld [tilespmem:s31+$0xFFFFFFF0];
	v23 =	vsel vm1, v11, v17;
	v27 =	vsel vm2, v13, v17;
	v25 =	vsel vm3, v14, v17  }
0x72: {  	v29 =	vld [tilespmem:s31+$0x0];
	v21 =	vsel vm4, v15, v17;
	vm0 =	vgt.f32 v30, v17;
	v26 =	vsel vm5, v16, v17  }
0x73: {  	v28 =	vld [tilespmem:s31+$0x10];
	v22 =	vsel vm6, v19, v17;
	v16 =	vsel vm1, s2, v9;
	v15 =	vsel vm3, s2, v9  }
0x74: {  	s1 =	simm.s32 $0x1;
	v31 =	vld [tilespmem:s31+$0x30];
	v13 =	vsel vm4, s2, v9;
	v11 =	vsel vm5, s2, v9;
	v10 =	vsel vm6, s2, v9  }
0x75: {  	s22 =	simm.s32 $0x2;
	s21 =	simm.s32 $0x0;
	s0 =	simm.s32 $0x140;
	v14 =	vimm.s32 $0x0;
	v19 =	vsel vm0, v30, v17;
	v30 =	vld [tilespmem:s31+$0x20];
	v17 =	vsel vm2, s2, v9  }
.LBB2_2:
0x76: {  	v34 =	vld [tilespmem:s0+$0xFFFFFFC0];
	p0 =	sne.s32 s22, $0xFF;
	vm1 =	vgt.f32 v32, v18;
	vm2 =	vgt.f32 v20, v23;
	v14 =	vsel vm0, s21, v14;
	s21 =	smov.u32 s1;
	s1 =	smov.u32 s22  }
0x77: {  	v18 =	vsel vm1, v32, v18;
	v12 =	vsel vm1, s21, v12;
	v23 =	vsel vm2, v20, v23;
	v20 =	vld [tilespmem:s0+$0xFFFFFFD0]  }
0x78: {  	vm3 =	vgt.f32 v24, v25;
	vm1 =	vgt.f32 v33, v27;
	vm4 =	vgt.f32 v29, v21;
	v35 =	vld [tilespmem:s0+$0xFFFFFFE0]  }
.Ltmp2:
0x79: {  	v25 =	vsel vm3, v24, v25;
	v27 =	vsel vm1, v33, v27;
	v21 =	vsel vm4, v29, v21;
	v24 =	vld [tilespmem:s0+$0xFFFFFFF0];
	(pc) =	sbr.rel @p0 .LBB2_2-.Ltmp2, $4  }
0x7a: {  	vm5 =	vgt.f32 v28, v26;
	vm6 =	vgt.f32 v30, v22;
	v29 =	vld [tilespmem:s0+$0x0];
	vm0 =	vgt.f32 v31, v19  }
0x7b: {  	v26 =	vsel vm5, v28, v26;
	v22 =	vsel vm6, v30, v22;
	v28 =	vld [tilespmem:s0+$0x10];
	v19 =	vsel vm0, v31, v19;
	v32 =	vmovc v34  }
0x7c: {  	v16 =	vsel vm2, s21, v16;
	v15 =	vsel vm3, s21, v15;
	v17 =	vsel vm1, s21, v17;
	v30 =	vld [tilespmem:s0+$0x20]  }
0x7d: {  	s22 =	sadd.s32 $0x1, s22;
	v13 =	vsel vm4, s21, v13;
	v11 =	vsel vm5, s21, v11;
	v10 =	vsel vm6, s21, v10;
	v31 =	vld [tilespmem:s0+$0x30];
	s0 =	sadd.s32 $0x80, s0;
	v33 =	vmovc v35  }
0x7e: {  	vm8 =	vgt.f32 v32, v18  }
0x7f: {  	vm6 =	vgt.f32 v20, v23;
	v18 =	vsel vm8, v32, v18  }
0x80: {  	vm7 =	vgt.f32 v33, v27;
	v20 =	vsel vm6, v20, v23;
	(xrf0) =	vmax.scan.msk.f32 $0xffff, v18  }
0x81: {  	vm5 =	vgt.f32 v24, v25;
	v45 =	vsel vm7, v33, v27;
	(xrf0) =	vmax.scan.msk.f32 $0xffff, v20  }
0x82: {  	vm4 =	vgt.f32 v29, v21;
	v24 =	vsel vm5, v24, v25;
	(xrf0) =	vmax.scan.msk.f32 $0xffff, v45  }
0x83: {  	v21 =	vsel vm4, v29, v21;
	vm3 =	vgt.f32 v28, v26;
	(xrf0) =	vmax.scan.msk.f32 $0xffff, v24  }
0x84: {  	vm2 =	vgt.f32 v30, v22;
	v46 =	vsel vm3, v28, v26;
	(xrf0) =	vmax.scan.msk.f32 $0xffff, v21  }
0x85: {  	vm1 =	vgt.f32 v31, v19;
	v22 =	vsel vm2, v30, v22;
	(xrf0) =	vmax.scan.msk.f32 $0xffff, v46  }
0x86: {  	v19 =	vsel vm1, v31, v19;
	v47, _, _ =	vpop (xrf0);
	(xrf0) =	vmax.scan.msk.f32 $0xffff, v22  }
0x87: {  	(v2sf) =	vpush v47, $0xF;
	v48, _, _ =	vpop (xrf0);
	(xrf0) =	vmax.scan.msk.f32 $0xffff, v19  }
0x88: {  	v49, _, _ =	vpop (xrf0);
	(v2sf) =	vpush v48, $0xF  }
0x89: {  	v50, _, _ =	vpop (xrf0);
	(v2sf) =	vpush v49, $0xF  }
0x8a: {  	(v2sf) =	vpush v50, $0xF;
	v51, _, _ =	vpop (xrf0)  }
0x8b: {  	(v2sf) =	vpush v51, $0xF;
	v52, _, _ =	vpop (xrf0)  }
0x8c: {  	(v2sf) =	vpush v52, $0xF;
	v53, _, _ =	vpop (xrf0)  }
0x8d: {  	(v2sf) =	vpush v53, $0xF;
	v54, _, _ =	vpop (xrf0)  }
0x8e: {  	(v2sf) =	vpush v54, $0xF;
	_ =	sdelay $0x7  }
0x8f: {  	s0 =	spop (v2sf)  }
0x90: {  	s22 =	spop (v2sf)  }
0x91: {  	s0 =	smax.f32 s0, s22;
	s26 =	spop (v2sf)  }
0x92: {  	s0 =	smax.f32 s0, s26;
	s28 =	spop (v2sf)  }
0x93: {  	s0 =	smax.f32 s0, s28;
	s29 =	spop (v2sf)  }
0x94: {  	s0 =	smax.f32 s0, s29;
	s30 =	spop (v2sf)  }
0x95: {  	s0 =	smax.f32 s0, s30;
	s31 =	spop (v2sf)  }
0x96: {  	v12 =	vsel vm8, s1, v12;
	s0 =	smax.f32 s0, s31;
	s18 =	spop (v2sf)  }
0x97: {  	v16 =	vsel vm6, s1, v16;
	v17 =	vsel vm7, s1, v17;
	v12 =	vshll.u32 v12, $0x7;
	s0 =	smax.f32 s0, s18  }
0x98: {  	v16 =	vshll.u32 v16, $0x7;
	v12 =	vxor.u32 v1, v12;
	vm15 =	veq.f32 v18, s0  }
0x99: {  	v16 =	vxor.u32 v2, v16;
	vm9 =	veq.f32 v20, s0;
	v12 =	vnsel vm15, $0x80008000, v12  }
0x9a: {  	v55 =	vnsel vm9, $0x80008000, v16;
	v16 =	vshll.u32 v17, $0x7;
	(xrf0) =	vmin.scan.msk.u32 $0xffff, v12  }
0x9b: {  	v15 =	vsel vm5, s1, v15;
	vm10 =	veq.f32 v45, s0;
	v56 =	vxor.u32 v3, v16;
	(xrf0) =	vmin.scan.msk.u32 $0xffff, v55  }
0x9c: {  	v15 =	vshll.u32 v15, $0x7;
	v12 =	vnsel vm10, $0x80008000, v56  }
0x9d: {  	v13 =	vsel vm4, s1, v13;
	v57 =	vxor.u32 v4, v15;
	vm11 =	veq.f32 v24, s0;
	(xrf0) =	vmin.scan.msk.u32 $0xffff, v12  }
0x9e: {  	v14 =	vsel vm0, s21, v14;
	v13 =	vshll.u32 v13, $0x7;
	v12 =	vnsel vm11, $0x80008000, v57  }
0x9f: {  	v11 =	vsel vm3, s1, v11;
	v58 =	vxor.u32 v5, v13;
	vm12 =	veq.f32 v21, s0;
	(xrf0) =	vmin.scan.msk.u32 $0xffff, v12  }
0xa0: {  	v10 =	vsel vm2, s1, v10;
	v11 =	vshll.u32 v11, $0x7;
	v12 =	vnsel vm12, $0x80008000, v58;
	v59, _, _ =	vpop (xrf0)  }
0xa1: {  	v11 =	vxor.u32 v6, v11;
	vm13 =	veq.f32 v46, s0;
	(xrf0) =	vmin.scan.msk.u32 $0xffff, v12;
	(v2sf) =	vpush v59, $0xF;
	v60, _, _ =	vpop (xrf0)  }
0xa2: {  	v10 =	vshll.u32 v10, $0x7;
	v11 =	vnsel vm13, $0x80008000, v11;
	(v2sf) =	vpush v60, $0xF  }
0xa3: {  	v61 =	vsel vm1, s1, v14;
	v10 =	vxor.u32 v7, v10;
	vm14 =	veq.f32 v22, s0;
	(xrf0) =	vmin.scan.msk.u32 $0xffff, v11;
	v62, _, _ =	vpop (xrf0)  }
0xa4: {  	v10 =	vnsel vm14, $0x80008000, v10;
	v11 =	vshll.u32 v61, $0x7;
	(v2sf) =	vpush v62, $0xF  }
0xa5: {  	vm15 =	veq.f32 v19, s0;
	(xrf0) =	vmin.scan.msk.u32 $0xffff, v10;
	v10 =	vxor.u32 v8, v11;
	v63, _, _ =	vpop (xrf0)  }
0xa6: {  	v10 =	vnsel vm15, $0x80008000, v10;
	(v2sf) =	vpush v63, $0xF  }
0xa7: {  	v11, _, _ =	vpop (xrf0);
	(xrf0) =	vmin.scan.msk.u32 $0xffff, v10  }
0xa8: {  	(v2sf) =	vpush v11, $0xF  }
0xa9: {  	v10, _, _ =	vpop (xrf0)  }
0xaa: {  	(v2sf) =	vpush v10, $0xF  }
0xab: {  	v10, _, _ =	vpop (xrf0)  }
0xac: {  	(v2sf) =	vpush v10, $0xF  }
0xad: {  	v10, _, _ =	vpop (xrf0)  }
0xae: {  	(v2sf) =	vpush v10, $0xF  }
0xaf: {  	[tilespmem:s2], [sflag:$0x1] =	stream.strided.gather [hbm4b:s6+s12], $0x8000, s11, s12, $0x38;
	[tilespmem:$0x18080] =	vst v63  }
0xb0: {  	s21 =	spop (v2sf)  }
0xb1: {  	s22 =	spop (v2sf)  }
0xb2: {  	s0 =	sxor.u32 $0x80000000, s21;
	s1 =	sxor.u32 $0x80000000, s22  }
0xb3: {  	s23 =	spop (v2sf);
	p0 =	slt.s32 s0, s1  }
0xb4: {  	s1 =	smov.u32 @p0 s0;
	s0 =	sxor.u32 $0x80000000, s23  }
0xb5: {  	s24 =	spop (v2sf);
	p0 =	slt.s32 s1, s0  }
0xb6: {  	s0 =	smov.u32 @p0 s1;
	s1 =	sxor.u32 $0x80000000, s24  }
0xb7: {  	s25 =	spop (v2sf);
	p0 =	slt.s32 s0, s1  }
0xb8: {  	s1 =	smov.u32 @p0 s0;
	s0 =	sxor.u32 $0x80000000, s25  }
0xb9: {  	s26 =	spop (v2sf);
	p0 =	slt.s32 s1, s0  }
0xba: {  	s0 =	smov.u32 @p0 s1;
	s1 =	sxor.u32 $0x80000000, s26  }
0xbb: {  	s28 =	spop (v2sf);
	p0 =	slt.s32 s0, s1  }
0xbc: {  	s1 =	smov.u32 @p0 s0;
	s0 =	sxor.u32 $0x80000000, s28  }
0xbd: {  	s29 =	spop (v2sf);
	p0 =	slt.s32 s1, s0  }
0xbe: {  	s0 =	smov.u32 @p0 s1;
	s1 =	sxor.u32 $0x80000000, s29  }
0xbf: {  	p0 =	slt.s32 s0, s1  }
0xc0: {  	s1 =	smov.u32 @p0 s0  }
0xc1: {  	p0 =	slt.s32 s1, $0x8000;
	s0 =	smov.u32 s1  }
0xc2: {  	s0 =	simm.s32 @!p0 $0x8000  }
0xc3: {  	s30 =	sand.u32 $0x7F, s0  }
0xc4: {  	p6 =	slt.s32 s1, $0x1;
	s31 =	sshra.s32 s0, $0x1F;
	p1 =	sne.s32 s30, $0x0  }
0xc5: {  	v17 =	vmov s0;
	s1 =	sshrl.u32 s31, $0x19;
	p0 =	por !p6, !p1  }
0xc6: {  	s0 =	sadd.s32 s1, s0;
	s1 =	simm.s32 $0x1;
	p0 =	por !p0, !p0  }
0xc7: {  	_ =	swait.ge [sflag:s16], $0x8000;
	s0 =	sshra.s32 s0, $0x7;
	s1 =	simm.s32 @!p0 $0x0  }
0xc8: {  	[sflag:s16] =	ssyncset.done $0x0;
	s21 =	ssub.s32 s0, s1  }
0xc9: {  	[sflag:s16] =	ssyncadd.s32 $0xFFFF8000;
	p0 =	sgt.s32 s21, $0x0  }
.Ltmp3:
0xca: {  	v18 =	vld.idx.msk [tilespmem:v17+s13+$0x0], $0xffff;
	(pc) =	sbr.rel @!p0 .LBB2_4-.Ltmp3, $2  }
0xcb: {  	_ =	sdelay $0x2  }
0xcc: {  	v19 =	vimm.s32 $0x0;
	s1 =	simm.s32 $0x8040  }
0xcd: {  	p1 =	seq.s32 s21, $0x1  }
.Ltmp4:
0xce: {  	_ = 	snop;
	(pc) =	sbr.rel @p1 .LBB2_9-.Ltmp4, $2  }
0xcf: {  	_ =	sdelay $0x2  }
0xd0: {  	v12 =	vld [tilespmem:s1+$0x30];
	s0 =	sadd.s32 $0xFFFFFFFF, s21;
	p0 =	por $0x0, $0x0  }
0xd1: {  	v10 =	vld [tilespmem:s1+$0xFFFFFFD0]  }
0xd2: {  	v11 =	vld [tilespmem:s1+$0xFFFFFFE0];
	_ =	sdelay $0x1  }
0xd3: {  	v13 =	vld [tilespmem:s1+$0xFFFFFFF0];
	p1 =	seq.s32 s0, $0x1  }
.Ltmp5:
0xd4: {  	v22 =	vld [tilespmem:s1+$0x0];
	v20 =	vimm.s32 $0x0;
	v15 =	vimm.s32 $0x0;
	v21 =	vimm.s32 $0x0;
	(pc) =	sbr.rel @p1 .LBB2_11-.Ltmp5, $4  }
0xd5: {  	v16 =	vld [tilespmem:s1+$0x10];
	v14 =	vimm.s32 $0x0;
	v24 =	vimm.s32 $0x0;
	vm0 =	vge.f32 v12, v18  }
0xd6: {  	v23 =	vld [tilespmem:s1+$0x20];
	vm1 =	vge.f32 v10, v18;
	v10 =	vsel vm0, $0x1, v9;
	vm0 =	vge.f32 v11, v18  }
0xd7: {  	v25 =	vld [tilespmem:s1+$0xFFFFFFC0];
	s1 =	sadd.s32 $0x80, s1;
	v12 =	vsel vm1, $0x1, v9;
	v10 =	vadd.s32 v10, v19;
	v26 =	vsel vm0, $0x1, v9  }
0xd8: {  	s0 =	sadd.s32 $0xFFFFFFFF, s0;
	p0 =	por $0x1, $0x1;
	vm0 =	vge.f32 v13, v18;
	v13 =	vimm.s32 $0x0;
	v11 =	vadd.s32 v12, v19;
	v12 =	vld [tilespmem:s1+$0x30]  }
.LBB2_12:
0xd9: {  	p1 =	seq.s32 s0, $0x1;
	v27 =	vld [tilespmem:s1+$0xFFFFFFD0];
	v20 =	vadd.s32 v26, v20;
	v26 =	vsel vm0, $0x1, v9;
	vm0 =	vge.f32 v22, v18  }
0xda: {  	v28 =	vld [tilespmem:s1+$0xFFFFFFE0];
	v15 =	vadd.s32 v26, v15;
	v22 =	vsel vm0, $0x1, v9;
	vm0 =	vge.f32 v16, v18  }
0xdb: {  	v29 =	vld [tilespmem:s1+$0xFFFFFFF0];
	v13 =	vadd.s32 v22, v13;
	v16 =	vsel vm0, $0x1, v9;
	vm0 =	vge.f32 v23, v18  }
.Ltmp6:
0xdc: {  	v22 =	vld [tilespmem:s1+$0x0];
	vm1 =	vge.f32 v25, v18;
	v21 =	vadd.s32 v16, v21;
	v23 =	vsel vm0, $0x1, v9;
	(pc) =	sbr.rel @!p1 .LBB2_12-.Ltmp6, $4  }
0xdd: {  	v16 =	vld [tilespmem:s1+$0x10];
	vm0 =	vge.f32 v12, v18;
	v12 =	vsel vm1, $0x1, v9;
	v14 =	vadd.s32 v23, v14  }
0xde: {  	vm1 =	vge.f32 v27, v18;
	v23 =	vld [tilespmem:s1+$0x20];
	v26 =	vsel vm0, $0x1, v9;
	v24 =	vadd.s32 v12, v24  }
0xdf: {  	v25 =	vld [tilespmem:s1+$0xFFFFFFC0];
	v27 =	vsel vm1, $0x1, v9;
	vm0 =	vge.f32 v28, v18;
	v10 =	vadd.s32 v26, v10;
	s1 =	sadd.s32 $0x80, s1  }
0xe0: {  	s0 =	sadd.s32 $0xFFFFFFFF, s0;
	v12 =	vld [tilespmem:s1+$0x30];
	v11 =	vadd.s32 v27, v11;
	v26 =	vsel vm0, $0x1, v9;
	vm0 =	vge.f32 v29, v18  }
.LBB2_13:
0xe1: {  	v27 =	vld [tilespmem:s1+$0xFFFFFFD0];
	v26 =	vadd.s32 @p0 v26, v20;
	v20 =	vsel @p0 vm0, $0x1, v9;
	vm0 =	vge.f32 @p0 v22, v18  }
0xe2: {  	v22 =	vld [tilespmem:s1+$0xFFFFFFE0];
	v15 =	vadd.s32 @p0 v20, v15;
	v20 =	vsel @p0 vm0, $0x1, v9;
	vm0 =	vge.f32 @p0 v16, v18  }
0xe3: {  	v60 =	vld [tilespmem:s1+$0x10];
	v13 =	vadd.s32 @p0 v20, v13;
	v20 =	vsel @p0 vm0, $0x1, v9;
	vm0 =	vge.f32 @p0 v23, v18  }
0xe4: {  	v61 =	vld [tilespmem:s1+$0x20];
	v15 =	vpsel p0, v15, v19;
	vm1 =	vge.f32 @p0 v25, v18;
	v21 =	vadd.s32 @p0 v20, v21  }
0xe5: {  	v16 =	vld [tilespmem:s1+$0xFFFFFFF0];
	v20 =	vsel @p0 vm0, $0x1, v9;
	v13 =	vpsel p0, v13, v19;
	vm8 =	vge.f32 v12, v18  }
0xe6: {  	v12 =	vsel @p0 vm1, $0x1, v9;
	v14 =	vadd.s32 @p0 v20, v14;
	v21 =	vpsel p0, v21, v19  }
0xe7: {  	v23 =	vld [tilespmem:s1+$0x0];
	vm9 =	vge.f32 v27, v18;
	v20 =	vsel vm8, $0x1, v9;
	v12 =	vadd.s32 @p0 v12, v24  }
0xe8: {  	vm10 =	vge.f32 v22, v18;
	v62 =	vpsel p0, v14, v19;
	v20 =	vadd.s32 v20, v10;
	v10 =	vld [tilespmem:s1+$0xFFFFFFC0]  }
0xe9: {  	vm13 =	vge.f32 v60, v18;
	vm14 =	vge.f32 v61, v18;
	v27 =	vsel vm9, $0x1, v9  }
0xea: {  	v22 =	vsel vm10, $0x1, v9;
	vm11 =	vge.f32 v16, v18;
	v16 =	vpsel p0, v26, v19  }
0xeb: {  	v63 =	vpsel p0, v12, v19;
	v11 =	vadd.s32 v27, v11;
	v14 =	vadd.s32 v22, v16  }
0xec: {  	v12 =	vsel vm11, $0x1, v9;
	vm12 =	vge.f32 v23, v18;
	v16 =	vsel vm13, $0x1, v9  }
0xed: {  	v12 =	vadd.s32 v12, v15;
	v15 =	vsel vm12, $0x1, v9;
	vm15 =	vge.f32 v10, v18  }
0xee: {  	v22 =	vadd.s32 v15, v13;
	v10 =	vsel vm14, $0x1, v9;
	v13 =	vsel vm15, $0x1, v9  }
0xef: {  	v21 =	vadd.s32 v16, v21;
	v19 =	vadd.s32 v10, v62;
	v13 =	vadd.s32 v13, v63  }
0xf0: {  	p0 =	sgt.u32 s21, $0xFE  }
.Ltmp7:
0xf1: {  	_ = 	snop;
	(pc) =	sbr.rel @p0 .LBB2_18-.Ltmp7, $4  }
.Ltmp8:
0xf2: {  	_ = 	snop;
	(pc) =	sbr.rel @!p0 .LBB2_6-.Ltmp8, $4  }
0xf3: {  	_ = 	snop  }
0xf4: {  	_ = 	snop  }
0xf5: {  	_ = 	snop  }
0xf6: {  	_ = 	snop  }
.LBB2_4:
0xf7: {  	v20 =	vimm.s32 $0x0  }
0xf8: {  	v21 =	vimm.s32 $0x0;
	v22 =	vimm.s32 $0x0;
	v12 =	vimm.s32 $0x0  }
0xf9: {  	v14 =	vimm.s32 $0x0;
	v11 =	vimm.s32 $0x0;
	v13 =	vimm.s32 $0x0  }
.LBB2_6:
0xfa: {  	s31 =	ssub.s32 $0xFF, s21  }
0xfb: {  	p1 =	sne.s32 s31, $0x1  }
.Ltmp9:
0xfc: {  	_ = 	snop;
	(pc) =	sbr.rel @!p1 .LBB2_7-.Ltmp9, $4  }
0xfd: {  	s0 =	sshll.u32 s21, $0x9  }
0xfe: {  	s1 =	sshra.s32 s0, $0x2  }
0xff: {  	s1 =	sadd.s32 $0x80F0, s1  }
0x100: {  	p0 =	por $0x0, $0x0;
	s0 =	sadd.s32 $0xFFFFFFFF, s31;
	v10 =	vld [tilespmem:s1+$0x0]  }
0x101: {  	v24 =	vld [tilespmem:s1+$0xFFFFFFA0];
	_ =	sdelay $0x2  }
0x102: {  	v25 =	vld [tilespmem:s1+$0xFFFFFFB0]  }
0x103: {  	v26 =	vld [tilespmem:s1+$0xFFFFFFC0];
	p1 =	sne.s32 s0, $0x1  }
.Ltmp10:
0x104: {  	v16 =	vld [tilespmem:s1+$0xFFFFFFD0];
	vm1 =	vgt.f32 v24, v18;
	(pc) =	sbr.rel @!p1 .LBB2_15-.Ltmp10, $4  }
0x105: {  	v15 =	vld [tilespmem:s1+$0xFFFFFFE0];
	vm0 =	vgt.f32 v10, v18;
	v27 =	vsel vm1, $0x1, v9  }
0x106: {  	v23 =	vld [tilespmem:s1+$0xFFFFFFF0];
	v28 =	vmov v12;
	v10 =	vsel vm0, $0x1, v9  }
0x107: {  	v29 =	vmovc v22;
	v30 =	vmovc v21;
	v24 =	vld [tilespmem:s1+$0xFFFFFF90];
	vm0 =	vgt.f32 v25, v18;
	s1 =	sadd.s32 $0x80, s1;
	v25 =	vmov v14;
	v20 =	vadd.s32 v10, v20  }
0x108: {  	s22 =	sadd.s32 $0xFFFFFFFF, s0;
	p0 =	por $0x1, $0x1;
	v10 =	vld [tilespmem:s1+$0x0];
	v31 =	vsel vm0, $0x1, v9;
	vm0 =	vgt.f32 v26, v18;
	v26 =	vmovc v13;
	v11 =	vadd.s32 v27, v11;
	v27 =	vmovc v19  }
.LBB2_16:
0x109: {  	p1 =	sne.s32 s22, $0x1;
	v32 =	vld [tilespmem:s1+$0xFFFFFFA0];
	v25 =	vadd.s32 v31, v25;
	v31 =	vsel vm0, $0x1, v9;
	vm0 =	vgt.f32 v16, v18  }
0x10a: {  	v33 =	vld [tilespmem:s1+$0xFFFFFFB0];
	v28 =	vadd.s32 v31, v28;
	v16 =	vsel vm0, $0x1, v9;
	vm0 =	vgt.f32 v15, v18  }
0x10b: {  	v34 =	vld [tilespmem:s1+$0xFFFFFFC0];
	v29 =	vadd.s32 v16, v29;
	v15 =	vsel vm0, $0x1, v9;
	vm0 =	vgt.f32 v23, v18  }
.Ltmp11:
0x10c: {  	v16 =	vld [tilespmem:s1+$0xFFFFFFD0];
	vm1 =	vgt.f32 v24, v18;
	v30 =	vadd.s32 v15, v30;
	v23 =	vsel vm0, $0x1, v9;
	(pc) =	sbr.rel @p1 .LBB2_16-.Ltmp11, $4  }
0x10d: {  	v15 =	vld [tilespmem:s1+$0xFFFFFFE0];
	vm0 =	vgt.f32 v10, v18;
	v10 =	vsel vm1, $0x1, v9;
	v27 =	vadd.s32 v23, v27  }
0x10e: {  	vm1 =	vgt.f32 v32, v18;
	v23 =	vld [tilespmem:s1+$0xFFFFFFF0];
	v31 =	vsel vm0, $0x1, v9;
	v26 =	vadd.s32 v10, v26  }
0x10f: {  	v24 =	vld [tilespmem:s1+$0xFFFFFF90];
	v32 =	vsel vm1, $0x1, v9;
	vm0 =	vgt.f32 v33, v18;
	v20 =	vadd.s32 v31, v20;
	s1 =	sadd.s32 $0x80, s1  }
0x110: {  	s22 =	sadd.s32 $0xFFFFFFFF, s22;
	v10 =	vld [tilespmem:s1+$0x0];
	v11 =	vadd.s32 v32, v11;
	v31 =	vsel vm0, $0x1, v9;
	vm0 =	vgt.f32 v34, v18  }
.LBB2_17:
0x111: {  	v32 =	vld [tilespmem:s1+$0xFFFFFFA0]  }
0x112: {  	v25 =	vadd.s32 @p0 v31, v25;
	v31 =	vsel @p0 vm0, $0x1, v9;
	vm0 =	vgt.f32 @p0 v16, v18;
	v16 =	vld [tilespmem:s1+$0xFFFFFFB0]  }
0x113: {  	v59 =	vld [tilespmem:s1+$0xFFFFFFD0];
	v28 =	vadd.s32 @p0 v31, v28;
	v31 =	vsel @p0 vm0, $0x1, v9;
	vm0 =	vgt.f32 @p0 v15, v18  }
0x114: {  	v60 =	vld [tilespmem:s1+$0xFFFFFFE0];
	v14 =	vpsel p0, v25, v14;
	v29 =	vadd.s32 @p0 v31, v29;
	v31 =	vsel @p0 vm0, $0x1, v9  }
0x115: {  	v62 =	vld [tilespmem:s1+$0xFFFFFFF0];
	vm0 =	vgt.f32 @p0 v23, v18;
	v12 =	vpsel p0, v28, v12;
	vm1 =	vgt.f32 @p0 v24, v18  }
0x116: {  	v15 =	vld [tilespmem:s1+$0xFFFFFFC0];
	v23 =	vadd.s32 @p0 v31, v30;
	v24 =	vsel @p0 vm0, $0x1, v9;
	vm8 =	vgt.f32 v10, v18  }
0x117: {  	v10 =	vsel @p0 vm1, $0x1, v9;
	v24 =	vadd.s32 @p0 v24, v27;
	v21 =	vpsel p0, v23, v21  }
0x118: {  	vm9 =	vgt.f32 v32, v18;
	v61 =	vsel vm8, $0x1, v9;
	v10 =	vadd.s32 @p0 v10, v26  }
0x119: {  	vm10 =	vgt.f32 v16, v18;
	v16 =	vld [tilespmem:s1+$0xFFFFFF90];
	v19 =	vpsel p0, v24, v19;
	vm12 =	vgt.f32 v59, v18  }
0x11a: {  	vm13 =	vgt.f32 v60, v18;
	vm14 =	vgt.f32 v62, v18;
	v32 =	vsel vm9, $0x1, v9  }
0x11b: {  	v20 =	vadd.s32 v61, v20;
	v63 =	vsel vm10, $0x1, v9;
	vm11 =	vgt.f32 v15, v18  }
0x11c: {  	v15 =	vpsel p0, v29, v22;
	v10 =	vpsel p0, v10, v13;
	v23 =	vsel vm13, $0x1, v9  }
0x11d: {  	v11 =	vadd.s32 v32, v11;
	v14 =	vadd.s32 v63, v14;
	v13 =	vsel vm11, $0x1, v9  }
0x11e: {  	v12 =	vadd.s32 v13, v12;
	v13 =	vsel vm12, $0x1, v9;
	vm15 =	vgt.f32 v16, v18  }
0x11f: {  	v22 =	vadd.s32 v13, v15;
	v13 =	vsel vm14, $0x1, v9;
	v15 =	vsel vm15, $0x1, v9  }
0x120: {  	v21 =	vadd.s32 v23, v21;
	v19 =	vadd.s32 v13, v19;
	v13 =	vadd.s32 v15, v10  }
.LBB2_18:
0x121: {  	s0 =	sshll.u32 s21, $0x9  }
0x122: {  	s0 =	sshra.s32 s0, $0x2  }
0x123: {  	v16 =	vld [tilespmem:s0+$0x8000]  }
0x124: {  	v10 =	vld [tilespmem:s0+$0x8010]  }
0x125: {  	v51 =	vld [tilespmem:s0+$0x8020]  }
0x126: {  	v50 =	vld [tilespmem:s0+$0x8030]  }
0x127: {  	v15 =	vld [tilespmem:s0+$0x8040]  }
0x128: {  	v47 =	vld [tilespmem:s0+$0x8050]  }
0x129: {  	s30 =	simm.s32 $0x0;
	v46 =	vld [tilespmem:s0+$0x8060]  }
0x12a: {  	v36 =	vld [tilespmem:s0+$0x8070];
	[tilespmem:s13], [sflag:$0x2] =	stream.linear.gather [hbm4b:s7+s30], $0x8000, $0x38  }
0x12b: {  	_ =	swait.ge [sflag:s17], $0x8000  }
0x12c: {  	[sflag:s17] =	ssyncset.done $0x0  }
0x12d: {  	s28 =	simm.s32 $0x10040;
	[sflag:s17] =	ssyncadd.s32 $0xFFFF8000  }
0x12e: {  	v24 =	vld [tilespmem:s28+$0xFFFFFFC0]  }
0x12f: {  	v25 =	vld [tilespmem:s28+$0xFFFFFFD0]  }
0x130: {  	v27 =	vld [tilespmem:s28+$0xFFFFFFE0]  }
0x131: {  	v28 =	vld [tilespmem:s28+$0xFFFFFFF0]  }
0x132: {  	v29 =	vld [tilespmem:s28+$0x0]  }
0x133: {  	v30 =	vld [tilespmem:s28+$0x10]  }
0x134: {  	v31 =	vld [tilespmem:s28+$0x20];
	_ =	sdelay $0x1  }
0x135: {  	v38 =	vimm.f32 $-3.402823470e+38;
	s29 =	simm.s32 $0x100C0;
	v44 =	vld [tilespmem:s28+$0x30]  }
0x136: {  	v23 =	vimm.s32 $0x0;
	v48 =	vld [tilespmem:s29+$0xFFFFFFC0];
	vm0 =	vgt.f32 v24, v38;
	vm1 =	vgt.f32 v25, v38  }
0x137: {  	v41 =	vld [tilespmem:s29+$0xFFFFFFD0];
	vm2 =	vgt.f32 v27, v38;
	vm3 =	vgt.f32 v28, v38;
	vm4 =	vgt.f32 v29, v38  }
0x138: {  	v49 =	vld [tilespmem:s29+$0xFFFFFFE0];
	vm5 =	vgt.f32 v30, v38;
	vm6 =	vgt.f32 v31, v38;
	v45 =	vsel vm0, v24, v38  }
0x139: {  	v37 =	vld [tilespmem:s29+$0xFFFFFFF0];
	v26 =	vsel vm0, s30, v23;
	v42 =	vsel vm1, v25, v38;
	v43 =	vsel vm2, v27, v38  }
0x13a: {  	v40 =	vld [tilespmem:s29+$0x0];
	v39 =	vsel vm3, v28, v38;
	v33 =	vsel vm4, v29, v38;
	vm0 =	vgt.f32 v44, v38  }
0x13b: {  	v34 =	vld [tilespmem:s29+$0x10];
	v35 =	vsel vm5, v30, v38;
	v32 =	vsel vm6, v31, v38;
	v29 =	vsel vm1, s30, v23  }
0x13c: {  	v30 =	vsel vm2, s30, v23;
	v28 =	vsel vm3, s30, v23;
	v31 =	vsel vm0, v44, v38;
	v38 =	vld [tilespmem:s29+$0x20]  }
0x13d: {  	s31 =	simm.s32 $0x1;
	s1 =	simm.s32 $0x2;
	s0 =	simm.s32 $0x10140;
	v27 =	vsel vm4, s30, v23;
	v25 =	vsel vm5, s30, v23;
	v24 =	vsel vm6, s30, v23;
	v44 =	vld [tilespmem:s29+$0x30]  }
.LBB2_19:
0x13e: {  	v52 =	vld [tilespmem:s0+$0xFFFFFFC0];
	p0 =	sne.s32 s1, $0xFF;
	vm1 =	vgt.f32 v48, v45;
	vm2 =	vgt.f32 v41, v42;
	v23 =	vsel vm0, s30, v23;
	s30 =	smov.u32 s31;
	s31 =	smov.u32 s1  }
0x13f: {  	v45 =	vsel vm1, v48, v45;
	v26 =	vsel vm1, s30, v26;
	v42 =	vsel vm2, v41, v42;
	v41 =	vld [tilespmem:s0+$0xFFFFFFD0]  }
0x140: {  	vm3 =	vgt.f32 v37, v39;
	vm1 =	vgt.f32 v49, v43;
	vm4 =	vgt.f32 v40, v33;
	v53 =	vld [tilespmem:s0+$0xFFFFFFE0]  }
.Ltmp12:
0x141: {  	v39 =	vsel vm3, v37, v39;
	v43 =	vsel vm1, v49, v43;
	v33 =	vsel vm4, v40, v33;
	v37 =	vld [tilespmem:s0+$0xFFFFFFF0];
	(pc) =	sbr.rel @p0 .LBB2_19-.Ltmp12, $4  }
0x142: {  	vm5 =	vgt.f32 v34, v35;
	vm6 =	vgt.f32 v38, v32;
	v40 =	vld [tilespmem:s0+$0x0];
	vm0 =	vgt.f32 v44, v31  }
0x143: {  	v35 =	vsel vm5, v34, v35;
	v32 =	vsel vm6, v38, v32;
	v34 =	vld [tilespmem:s0+$0x10];
	v31 =	vsel vm0, v44, v31;
	v48 =	vmovc v52  }
0x144: {  	v29 =	vsel vm2, s30, v29;
	v28 =	vsel vm3, s30, v28;
	v30 =	vsel vm1, s30, v30;
	v38 =	vld [tilespmem:s0+$0x20]  }
0x145: {  	s1 =	sadd.s32 $0x1, s1;
	v27 =	vsel vm4, s30, v27;
	v25 =	vsel vm5, s30, v25;
	v24 =	vsel vm6, s30, v24;
	v44 =	vld [tilespmem:s0+$0x30];
	s0 =	sadd.s32 $0x80, s0;
	v49 =	vmovc v53  }
0x146: {  	s0 =	sshll.u32 s21, $0x7;
	vm1 =	veq.f32 v16, v18;
	vm3 =	vgt.f32 v16, v18  }
0x147: {  	v16 =	vor.u32 $0x10, v0;
	vm11 =	veq.f32 v10, v18;
	v52 =	vor.u32 s0, v0  }
0x148: {  	vm12 =	vgt.f32 v10, v18;
	v10 =	vor.u32 $0x20, v0;
	vm2 =	vlt.s32 v52, v17  }
0x149: {  	vm14 =	veq.f32 v51, v18;
	vm15 =	vgt.f32 v51, v18;
	vm1 =	vmand vm2, vm1  }
0x14a: {  	vm7 =	veq.f32 v50, v18;
	v58 =	vor.u32 s0, v16;
	vm1 =	vmor vm3, vm1  }
0x14b: {  	vm8 =	vgt.f32 v50, v18;
	vm10 =	vlt.s32 v58, v17;
	v59 =	vsel vm1, $0x1, v9  }
0x14c: {  	vm1 =	vmand vm10, vm11;
	vm10 =	veq.f32 v15, v18;
	vm11 =	vgt.f32 v15, v18  }
0x14d: {  	v52 =	vadd.s32 v59, v13;
	vm1 =	vmor vm12, vm1;
	v13 =	vor.u32 s0, v10  }
0x14e: {  	v15 =	vor.u32 $0x50, v0;
	vm13 =	vlt.s32 v13, v17;
	v53 =	vsel vm1, $0x1, v9  }
0x14f: {  	v13 =	vor.u32 $0x30, v0;
	vm1 =	vmand vm13, vm14;
	v60 =	vadd.s32 v53, v11  }
0x150: {  	v11 =	vor.u32 s0, v13;
	vm13 =	veq.f32 v47, v18;
	vm14 =	vgt.f32 v47, v18  }
0x151: {  	vm1 =	vmor vm15, vm1;
	vm6 =	vlt.s32 v11, v17;
	v11 =	vor.u32 $0x40, v0  }
0x152: {  	vm15 =	vgt.f32 v46, v18;
	v61 =	vsel vm1, $0x1, v9;
	vm1 =	vmand vm6, vm7  }
0x153: {  	v62 =	vadd.s32 v61, v14;
	vm1 =	vmor vm8, vm1;
	v14 =	vor.u32 s0, v11  }
0x154: {  	vm6 =	veq.f32 v46, v18;
	vm9 =	vlt.s32 v14, v17;
	v14 =	vsel vm1, $0x1, v9  }
0x155: {  	vm8 =	veq.f32 v36, v18;
	vm1 =	vmand vm9, vm10;
	v63 =	vadd.s32 v14, v12  }
0x156: {  	v12 =	vor.u32 s0, v15;
	v14 =	vor.u32 $0x60, v0;
	vm1 =	vmor vm11, vm1  }
0x157: {  	vm12 =	vlt.s32 v12, v17;
	v54 =	vor.u32 s0, v14;
	v12 =	vsel vm1, $0x1, v9  }
0x158: {  	(xrf0) =	vadd.scan.msk.s32 $0xffff, v52;
	vm1 =	vmand vm12, vm13;
	v22 =	vadd.s32 v12, v22;
	v12 =	vor.u32 $0x70, v0  }
0x159: {  	(xrf0) =	vadd.scan.msk.s32 $0xffff, v60;
	vm7 =	vlt.s32 v54, v17;
	vm1 =	vmor vm14, vm1;
	v56 =	vor.u32 s0, v12  }
0x15a: {  	(xrf0) =	vadd.scan.msk.s32 $0xffff, v62;
	v55 =	vsel vm1, $0x1, v9;
	vm1 =	vmand vm7, vm6;
	vm4 =	vlt.s32 v56, v17  }
0x15b: {  	vm9 =	vgt.f32 v36, v18;
	(xrf0) =	vadd.scan.msk.s32 $0xffff, v63;
	vm1 =	vmor vm15, vm1;
	vm3 =	vmand vm4, vm8  }
0x15c: {  	(xrf0) =	vadd.scan.msk.s32 $0xffff, v22;
	v17 =	vadd.s32 v55, v21;
	v18 =	vsel vm1, $0x1, v9;
	vm10 =	vmor vm9, vm3  }
0x15d: {  	(xrf0) =	vadd.scan.msk.s32 $0xffff, v17;
	v17 =	vadd.s32 v18, v19;
	v18 =	vsel vm10, $0x1, v9  }
0x15e: {  	vm6 =	vgt.f32 v48, v45;
	v19, _, _ =	vpop (xrf0);
	(xrf0) =	vadd.scan.msk.s32 $0xffff, v17;
	v17 =	vadd.s32 v18, v20  }
0x15f: {  	vm7 =	vgt.f32 v41, v42;
	(v2sf) =	vpush v19, $0xF;
	v19, _, _ =	vpop (xrf0);
	v18 =	vsel vm6, v48, v45;
	(xrf0) =	vadd.scan.msk.s32 $0xffff, v17  }
0x160: {  	vm8 =	vgt.f32 v49, v43;
	(v2sf) =	vpush v19, $0xF;
	v19, _, _ =	vpop (xrf0);
	v17 =	vsel vm7, v41, v42;
	(xrf0) =	vmax.scan.msk.f32 $0xffff, v18  }
0x161: {  	vm5 =	vgt.f32 v37, v39;
	v20 =	vsel vm8, v49, v43;
	(v2sf) =	vpush v19, $0xF;
	v19, _, _ =	vpop (xrf0);
	(xrf0) =	vmax.scan.msk.f32 $0xffff, v17  }
0x162: {  	v57 =	vsel vm5, v37, v39;
	vm11 =	vgt.f32 v40, v33;
	(v2sf) =	vpush v19, $0xF;
	v19, _, _ =	vpop (xrf0);
	(xrf0) =	vmax.scan.msk.f32 $0xffff, v20  }
0x163: {  	v58 =	vsel vm11, v40, v33;
	vm12 =	vgt.f32 v34, v35;
	(v2sf) =	vpush v19, $0xF;
	v19, _, _ =	vpop (xrf0);
	(xrf0) =	vmax.scan.msk.f32 $0xffff, v57  }
0x164: {  	vm13 =	vgt.f32 v38, v32;
	v59 =	vsel vm12, v34, v35;
	(v2sf) =	vpush v19, $0xF;
	v19, _, _ =	vpop (xrf0);
	(xrf0) =	vmax.scan.msk.f32 $0xffff, v58  }
0x165: {  	vm14 =	vgt.f32 v44, v31;
	v32 =	vsel vm13, v38, v32;
	(v2sf) =	vpush v19, $0xF;
	v19, _, _ =	vpop (xrf0);
	(xrf0) =	vmax.scan.msk.f32 $0xffff, v59  }
0x166: {  	v31 =	vsel vm14, v44, v31;
	(v2sf) =	vpush v19, $0xF;
	v19, _, _ =	vpop (xrf0);
	(xrf0) =	vmax.scan.msk.f32 $0xffff, v32  }
0x167: {  	(v2sf) =	vpush v19, $0xF;
	v19, _, _ =	vpop (xrf0);
	(xrf0) =	vmax.scan.msk.f32 $0xffff, v31  }
0x168: {  	v60, _, _ =	vpop (xrf0);
	(v2sf) =	vpush v19, $0xF  }
0x169: {  	v19, _, _ =	vpop (xrf0);
	(v2sf) =	vpush v60, $0xF  }
0x16a: {  	(v2sf) =	vpush v19, $0xF;
	v19, _, _ =	vpop (xrf0)  }
0x16b: {  	(v2sf) =	vpush v19, $0xF;
	v19, _, _ =	vpop (xrf0)  }
0x16c: {  	(v2sf) =	vpush v19, $0xF;
	v19, _, _ =	vpop (xrf0)  }
0x16d: {  	(v2sf) =	vpush v19, $0xF;
	v19, _, _ =	vpop (xrf0)  }
0x16e: {  	s26 =	spop (v2sf);
	(v2sf) =	vpush v19, $0xF  }
0x16f: {  	s29 =	spop (v2sf)  }
0x170: {  	s28 =	spop (v2sf)  }
0x171: {  	s25 =	spop (v2sf)  }
0x172: {  	s24 =	spop (v2sf)  }
0x173: {  	s23 =	spop (v2sf)  }
0x174: {  	s22 =	spop (v2sf)  }
0x175: {  	s21 =	spop (v2sf)  }
0x176: {  	s18 =	spop (v2sf)  }
0x177: {  	s1 =	spop (v2sf)  }
0x178: {  	s0 =	smax.f32 s18, s1;
	s18 =	spop (v2sf)  }
0x179: {  	s0 =	smax.f32 s0, s18;
	s18 =	spop (v2sf)  }
0x17a: {  	s0 =	smax.f32 s0, s18;
	s18 =	spop (v2sf)  }
0x17b: {  	s0 =	smax.f32 s0, s18;
	s18 =	spop (v2sf)  }
0x17c: {  	s0 =	smax.f32 s0, s18;
	s18 =	spop (v2sf)  }
0x17d: {  	v19 =	vsel vm6, s31, v26;
	s0 =	smax.f32 s0, s18;
	s18 =	spop (v2sf)  }
0x17e: {  	v61 =	vsel vm7, s31, v29;
	v62 =	vsel vm8, s31, v30;
	v19 =	vshll.u32 v19, $0x7;
	s0 =	smax.f32 s0, s18  }
0x17f: {  	vm15 =	veq.f32 v18, s0;
	v18 =	vxor.u32 v1, v19;
	v19 =	vshll.u32 v61, $0x7  }
0x180: {  	vm9 =	veq.f32 v17, s0;
	v18 =	vnsel vm15, $0x80008000, v18;
	v17 =	vxor.u32 v2, v19  }
0x181: {  	(xrf0) =	vmin.scan.msk.u32 $0xffff, v18;
	v17 =	vnsel vm9, $0x80008000, v17;
	v18 =	vshll.u32 v62, $0x7  }
0x182: {  	vm10 =	veq.f32 v20, s0;
	v19 =	vsel vm5, s31, v28;
	(xrf0) =	vmin.scan.msk.u32 $0xffff, v17;
	v17 =	vxor.u32 v3, v18  }
0x183: {  	v18 =	vshll.u32 v19, $0x7;
	v19 =	vsel vm11, s31, v27;
	v17 =	vnsel vm10, $0x80008000, v17  }
0x184: {  	vm11 =	veq.f32 v57, s0;
	v19 =	vshll.u32 v19, $0x7;
	(xrf0) =	vmin.scan.msk.u32 $0xffff, v17;
	v17 =	vxor.u32 v4, v18  }
0x185: {  	v63 =	vsel vm13, s31, v24;
	v17 =	vnsel vm11, $0x80008000, v17  }
0x186: {  	v20 =	vsel vm12, s31, v25;
	vm12 =	veq.f32 v58, s0;
	(xrf0) =	vmin.scan.msk.u32 $0xffff, v17;
	v17 =	vxor.u32 v5, v19  }
0x187: {  	vm13 =	veq.f32 v59, s0;
	v20 =	vshll.u32 v20, $0x7;
	v19, _, _ =	vpop (xrf0);
	v17 =	vnsel vm12, $0x80008000, v17  }
0x188: {  	v18 =	vsel vm0, s30, v23;
	(v2sf) =	vpush v19, $0xF;
	v19, _, _ =	vpop (xrf0);
	(xrf0) =	vmin.scan.msk.u32 $0xffff, v17;
	v17 =	vxor.u32 v6, v20  }
0x189: {  	(v2sf) =	vpush v19, $0xF;
	v17 =	vnsel vm13, $0x80008000, v17;
	v19 =	vshll.u32 v63, $0x7  }
0x18a: {  	v18 =	vsel vm14, s31, v18;
	vm14 =	veq.f32 v32, s0;
	v20, _, _ =	vpop (xrf0);
	(xrf0) =	vmin.scan.msk.u32 $0xffff, v17;
	v17 =	vxor.u32 v7, v19  }
0x18b: {  	v18 =	vshll.u32 v18, $0x7;
	(v2sf) =	vpush v20, $0xF;
	v17 =	vnsel vm14, $0x80008000, v17  }
0x18c: {  	vm15 =	veq.f32 v31, s0;
	v19, _, _ =	vpop (xrf0);
	(xrf0) =	vmin.scan.msk.u32 $0xffff, v17;
	v17 =	vxor.u32 v8, v18  }
0x18d: {  	(v2sf) =	vpush v19, $0xF;
	v17 =	vnsel vm15, $0x80008000, v17  }
0x18e: {  	v18, _, _ =	vpop (xrf0);
	(xrf0) =	vmin.scan.msk.u32 $0xffff, v17  }
0x18f: {  	(v2sf) =	vpush v18, $0xF  }
0x190: {  	v17, _, _ =	vpop (xrf0)  }
0x191: {  	(v2sf) =	vpush v17, $0xF  }
0x192: {  	v17, _, _ =	vpop (xrf0)  }
0x193: {  	(v2sf) =	vpush v17, $0xF  }
0x194: {  	v17, _, _ =	vpop (xrf0)  }
0x195: {  	(v2sf) =	vpush v17, $0xF  }
0x196: {  	[tilespmem:s14], [sflag:$0x3] =	stream.strided.gather [hbm4b:s8+s12], $0x8000, s11, s12, $0x38;
	[tilespmem:$0x18080] =	vst v63  }
0x197: {  	s1 =	spop (v2sf)  }
0x198: {  	s18 =	spop (v2sf)  }
0x199: {  	s0 =	sxor.u32 $0x80000000, s1;
	s1 =	sxor.u32 $0x80000000, s18  }
0x19a: {  	s30 =	spop (v2sf);
	p0 =	slt.s32 s0, s1  }
0x19b: {  	s1 =	smov.u32 @p0 s0;
	s0 =	sxor.u32 $0x80000000, s30  }
0x19c: {  	s30 =	spop (v2sf);
	p0 =	slt.s32 s1, s0  }
0x19d: {  	s0 =	smov.u32 @p0 s1;
	s1 =	sxor.u32 $0x80000000, s30  }
0x19e: {  	s30 =	spop (v2sf);
	p0 =	slt.s32 s0, s1  }
0x19f: {  	s1 =	smov.u32 @p0 s0;
	s0 =	sxor.u32 $0x80000000, s30  }
0x1a0: {  	s30 =	spop (v2sf);
	p0 =	slt.s32 s1, s0  }
0x1a1: {  	s0 =	smov.u32 @p0 s1;
	s1 =	sxor.u32 $0x80000000, s30  }
0x1a2: {  	s30 =	spop (v2sf);
	p0 =	slt.s32 s0, s1  }
0x1a3: {  	s1 =	smov.u32 @p0 s0;
	s0 =	sxor.u32 $0x80000000, s30  }
0x1a4: {  	p0 =	slt.s32 s1, s0;
	s30 =	spop (v2sf)  }
0x1a5: {  	s0 =	smov.u32 @p0 s1;
	s1 =	sxor.u32 $0x80000000, s30  }
0x1a6: {  	p0 =	slt.s32 s0, s1  }
0x1a7: {  	s1 =	smov.u32 @p0 s0  }
0x1a8: {  	p0 =	slt.s32 s1, $0x8000;
	s0 =	smov.u32 s1  }
0x1a9: {  	s0 =	simm.s32 @!p0 $0x8000  }
0x1aa: {  	s30 =	sand.u32 $0x7F, s0  }
0x1ab: {  	p6 =	slt.s32 s1, $0x1;
	s31 =	sshra.s32 s0, $0x1F;
	p1 =	sne.s32 s30, $0x0  }
0x1ac: {  	v17 =	vmov s0;
	s1 =	sshrl.u32 s31, $0x19;
	p0 =	por !p6, !p1  }
0x1ad: {  	s0 =	sadd.s32 s1, s0;
	s1 =	simm.s32 $0x1;
	p0 =	por !p0, !p0  }
0x1ae: {  	_ =	swait.ge [sflag:s15], $0x8000;
	s0 =	sshra.s32 s0, $0x7;
	s1 =	simm.s32 @!p0 $0x0  }
0x1af: {  	[sflag:s15] =	ssyncset.done $0x0;
	s30 =	ssub.s32 s0, s1  }
0x1b0: {  	[sflag:s15] =	ssyncadd.s32 $0xFFFF8000;
	p0 =	sgt.s32 s30, $0x0  }
.Ltmp13:
0x1b1: {  	v18 =	vld.idx.msk [tilespmem:v17+s2+$0x0], $0xffff;
	(pc) =	sbr.rel @!p0 .LBB2_21-.Ltmp13, $2  }
0x1b2: {  	_ =	sdelay $0x2  }
0x1b3: {  	v19 =	vimm.s32 $0x0;
	s1 =	simm.s32 $0x40  }
0x1b4: {  	p1 =	seq.s32 s30, $0x1  }
.Ltmp14:
0x1b5: {  	_ = 	snop;
	(pc) =	sbr.rel @p1 .LBB2_26-.Ltmp14, $2  }
0x1b6: {  	_ =	sdelay $0x2  }
0x1b7: {  	v22 =	vld [tilespmem:s1+$0x30];
	s0 =	sadd.s32 $0xFFFFFFFF, s30;
	p0 =	por $0x0, $0x0  }
0x1b8: {  	v20 =	vld [tilespmem:s1+$0xFFFFFFD0]  }
0x1b9: {  	v21 =	vld [tilespmem:s1+$0xFFFFFFE0];
	_ =	sdelay $0x1  }
0x1ba: {  	v23 =	vld [tilespmem:s1+$0xFFFFFFF0];
	p1 =	seq.s32 s0, $0x1  }
.Ltmp15:
0x1bb: {  	v29 =	vld [tilespmem:s1+$0x0];
	v27 =	vimm.s32 $0x0;
	v25 =	vimm.s32 $0x0;
	v28 =	vimm.s32 $0x0;
	(pc) =	sbr.rel @p1 .LBB2_28-.Ltmp15, $4  }
0x1bc: {  	v26 =	vld [tilespmem:s1+$0x10];
	v24 =	vimm.s32 $0x0;
	v31 =	vimm.s32 $0x0;
	vm0 =	vge.f32 v22, v18  }
0x1bd: {  	v30 =	vld [tilespmem:s1+$0x20];
	vm1 =	vge.f32 v20, v18;
	v20 =	vsel vm0, $0x1, v9;
	vm0 =	vge.f32 v21, v18  }
0x1be: {  	v32 =	vld [tilespmem:s1+$0xFFFFFFC0];
	s1 =	sadd.s32 $0x80, s1;
	v22 =	vsel vm1, $0x1, v9;
	v20 =	vadd.s32 v20, v19;
	v33 =	vsel vm0, $0x1, v9  }
0x1bf: {  	s0 =	sadd.s32 $0xFFFFFFFF, s0;
	p0 =	por $0x1, $0x1;
	vm0 =	vge.f32 v23, v18;
	v23 =	vimm.s32 $0x0;
	v21 =	vadd.s32 v22, v19;
	v22 =	vld [tilespmem:s1+$0x30]  }
.LBB2_29:
0x1c0: {  	p1 =	seq.s32 s0, $0x1;
	v34 =	vld [tilespmem:s1+$0xFFFFFFD0];
	v27 =	vadd.s32 v33, v27;
	v33 =	vsel vm0, $0x1, v9;
	vm0 =	vge.f32 v29, v18  }
0x1c1: {  	v35 =	vld [tilespmem:s1+$0xFFFFFFE0];
	v25 =	vadd.s32 v33, v25;
	v29 =	vsel vm0, $0x1, v9;
	vm0 =	vge.f32 v26, v18  }
0x1c2: {  	v36 =	vld [tilespmem:s1+$0xFFFFFFF0];
	v23 =	vadd.s32 v29, v23;
	v26 =	vsel vm0, $0x1, v9;
	vm0 =	vge.f32 v30, v18  }
.Ltmp16:
0x1c3: {  	v29 =	vld [tilespmem:s1+$0x0];
	vm1 =	vge.f32 v32, v18;
	v28 =	vadd.s32 v26, v28;
	v30 =	vsel vm0, $0x1, v9;
	(pc) =	sbr.rel @!p1 .LBB2_29-.Ltmp16, $4  }
0x1c4: {  	v26 =	vld [tilespmem:s1+$0x10];
	vm0 =	vge.f32 v22, v18;
	v22 =	vsel vm1, $0x1, v9;
	v24 =	vadd.s32 v30, v24  }
0x1c5: {  	vm1 =	vge.f32 v34, v18;
	v30 =	vld [tilespmem:s1+$0x20];
	v33 =	vsel vm0, $0x1, v9;
	v31 =	vadd.s32 v22, v31  }
0x1c6: {  	v32 =	vld [tilespmem:s1+$0xFFFFFFC0];
	v34 =	vsel vm1, $0x1, v9;
	vm0 =	vge.f32 v35, v18;
	v20 =	vadd.s32 v33, v20;
	s1 =	sadd.s32 $0x80, s1  }
0x1c7: {  	s0 =	sadd.s32 $0xFFFFFFFF, s0;
	v22 =	vld [tilespmem:s1+$0x30];
	v21 =	vadd.s32 v34, v21;
	v33 =	vsel vm0, $0x1, v9;
	vm0 =	vge.f32 v36, v18  }
.LBB2_30:
0x1c8: {  	v34 =	vld [tilespmem:s1+$0xFFFFFFD0]  }
0x1c9: {  	v58 =	vld [tilespmem:s1+$0xFFFFFFE0]  }
0x1ca: {  	v27 =	vadd.s32 @p0 v33, v27;
	v33 =	vsel @p0 vm0, $0x1, v9;
	vm0 =	vge.f32 @p0 v29, v18;
	v59 =	vld [tilespmem:s1+$0x0]  }
0x1cb: {  	v60 =	vld [tilespmem:s1+$0x10];
	v25 =	vadd.s32 @p0 v33, v25;
	v33 =	vsel @p0 vm0, $0x1, v9;
	vm0 =	vge.f32 @p0 v26, v18  }
0x1cc: {  	v61 =	vld [tilespmem:s1+$0x20];
	v23 =	vadd.s32 @p0 v33, v23;
	v33 =	vsel @p0 vm0, $0x1, v9;
	vm0 =	vge.f32 @p0 v30, v18  }
0x1cd: {  	v62 =	vld [tilespmem:s1+$0xFFFFFFC0];
	vm1 =	vge.f32 @p0 v32, v18;
	v28 =	vadd.s32 @p0 v33, v28;
	v30 =	vsel @p0 vm0, $0x1, v9  }
0x1ce: {  	v26 =	vld [tilespmem:s1+$0xFFFFFFF0];
	v23 =	vpsel p0, v23, v19;
	vm8 =	vge.f32 v22, v18;
	v22 =	vsel @p0 vm1, $0x1, v9  }
0x1cf: {  	v30 =	vadd.s32 @p0 v30, v24;
	v28 =	vpsel p0, v28, v19;
	vm9 =	vge.f32 v34, v18  }
0x1d0: {  	v24 =	vsel vm8, $0x1, v9;
	v22 =	vadd.s32 @p0 v22, v31;
	vm10 =	vge.f32 v58, v18  }
0x1d1: {  	v30 =	vpsel p0, v30, v19;
	vm12 =	vge.f32 v59, v18;
	vm13 =	vge.f32 v60, v18  }
0x1d2: {  	vm14 =	vge.f32 v61, v18;
	vm15 =	vge.f32 v62, v18;
	v34 =	vsel vm9, $0x1, v9  }
0x1d3: {  	v20 =	vadd.s32 v24, v20;
	vm11 =	vge.f32 v26, v18;
	v26 =	vpsel p0, v27, v19  }
0x1d4: {  	v27 =	vpsel p0, v25, v19;
	v24 =	vadd.s32 v34, v21;
	v21 =	vsel vm10, $0x1, v9  }
0x1d5: {  	v63 =	vpsel p0, v22, v19;
	v19 =	vsel vm11, $0x1, v9;
	v25 =	vadd.s32 v21, v26  }
0x1d6: {  	v22 =	vadd.s32 v19, v27;
	v19 =	vsel vm12, $0x1, v9;
	v21 =	vsel vm13, $0x1, v9  }
0x1d7: {  	v26 =	vsel vm15, $0x1, v9;
	v23 =	vadd.s32 v19, v23;
	v19 =	vsel vm14, $0x1, v9  }
0x1d8: {  	v21 =	vadd.s32 v21, v28;
	v26 =	vadd.s32 v26, v63;
	v19 =	vadd.s32 v19, v30  }
0x1d9: {  	p0 =	sgt.u32 s30, $0xFE  }
.Ltmp17:
0x1da: {  	_ = 	snop;
	(pc) =	sbr.rel @p0 .LBB2_35-.Ltmp17, $4  }
.Ltmp18:
0x1db: {  	_ = 	snop;
	(pc) =	sbr.rel @!p0 .LBB2_23-.Ltmp18, $4  }
0x1dc: {  	_ = 	snop  }
0x1dd: {  	_ = 	snop  }
0x1de: {  	_ = 	snop  }
0x1df: {  	_ = 	snop  }
.LBB2_21:
0x1e0: {  	v20 =	vimm.s32 $0x0  }
0x1e1: {  	v21 =	vimm.s32 $0x0;
	v23 =	vimm.s32 $0x0;
	v22 =	vimm.s32 $0x0  }
0x1e2: {  	v25 =	vimm.s32 $0x0;
	v24 =	vimm.s32 $0x0;
	v26 =	vimm.s32 $0x0  }
.LBB2_23:
0x1e3: {  	s31 =	ssub.s32 $0xFF, s30  }
0x1e4: {  	p1 =	sne.s32 s31, $0x1  }
.Ltmp19:
0x1e5: {  	_ = 	snop;
	(pc) =	sbr.rel @!p1 .LBB2_24-.Ltmp19, $4  }
0x1e6: {  	s0 =	sshll.u32 s30, $0x9  }
0x1e7: {  	s1 =	sshra.s32 s0, $0x2  }
0x1e8: {  	s1 =	sadd.s32 $0xF0, s1  }
0x1e9: {  	p0 =	por $0x0, $0x0;
	s0 =	sadd.s32 $0xFFFFFFFF, s31;
	v27 =	vld [tilespmem:s1+$0x0]  }
0x1ea: {  	v31 =	vld [tilespmem:s1+$0xFFFFFFA0];
	_ =	sdelay $0x2  }
0x1eb: {  	v32 =	vld [tilespmem:s1+$0xFFFFFFB0]  }
0x1ec: {  	v33 =	vld [tilespmem:s1+$0xFFFFFFC0];
	p1 =	sne.s32 s0, $0x1  }
.Ltmp20:
0x1ed: {  	v29 =	vld [tilespmem:s1+$0xFFFFFFD0];
	vm1 =	vgt.f32 v31, v18;
	(pc) =	sbr.rel @!p1 .LBB2_32-.Ltmp20, $4  }
0x1ee: {  	v28 =	vld [tilespmem:s1+$0xFFFFFFE0];
	vm0 =	vgt.f32 v27, v18;
	v34 =	vsel vm1, $0x1, v9  }
0x1ef: {  	v30 =	vld [tilespmem:s1+$0xFFFFFFF0];
	v35 =	vmov v22;
	v27 =	vsel vm0, $0x1, v9  }
0x1f0: {  	v36 =	vmovc v23;
	v37 =	vmovc v21;
	v31 =	vld [tilespmem:s1+$0xFFFFFF90];
	vm0 =	vgt.f32 v32, v18;
	s1 =	sadd.s32 $0x80, s1;
	v32 =	vmov v25;
	v20 =	vadd.s32 v27, v20  }
0x1f1: {  	s31 =	sadd.s32 $0xFFFFFFFF, s0;
	p0 =	por $0x1, $0x1;
	v27 =	vld [tilespmem:s1+$0x0];
	v38 =	vsel vm0, $0x1, v9;
	vm0 =	vgt.f32 v33, v18;
	v33 =	vmovc v26;
	v24 =	vadd.s32 v34, v24;
	v34 =	vmovc v19  }
.LBB2_33:
0x1f2: {  	p1 =	sne.s32 s31, $0x1;
	v39 =	vld [tilespmem:s1+$0xFFFFFFA0];
	v32 =	vadd.s32 v38, v32;
	v38 =	vsel vm0, $0x1, v9;
	vm0 =	vgt.f32 v29, v18  }
0x1f3: {  	v40 =	vld [tilespmem:s1+$0xFFFFFFB0];
	v35 =	vadd.s32 v38, v35;
	v29 =	vsel vm0, $0x1, v9;
	vm0 =	vgt.f32 v28, v18  }
0x1f4: {  	v41 =	vld [tilespmem:s1+$0xFFFFFFC0];
	v36 =	vadd.s32 v29, v36;
	v28 =	vsel vm0, $0x1, v9;
	vm0 =	vgt.f32 v30, v18  }
.Ltmp21:
0x1f5: {  	v29 =	vld [tilespmem:s1+$0xFFFFFFD0];
	vm1 =	vgt.f32 v31, v18;
	v37 =	vadd.s32 v28, v37;
	v30 =	vsel vm0, $0x1, v9;
	(pc) =	sbr.rel @p1 .LBB2_33-.Ltmp21, $4  }
0x1f6: {  	v28 =	vld [tilespmem:s1+$0xFFFFFFE0];
	vm0 =	vgt.f32 v27, v18;
	v27 =	vsel vm1, $0x1, v9;
	v34 =	vadd.s32 v30, v34  }
0x1f7: {  	vm1 =	vgt.f32 v39, v18;
	v30 =	vld [tilespmem:s1+$0xFFFFFFF0];
	v38 =	vsel vm0, $0x1, v9;
	v33 =	vadd.s32 v27, v33  }
0x1f8: {  	v31 =	vld [tilespmem:s1+$0xFFFFFF90];
	v39 =	vsel vm1, $0x1, v9;
	vm0 =	vgt.f32 v40, v18;
	v20 =	vadd.s32 v38, v20;
	s1 =	sadd.s32 $0x80, s1  }
0x1f9: {  	s31 =	sadd.s32 $0xFFFFFFFF, s31;
	v27 =	vld [tilespmem:s1+$0x0];
	v24 =	vadd.s32 v39, v24;
	v38 =	vsel vm0, $0x1, v9;
	vm0 =	vgt.f32 v41, v18  }
.LBB2_34:
0x1fa: {  	v39 =	vld [tilespmem:s1+$0xFFFFFFA0]  }
0x1fb: {  	v55 =	vld [tilespmem:s1+$0xFFFFFFB0]  }
0x1fc: {  	v32 =	vadd.s32 @p0 v38, v32;
	v38 =	vsel @p0 vm0, $0x1, v9;
	vm0 =	vgt.f32 @p0 v29, v18;
	v56 =	vld [tilespmem:s1+$0xFFFFFFC0]  }
0x1fd: {  	v57 =	vld [tilespmem:s1+$0xFFFFFFD0];
	v35 =	vadd.s32 @p0 v38, v35;
	v38 =	vsel @p0 vm0, $0x1, v9;
	vm0 =	vgt.f32 @p0 v28, v18  }
0x1fe: {  	v58 =	vld [tilespmem:s1+$0xFFFFFFE0];
	v25 =	vpsel p0, v32, v25;
	v36 =	vadd.s32 @p0 v38, v36;
	v38 =	vsel @p0 vm0, $0x1, v9  }
0x1ff: {  	v60 =	vld [tilespmem:s1+$0xFFFFFFF0];
	vm0 =	vgt.f32 @p0 v30, v18;
	v22 =	vpsel p0, v35, v22;
	vm1 =	vgt.f32 @p0 v31, v18  }
0x200: {  	v61 =	vld [tilespmem:s1+$0xFFFFFF90];
	v30 =	vadd.s32 @p0 v38, v37;
	v31 =	vsel @p0 vm0, $0x1, v9;
	v23 =	vpsel p0, v36, v23  }
0x201: {  	vm8 =	vgt.f32 v27, v18;
	v27 =	vsel @p0 vm1, $0x1, v9;
	v31 =	vadd.s32 @p0 v31, v34  }
0x202: {  	v21 =	vpsel p0, v30, v21;
	vm9 =	vgt.f32 v39, v18;
	v59 =	vsel vm8, $0x1, v9  }
0x203: {  	v27 =	vadd.s32 @p0 v27, v33;
	vm10 =	vgt.f32 v55, v18;
	vm11 =	vgt.f32 v56, v18  }
0x204: {  	v19 =	vpsel p0, v31, v19;
	vm12 =	vgt.f32 v57, v18;
	vm13 =	vgt.f32 v58, v18  }
0x205: {  	vm14 =	vgt.f32 v60, v18;
	vm15 =	vgt.f32 v61, v18;
	v39 =	vsel vm9, $0x1, v9  }
0x206: {  	v20 =	vadd.s32 v59, v20;
	v62 =	vsel vm10, $0x1, v9;
	v26 =	vpsel p0, v27, v26  }
0x207: {  	v27 =	vsel vm11, $0x1, v9;
	v63 =	vsel vm13, $0x1, v9;
	v29 =	vsel vm15, $0x1, v9  }
0x208: {  	v24 =	vadd.s32 v39, v24;
	v22 =	vadd.s32 v27, v22;
	v27 =	vsel vm12, $0x1, v9  }
0x209: {  	v25 =	vadd.s32 v62, v25;
	v23 =	vadd.s32 v27, v23;
	v27 =	vsel vm14, $0x1, v9  }
0x20a: {  	v21 =	vadd.s32 v63, v21;
	v26 =	vadd.s32 v29, v26;
	v19 =	vadd.s32 v27, v19  }
.LBB2_35:
0x20b: {  	s0 =	sshll.u32 s30, $0x9  }
0x20c: {  	s0 =	sshra.s32 s0, $0x2  }
0x20d: {  	v58 =	vld [tilespmem:s0+$0x0]  }
0x20e: {  	v57 =	vld [tilespmem:s0+$0x10]  }
0x20f: {  	v56 =	vld [tilespmem:s0+$0x20]  }
0x210: {  	v54 =	vld [tilespmem:s0+$0x30]  }
0x211: {  	v52 =	vld [tilespmem:s0+$0x40]  }
0x212: {  	v51 =	vld [tilespmem:s0+$0x50]  }
0x213: {  	v44 =	vld [tilespmem:s0+$0x60]  }
0x214: {  	v35 =	vld [tilespmem:s0+$0x70];
	_ =	swait.ge [sflag:s16], $0x8000  }
0x215: {  	[sflag:s16] =	ssyncset.done $0x0  }
0x216: {  	s18 =	simm.s32 $0x8040;
	[sflag:s16] =	ssyncadd.s32 $0xFFFF8000  }
0x217: {  	v28 =	vld [tilespmem:s18+$0xFFFFFFC0]  }
0x218: {  	v29 =	vld [tilespmem:s18+$0xFFFFFFD0]  }
0x219: {  	v30 =	vld [tilespmem:s18+$0xFFFFFFE0]  }
0x21a: {  	v31 =	vld [tilespmem:s18+$0xFFFFFFF0]  }
0x21b: {  	v32 =	vld [tilespmem:s18+$0x0]  }
0x21c: {  	v33 =	vld [tilespmem:s18+$0x10]  }
0x21d: {  	v34 =	vld [tilespmem:s18+$0x20];
	_ =	sdelay $0x1  }
0x21e: {  	s1 =	sadd.s32 s26, s29;
	v36 =	vimm.f32 $-3.402823470e+38;
	s29 =	simm.s32 $0x80C0;
	v47 =	vld [tilespmem:s18+$0x30]  }
0x21f: {  	v27 =	vimm.s32 $0x0;
	s1 =	sadd.s32 s28, s1;
	v53 =	vld [tilespmem:s29+$0xFFFFFFC0];
	vm0 =	vgt.f32 v28, v36;
	vm1 =	vgt.f32 v29, v36  }
0x220: {  	s1 =	sadd.s32 s25, s1;
	v40 =	vld [tilespmem:s29+$0xFFFFFFD0];
	vm2 =	vgt.f32 v30, v36;
	vm3 =	vgt.f32 v31, v36;
	vm4 =	vgt.f32 v32, v36  }
0x221: {  	s31 =	simm.s32 $0x0;
	s1 =	sadd.s32 s24, s1;
	v55 =	vld [tilespmem:s29+$0xFFFFFFE0];
	vm5 =	vgt.f32 v33, v36;
	vm6 =	vgt.f32 v34, v36;
	v48 =	vsel vm0, v28, v36  }
0x222: {  	s1 =	sadd.s32 s23, s1;
	v39 =	vld [tilespmem:s29+$0xFFFFFFF0];
	v28 =	vsel vm0, s31, v27;
	v46 =	vsel vm1, v29, v36;
	v49 =	vsel vm2, v30, v36  }
0x223: {  	s1 =	sadd.s32 s22, s1;
	v45 =	vld [tilespmem:s29+$0x0];
	v41 =	vsel vm3, v31, v36;
	v38 =	vsel vm4, v32, v36;
	vm0 =	vgt.f32 v47, v36  }
0x224: {  	v42 =	vld [tilespmem:s29+$0x10];
	s1 =	sadd.s32 s21, s1;
	v43 =	vsel vm5, v33, v36;
	v37 =	vsel vm6, v34, v36;
	v33 =	vsel vm1, s31, v27  }
0x225: {  	s0 =	simm.s32 $0x8140;
	v50 =	vld [tilespmem:s29+$0x30];
	s21 =	simm.f32 $1.000000000e+00;
	p0 =	slt.s32 s1, $0x5;
	v34 =	vsel vm2, s31, v27;
	v32 =	vsel vm3, s31, v27;
	v31 =	vsel vm4, s31, v27  }
0x226: {  	s22 =	simm.s32 $0x2;
	s1 =	simm.s32 $0x1;
	s21 =	simm.s32 @!p0 $0x0;
	v30 =	vsel vm5, s31, v27;
	v29 =	vsel vm6, s31, v27;
	v36 =	vsel vm0, v47, v36;
	v47 =	vld [tilespmem:s29+$0x20]  }
.LBB2_36:
0x227: {  	v59 =	vld [tilespmem:s0+$0xFFFFFFC0];
	p0 =	sne.s32 s22, $0xFF;
	vm1 =	vgt.f32 v53, v48;
	vm2 =	vgt.f32 v40, v46;
	v27 =	vsel vm0, s31, v27;
	s31 =	smov.u32 s1;
	s1 =	smov.u32 s22  }
0x228: {  	v48 =	vsel vm1, v53, v48;
	v28 =	vsel vm1, s31, v28;
	v46 =	vsel vm2, v40, v46;
	v40 =	vld [tilespmem:s0+$0xFFFFFFD0]  }
0x229: {  	vm3 =	vgt.f32 v39, v41;
	vm1 =	vgt.f32 v55, v49;
	vm4 =	vgt.f32 v45, v38;
	v60 =	vld [tilespmem:s0+$0xFFFFFFE0]  }
.Ltmp22:
0x22a: {  	v41 =	vsel vm3, v39, v41;
	v49 =	vsel vm1, v55, v49;
	v38 =	vsel vm4, v45, v38;
	v39 =	vld [tilespmem:s0+$0xFFFFFFF0];
	(pc) =	sbr.rel @p0 .LBB2_36-.Ltmp22, $4  }
0x22b: {  	vm5 =	vgt.f32 v42, v43;
	vm6 =	vgt.f32 v47, v37;
	v45 =	vld [tilespmem:s0+$0x0];
	vm0 =	vgt.f32 v50, v36  }
0x22c: {  	v43 =	vsel vm5, v42, v43;
	v37 =	vsel vm6, v47, v37;
	v42 =	vld [tilespmem:s0+$0x10];
	v36 =	vsel vm0, v50, v36;
	v53 =	vmovc v59  }
0x22d: {  	v33 =	vsel vm2, s31, v33;
	v32 =	vsel vm3, s31, v32;
	v34 =	vsel vm1, s31, v34;
	v47 =	vld [tilespmem:s0+$0x20]  }
0x22e: {  	s22 =	sadd.s32 $0x1, s22;
	v31 =	vsel vm4, s31, v31;
	v30 =	vsel vm5, s31, v30;
	v29 =	vsel vm6, s31, v29;
	v50 =	vld [tilespmem:s0+$0x30];
	s0 =	sadd.s32 $0x80, s0;
	v55 =	vmovc v60  }
0x22f: {  	vm1 =	vgt.f32 v58, v18  }
0x230: {  	vm2 =	veq.f32 v58, v18;
	vm8 =	veq.f32 v57, v18;
	vm9 =	vgt.f32 v57, v18  }
0x231: {  	s0 =	sshll.u32 s30, $0x7;
	vm11 =	veq.f32 v56, v18;
	vm13 =	vgt.f32 v56, v18;
	vm14 =	veq.f32 v54, v18  }
0x232: {  	vm5 =	vgt.f32 v54, v18;
	vm6 =	veq.f32 v52, v18;
	v59 =	vor.u32 s0, v0  }
0x233: {  	v60 =	vor.u32 s0, v16;
	v63 =	vor.u32 s0, v10;
	v54 =	vor.u32 s0, v12  }
0x234: {  	vm3 =	vlt.s32 v59, v17;
	vm4 =	vlt.s32 v60, v17;
	vm12 =	vlt.s32 v63, v17  }
0x235: {  	v60 =	vor.u32 s0, v13;
	vm2 =	vmand vm3, vm2;
	vm3 =	vmand vm4, vm8  }
0x236: {  	vm15 =	vlt.s32 v60, v17;
	vm8 =	vgt.f32 v52, v18;
	v60 =	vor.u32 s0, v15  }
0x237: {  	vm1 =	vmor vm1, vm2;
	vm10 =	vmor vm9, vm3;
	vm2 =	vmand vm15, vm14  }
0x238: {  	vm9 =	veq.f32 v51, v18;
	vm15 =	veq.f32 v35, v18;
	v61 =	vsel vm1, $0x1, v9  }
0x239: {  	v62 =	vsel vm10, $0x1, v9;
	vm1 =	vmand vm12, vm11;
	vm10 =	vlt.s32 v60, v17  }
0x23a: {  	vm11 =	vgt.f32 v51, v18;
	vm12 =	vgt.f32 v44, v18;
	v26 =	vadd.s32 v61, v26  }
0x23b: {  	v24 =	vadd.s32 v62, v24;
	vm1 =	vmor vm13, vm1;
	v62 =	vor.u32 s0, v11  }
0x23c: {  	vm13 =	veq.f32 v44, v18;
	v61 =	vsel vm1, $0x1, v9;
	vm1 =	vmor vm5, vm2  }
0x23d: {  	vm7 =	vlt.s32 v62, v17;
	vm2 =	vmand vm10, vm9;
	vm9 =	vgt.f32 v35, v18  }
0x23e: {  	v25 =	vadd.s32 v61, v25;
	v63 =	vsel vm1, $0x1, v9;
	vm1 =	vmand vm7, vm6  }
0x23f: {  	(xrf0) =	vadd.scan.msk.s32 $0xffff, v26;
	vm1 =	vmor vm8, vm1;
	v22 =	vadd.s32 v63, v22;
	v63 =	vor.u32 s0, v14  }
0x240: {  	(xrf0) =	vadd.scan.msk.s32 $0xffff, v24;
	vm8 =	vlt.s32 v54, v17;
	v61 =	vsel vm1, $0x1, v9;
	vm14 =	vlt.s32 v63, v17  }
0x241: {  	(xrf0) =	vadd.scan.msk.s32 $0xffff, v25;
	vm1 =	vmor vm11, vm2;
	vm3 =	vmand vm8, vm15;
	vm2 =	vmand vm14, vm13  }
0x242: {  	(xrf0) =	vadd.scan.msk.s32 $0xffff, v22;
	v23 =	vadd.s32 v61, v23;
	v62 =	vsel vm1, $0x1, v9;
	vm1 =	vmor vm12, vm2  }
0x243: {  	vm10 =	vmor vm9, vm3;
	(xrf0) =	vadd.scan.msk.s32 $0xffff, v23;
	v17 =	vadd.s32 v62, v21;
	v18 =	vsel vm1, $0x1, v9  }
0x244: {  	(xrf0) =	vadd.scan.msk.s32 $0xffff, v17;
	v17 =	vadd.s32 v18, v19;
	v18 =	vsel vm10, $0x1, v9  }
0x245: {  	vm6 =	vgt.f32 v53, v48;
	v19, _, _ =	vpop (xrf0);
	(xrf0) =	vadd.scan.msk.s32 $0xffff, v17;
	v17 =	vadd.s32 v18, v20  }
0x246: {  	vm7 =	vgt.f32 v40, v46;
	v18 =	vsel vm6, v53, v48;
	(v2sf) =	vpush v19, $0xF;
	v19, _, _ =	vpop (xrf0);
	(xrf0) =	vadd.scan.msk.s32 $0xffff, v17  }
0x247: {  	vm8 =	vgt.f32 v55, v49;
	v17 =	vsel vm7, v40, v46;
	(v2sf) =	vpush v19, $0xF;
	v19, _, _ =	vpop (xrf0);
	(xrf0) =	vmax.scan.msk.f32 $0xffff, v18  }
0x248: {  	vm5 =	vgt.f32 v39, v41;
	v20 =	vsel vm8, v55, v49;
	(v2sf) =	vpush v19, $0xF;
	v19, _, _ =	vpop (xrf0);
	(xrf0) =	vmax.scan.msk.f32 $0xffff, v17  }
0x249: {  	vm11 =	vgt.f32 v45, v38;
	v55 =	vsel vm5, v39, v41;
	(v2sf) =	vpush v19, $0xF;
	v19, _, _ =	vpop (xrf0);
	(xrf0) =	vmax.scan.msk.f32 $0xffff, v20  }
0x24a: {  	v56 =	vsel vm11, v45, v38;
	vm12 =	vgt.f32 v42, v43;
	(v2sf) =	vpush v19, $0xF;
	v19, _, _ =	vpop (xrf0);
	(xrf0) =	vmax.scan.msk.f32 $0xffff, v55  }
0x24b: {  	vm13 =	vgt.f32 v47, v37;
	v57 =	vsel vm12, v42, v43;
	(v2sf) =	vpush v19, $0xF;
	v19, _, _ =	vpop (xrf0);
	(xrf0) =	vmax.scan.msk.f32 $0xffff, v56  }
0x24c: {  	vm14 =	vgt.f32 v50, v36;
	v58 =	vsel vm13, v47, v37;
	(v2sf) =	vpush v19, $0xF;
	v19, _, _ =	vpop (xrf0);
	(xrf0) =	vmax.scan.msk.f32 $0xffff, v57  }
0x24d: {  	v59 =	vsel vm14, v50, v36;
	(v2sf) =	vpush v19, $0xF;
	v19, _, _ =	vpop (xrf0);
	(xrf0) =	vmax.scan.msk.f32 $0xffff, v58  }
0x24e: {  	(v2sf) =	vpush v19, $0xF;
	v19, _, _ =	vpop (xrf0);
	(xrf0) =	vmax.scan.msk.f32 $0xffff, v59  }
0x24f: {  	v60, _, _ =	vpop (xrf0);
	(v2sf) =	vpush v19, $0xF  }
0x250: {  	v19, _, _ =	vpop (xrf0);
	(v2sf) =	vpush v60, $0xF  }
0x251: {  	(v2sf) =	vpush v19, $0xF;
	v19, _, _ =	vpop (xrf0)  }
0x252: {  	(v2sf) =	vpush v19, $0xF;
	v19, _, _ =	vpop (xrf0)  }
0x253: {  	(v2sf) =	vpush v19, $0xF;
	v19, _, _ =	vpop (xrf0)  }
0x254: {  	(v2sf) =	vpush v19, $0xF;
	v19, _, _ =	vpop (xrf0)  }
0x255: {  	s26 =	spop (v2sf);
	(v2sf) =	vpush v19, $0xF  }
0x256: {  	s30 =	spop (v2sf)  }
0x257: {  	s29 =	spop (v2sf)  }
0x258: {  	s28 =	spop (v2sf)  }
0x259: {  	s25 =	spop (v2sf)  }
0x25a: {  	s24 =	spop (v2sf)  }
0x25b: {  	s23 =	spop (v2sf)  }
0x25c: {  	s22 =	spop (v2sf)  }
0x25d: {  	s0 =	spop (v2sf)  }
0x25e: {  	s18 =	spop (v2sf)  }
0x25f: {  	s0 =	smax.f32 s0, s18;
	s18 =	spop (v2sf)  }
0x260: {  	s0 =	smax.f32 s0, s18;
	s18 =	spop (v2sf)  }
0x261: {  	s0 =	smax.f32 s0, s18;
	s18 =	spop (v2sf)  }
0x262: {  	s0 =	smax.f32 s0, s18;
	s18 =	spop (v2sf)  }
0x263: {  	s0 =	smax.f32 s0, s18;
	s18 =	spop (v2sf)  }
0x264: {  	v19 =	vsel vm6, s1, v28;
	s0 =	smax.f32 s0, s18;
	s18 =	spop (v2sf)  }
0x265: {  	v61 =	vsel vm7, s1, v33;
	v62 =	vsel vm8, s1, v34;
	v19 =	vshll.u32 v19, $0x7;
	s0 =	smax.f32 s0, s18  }
0x266: {  	vm15 =	veq.f32 v18, s0;
	v18 =	vxor.u32 v1, v19;
	v19 =	vshll.u32 v61, $0x7  }
0x267: {  	vm9 =	veq.f32 v17, s0;
	v18 =	vnsel vm15, $0x80008000, v18;
	v17 =	vxor.u32 v2, v19  }
0x268: {  	(xrf0) =	vmin.scan.msk.u32 $0xffff, v18;
	v17 =	vnsel vm9, $0x80008000, v17;
	v18 =	vshll.u32 v62, $0x7  }
0x269: {  	vm10 =	veq.f32 v20, s0;
	v19 =	vsel vm5, s1, v32;
	(xrf0) =	vmin.scan.msk.u32 $0xffff, v17;
	v17 =	vxor.u32 v3, v18  }
0x26a: {  	v18 =	vshll.u32 v19, $0x7;
	v19 =	vsel vm11, s1, v31;
	v17 =	vnsel vm10, $0x80008000, v17  }
0x26b: {  	vm11 =	veq.f32 v55, s0;
	v19 =	vshll.u32 v19, $0x7;
	(xrf0) =	vmin.scan.msk.u32 $0xffff, v17;
	v17 =	vxor.u32 v4, v18  }
0x26c: {  	v63 =	vsel vm13, s1, v29;
	v17 =	vnsel vm11, $0x80008000, v17  }
0x26d: {  	v20 =	vsel vm12, s1, v30;
	vm12 =	veq.f32 v56, s0;
	(xrf0) =	vmin.scan.msk.u32 $0xffff, v17;
	v17 =	vxor.u32 v5, v19  }
0x26e: {  	vm13 =	veq.f32 v57, s0;
	v20 =	vshll.u32 v20, $0x7;
	v19, _, _ =	vpop (xrf0);
	v17 =	vnsel vm12, $0x80008000, v17  }
0x26f: {  	v18 =	vsel vm0, s31, v27;
	(v2sf) =	vpush v19, $0xF;
	v19, _, _ =	vpop (xrf0);
	(xrf0) =	vmin.scan.msk.u32 $0xffff, v17;
	v17 =	vxor.u32 v6, v20  }
0x270: {  	(v2sf) =	vpush v19, $0xF;
	v17 =	vnsel vm13, $0x80008000, v17;
	v19 =	vshll.u32 v63, $0x7  }
0x271: {  	v18 =	vsel vm14, s1, v18;
	vm14 =	veq.f32 v58, s0;
	v20, _, _ =	vpop (xrf0);
	(xrf0) =	vmin.scan.msk.u32 $0xffff, v17;
	v17 =	vxor.u32 v7, v19  }
0x272: {  	v18 =	vshll.u32 v18, $0x7;
	(v2sf) =	vpush v20, $0xF;
	v17 =	vnsel vm14, $0x80008000, v17  }
0x273: {  	vm15 =	veq.f32 v59, s0;
	v19, _, _ =	vpop (xrf0);
	(xrf0) =	vmin.scan.msk.u32 $0xffff, v17;
	v17 =	vxor.u32 v8, v18  }
0x274: {  	(v2sf) =	vpush v19, $0xF;
	v17 =	vnsel vm15, $0x80008000, v17  }
0x275: {  	v18, _, _ =	vpop (xrf0);
	(xrf0) =	vmin.scan.msk.u32 $0xffff, v17  }
0x276: {  	(v2sf) =	vpush v18, $0xF  }
0x277: {  	v17, _, _ =	vpop (xrf0)  }
0x278: {  	(v2sf) =	vpush v17, $0xF  }
0x279: {  	v17, _, _ =	vpop (xrf0)  }
0x27a: {  	(v2sf) =	vpush v17, $0xF  }
0x27b: {  	v17, _, _ =	vpop (xrf0)  }
0x27c: {  	(v2sf) =	vpush v17, $0xF;
	_ =	sdelay $0x1  }
0x27d: {  	s1 =	spop (v2sf)  }
0x27e: {  	s18 =	spop (v2sf)  }
0x27f: {  	s0 =	sxor.u32 $0x80000000, s1;
	s1 =	sxor.u32 $0x80000000, s18  }
0x280: {  	s18 =	spop (v2sf);
	p0 =	slt.s32 s0, s1  }
0x281: {  	s1 =	smov.u32 @p0 s0;
	s0 =	sxor.u32 $0x80000000, s18  }
0x282: {  	s18 =	spop (v2sf);
	p0 =	slt.s32 s1, s0  }
0x283: {  	s0 =	smov.u32 @p0 s1;
	s1 =	sxor.u32 $0x80000000, s18  }
0x284: {  	s18 =	spop (v2sf);
	p0 =	slt.s32 s0, s1  }
0x285: {  	s1 =	smov.u32 @p0 s0;
	s0 =	sxor.u32 $0x80000000, s18  }
0x286: {  	s18 =	spop (v2sf);
	p0 =	slt.s32 s1, s0  }
0x287: {  	s0 =	smov.u32 @p0 s1;
	s1 =	sxor.u32 $0x80000000, s18  }
0x288: {  	s18 =	spop (v2sf);
	p0 =	slt.s32 s0, s1  }
0x289: {  	s1 =	smov.u32 @p0 s0;
	s0 =	sxor.u32 $0x80000000, s18  }
0x28a: {  	p0 =	slt.s32 s1, s0;
	s18 =	spop (v2sf)  }
0x28b: {  	s0 =	smov.u32 @p0 s1;
	s1 =	sxor.u32 $0x80000000, s18  }
0x28c: {  	p0 =	slt.s32 s0, s1  }
0x28d: {  	s1 =	smov.u32 @p0 s0  }
0x28e: {  	p0 =	slt.s32 s1, $0x8000;
	s0 =	smov.u32 s1  }
0x28f: {  	s0 =	simm.s32 @!p0 $0x8000  }
0x290: {  	s18 =	sand.u32 $0x7F, s0  }
0x291: {  	p6 =	slt.s32 s1, $0x1;
	s1 =	sshra.s32 s0, $0x1F;
	p1 =	sne.s32 s18, $0x0  }
0x292: {  	v17 =	vmov s0;
	s1 =	sshrl.u32 s1, $0x19;
	p0 =	por !p6, !p1  }
0x293: {  	s0 =	sadd.s32 s1, s0;
	s1 =	simm.s32 $0x1;
	p0 =	por !p0, !p0  }
0x294: {  	_ =	swait.ge [sflag:s17], $0x8000;
	s0 =	sshra.s32 s0, $0x7;
	s1 =	simm.s32 @!p0 $0x0  }
0x295: {  	[sflag:s17] =	ssyncset.done $0x0;
	s31 =	ssub.s32 s0, s1  }
0x296: {  	[sflag:s17] =	ssyncadd.s32 $0xFFFF8000;
	p0 =	sgt.s32 s31, $0x0  }
.Ltmp23:
0x297: {  	v18 =	vld.idx.msk [tilespmem:v17+s14+$0x0], $0xffff;
	(pc) =	sbr.rel @!p0 .LBB2_38-.Ltmp23, $2  }
0x298: {  	_ =	sdelay $0x2  }
0x299: {  	v19 =	vimm.s32 $0x0;
	s1 =	simm.s32 $0x10040  }
0x29a: {  	p1 =	seq.s32 s31, $0x1  }
.Ltmp24:
0x29b: {  	_ = 	snop;
	(pc) =	sbr.rel @p1 .LBB2_43-.Ltmp24, $2  }
0x29c: {  	_ =	sdelay $0x2  }
0x29d: {  	v22 =	vld [tilespmem:s1+$0x30];
	s0 =	sadd.s32 $0xFFFFFFFF, s31;
	p0 =	por $0x0, $0x0  }
0x29e: {  	v20 =	vld [tilespmem:s1+$0xFFFFFFD0]  }
0x29f: {  	v21 =	vld [tilespmem:s1+$0xFFFFFFE0];
	_ =	sdelay $0x1  }
0x2a0: {  	v23 =	vld [tilespmem:s1+$0xFFFFFFF0];
	p1 =	seq.s32 s0, $0x1  }
.Ltmp25:
0x2a1: {  	v29 =	vld [tilespmem:s1+$0x0];
	v27 =	vimm.s32 $0x0;
	v25 =	vimm.s32 $0x0;
	v28 =	vimm.s32 $0x0;
	(pc) =	sbr.rel @p1 .LBB2_45-.Ltmp25, $4  }
0x2a2: {  	v26 =	vld [tilespmem:s1+$0x10];
	v24 =	vimm.s32 $0x0;
	v31 =	vimm.s32 $0x0;
	vm0 =	vge.f32 v22, v18  }
0x2a3: {  	v30 =	vld [tilespmem:s1+$0x20];
	vm1 =	vge.f32 v20, v18;
	v20 =	vsel vm0, $0x1, v9;
	vm0 =	vge.f32 v21, v18  }
0x2a4: {  	v32 =	vld [tilespmem:s1+$0xFFFFFFC0];
	s1 =	sadd.s32 $0x80, s1;
	v22 =	vsel vm1, $0x1, v9;
	v20 =	vadd.s32 v20, v19;
	v33 =	vsel vm0, $0x1, v9  }
0x2a5: {  	s0 =	sadd.s32 $0xFFFFFFFF, s0;
	p0 =	por $0x1, $0x1;
	vm0 =	vge.f32 v23, v18;
	v23 =	vimm.s32 $0x0;
	v21 =	vadd.s32 v22, v19;
	v22 =	vld [tilespmem:s1+$0x30]  }
.LBB2_46:
0x2a6: {  	p1 =	seq.s32 s0, $0x1;
	v34 =	vld [tilespmem:s1+$0xFFFFFFD0];
	v27 =	vadd.s32 v33, v27;
	v33 =	vsel vm0, $0x1, v9;
	vm0 =	vge.f32 v29, v18  }
0x2a7: {  	v35 =	vld [tilespmem:s1+$0xFFFFFFE0];
	v25 =	vadd.s32 v33, v25;
	v29 =	vsel vm0, $0x1, v9;
	vm0 =	vge.f32 v26, v18  }
0x2a8: {  	v36 =	vld [tilespmem:s1+$0xFFFFFFF0];
	v23 =	vadd.s32 v29, v23;
	v26 =	vsel vm0, $0x1, v9;
	vm0 =	vge.f32 v30, v18  }
.Ltmp26:
0x2a9: {  	v29 =	vld [tilespmem:s1+$0x0];
	vm1 =	vge.f32 v32, v18;
	v28 =	vadd.s32 v26, v28;
	v30 =	vsel vm0, $0x1, v9;
	(pc) =	sbr.rel @!p1 .LBB2_46-.Ltmp26, $4  }
0x2aa: {  	v26 =	vld [tilespmem:s1+$0x10];
	vm0 =	vge.f32 v22, v18;
	v22 =	vsel vm1, $0x1, v9;
	v24 =	vadd.s32 v30, v24  }
0x2ab: {  	vm1 =	vge.f32 v34, v18;
	v30 =	vld [tilespmem:s1+$0x20];
	v33 =	vsel vm0, $0x1, v9;
	v31 =	vadd.s32 v22, v31  }
0x2ac: {  	v32 =	vld [tilespmem:s1+$0xFFFFFFC0];
	v34 =	vsel vm1, $0x1, v9;
	vm0 =	vge.f32 v35, v18;
	v20 =	vadd.s32 v33, v20;
	s1 =	sadd.s32 $0x80, s1  }
0x2ad: {  	s0 =	sadd.s32 $0xFFFFFFFF, s0;
	v22 =	vld [tilespmem:s1+$0x30];
	v21 =	vadd.s32 v34, v21;
	v33 =	vsel vm0, $0x1, v9;
	vm0 =	vge.f32 v36, v18  }
.LBB2_47:
0x2ae: {  	v34 =	vld [tilespmem:s1+$0xFFFFFFD0]  }
0x2af: {  	v57 =	vld [tilespmem:s1+$0xFFFFFFE0]  }
0x2b0: {  	v27 =	vadd.s32 @p0 v33, v27;
	v33 =	vsel @p0 vm0, $0x1, v9;
	vm0 =	vge.f32 @p0 v29, v18;
	v58 =	vld [tilespmem:s1+$0x0]  }
0x2b1: {  	v59 =	vld [tilespmem:s1+$0x10];
	v33 =	vadd.s32 @p0 v33, v25;
	v25 =	vsel @p0 vm0, $0x1, v9;
	vm0 =	vge.f32 @p0 v26, v18  }
0x2b2: {  	v60 =	vld [tilespmem:s1+$0x20];
	v23 =	vadd.s32 @p0 v25, v23;
	v25 =	vsel @p0 vm0, $0x1, v9;
	vm0 =	vge.f32 @p0 v30, v18  }
0x2b3: {  	v61 =	vld [tilespmem:s1+$0xFFFFFFC0];
	vm1 =	vge.f32 @p0 v32, v18;
	v28 =	vadd.s32 @p0 v25, v28;
	v25 =	vsel @p0 vm0, $0x1, v9  }
0x2b4: {  	v26 =	vld [tilespmem:s1+$0xFFFFFFF0];
	v62 =	vpsel p0, v23, v19;
	vm8 =	vge.f32 v22, v18;
	v22 =	vsel @p0 vm1, $0x1, v9  }
0x2b5: {  	v24 =	vadd.s32 @p0 v25, v24;
	v28 =	vpsel p0, v28, v19;
	vm9 =	vge.f32 v34, v18  }
0x2b6: {  	v25 =	vsel vm8, $0x1, v9;
	v22 =	vadd.s32 @p0 v22, v31;
	vm10 =	vge.f32 v57, v18  }
0x2b7: {  	v63 =	vpsel p0, v24, v19;
	vm12 =	vge.f32 v58, v18;
	vm13 =	vge.f32 v59, v18  }
0x2b8: {  	vm14 =	vge.f32 v60, v18;
	vm15 =	vge.f32 v61, v18;
	v34 =	vsel vm9, $0x1, v9  }
0x2b9: {  	v20 =	vadd.s32 v25, v20;
	vm11 =	vge.f32 v26, v18;
	v26 =	vpsel p0, v27, v19  }
0x2ba: {  	v27 =	vpsel p0, v33, v19;
	v25 =	vadd.s32 v34, v21;
	v21 =	vsel vm10, $0x1, v9  }
0x2bb: {  	v35 =	vpsel p0, v22, v19;
	v19 =	vsel vm11, $0x1, v9;
	v24 =	vadd.s32 v21, v26  }
0x2bc: {  	v23 =	vadd.s32 v19, v27;
	v19 =	vsel vm12, $0x1, v9;
	v21 =	vsel vm13, $0x1, v9  }
0x2bd: {  	v26 =	vsel vm15, $0x1, v9;
	v22 =	vadd.s32 v19, v62;
	v19 =	vsel vm14, $0x1, v9  }
0x2be: {  	v21 =	vadd.s32 v21, v28;
	v26 =	vadd.s32 v26, v35;
	v19 =	vadd.s32 v19, v63  }
0x2bf: {  	p0 =	sgt.u32 s31, $0xFE  }
.Ltmp27:
0x2c0: {  	_ = 	snop;
	(pc) =	sbr.rel @p0 .LBB2_52-.Ltmp27, $4  }
.Ltmp28:
0x2c1: {  	_ = 	snop;
	(pc) =	sbr.rel @!p0 .LBB2_40-.Ltmp28, $4  }
0x2c2: {  	_ = 	snop  }
0x2c3: {  	_ = 	snop  }
0x2c4: {  	_ = 	snop  }
0x2c5: {  	_ = 	snop  }
.LBB2_38:
0x2c6: {  	v20 =	vimm.s32 $0x0  }
0x2c7: {  	v21 =	vimm.s32 $0x0;
	v22 =	vimm.s32 $0x0;
	v23 =	vimm.s32 $0x0  }
0x2c8: {  	v24 =	vimm.s32 $0x0;
	v25 =	vimm.s32 $0x0;
	v26 =	vimm.s32 $0x0  }
.LBB2_40:
0x2c9: {  	s18 =	ssub.s32 $0xFF, s31  }
0x2ca: {  	s0 =	sshll.u32 s31, $0x9;
	p1 =	sne.s32 s18, $0x1  }
.Ltmp29:
0x2cb: {  	s1 =	sshra.s32 s0, $0x2;
	(pc) =	sbr.rel @!p1 .LBB2_41-.Ltmp29, $3  }
0x2cc: {  	s1 =	sadd.s32 $0x100F0, s1  }
0x2cd: {  	v27 =	vld [tilespmem:s1+$0x0];
	_ =	sdelay $0x1  }
0x2ce: {  	p0 =	por $0x0, $0x0;
	s0 =	sadd.s32 $0xFFFFFFFF, s18  }
0x2cf: {  	v31 =	vld [tilespmem:s1+$0xFFFFFFA0]  }
0x2d0: {  	v32 =	vld [tilespmem:s1+$0xFFFFFFB0]  }
0x2d1: {  	v33 =	vld [tilespmem:s1+$0xFFFFFFC0]  }
0x2d2: {  	v29 =	vld [tilespmem:s1+$0xFFFFFFD0]  }
0x2d3: {  	v28 =	vld [tilespmem:s1+$0xFFFFFFE0];
	p1 =	sne.s32 s0, $0x1  }
.Ltmp30:
0x2d4: {  	v30 =	vld [tilespmem:s1+$0xFFFFFFF0];
	vm0 =	vgt.f32 v27, v18;
	vm1 =	vgt.f32 v31, v18;
	(pc) =	sbr.rel @!p1 .LBB2_49-.Ltmp30, $4  }
0x2d5: {  	v27 =	vsel vm0, $0x1, v9;
	v31 =	vld [tilespmem:s1+$0xFFFFFF90];
	s1 =	sadd.s32 $0x80, s1;
	v34 =	vsel vm1, $0x1, v9  }
0x2d6: {  	v20 =	vadd.s32 v27, v20;
	v27 =	vld [tilespmem:s1+$0x0]  }
0x2d7: {  	v35 =	vmovc v23;
	v36 =	vmovc v22;
	v37 =	vmov v21;
	vm0 =	vgt.f32 v32, v18;
	v32 =	vmov v24  }
0x2d8: {  	s0 =	sadd.s32 $0xFFFFFFFF, s0;
	p0 =	por $0x1, $0x1;
	v38 =	vsel vm0, $0x1, v9;
	vm0 =	vgt.f32 v33, v18;
	v33 =	vmovc v26;
	v25 =	vadd.s32 v34, v25;
	v34 =	vmovc v19  }
.LBB2_50:
0x2d9: {  	p1 =	sne.s32 s0, $0x1;
	v39 =	vld [tilespmem:s1+$0xFFFFFFA0];
	v32 =	vadd.s32 v38, v32;
	v38 =	vsel vm0, $0x1, v9;
	vm0 =	vgt.f32 v29, v18  }
0x2da: {  	v40 =	vld [tilespmem:s1+$0xFFFFFFB0];
	v35 =	vadd.s32 v38, v35;
	v29 =	vsel vm0, $0x1, v9;
	vm0 =	vgt.f32 v28, v18  }
0x2db: {  	v41 =	vld [tilespmem:s1+$0xFFFFFFC0];
	v36 =	vadd.s32 v29, v36;
	v28 =	vsel vm0, $0x1, v9;
	vm0 =	vgt.f32 v30, v18  }
.Ltmp31:
0x2dc: {  	vm1 =	vgt.f32 v31, v18;
	v29 =	vld [tilespmem:s1+$0xFFFFFFD0];
	v37 =	vadd.s32 v28, v37;
	v30 =	vsel vm0, $0x1, v9;
	(pc) =	sbr.rel @p1 .LBB2_50-.Ltmp31, $4  }
0x2dd: {  	vm0 =	vgt.f32 v27, v18;
	v27 =	vsel vm1, $0x1, v9;
	v28 =	vld [tilespmem:s1+$0xFFFFFFE0];
	v34 =	vadd.s32 v30, v34  }
0x2de: {  	v38 =	vsel vm0, $0x1, v9;
	v33 =	vadd.s32 v27, v33;
	vm1 =	vgt.f32 v39, v18;
	v30 =	vld [tilespmem:s1+$0xFFFFFFF0]  }
0x2df: {  	v20 =	vadd.s32 v38, v20;
	v31 =	vld [tilespmem:s1+$0xFFFFFF90];
	v39 =	vsel vm1, $0x1, v9;
	vm0 =	vgt.f32 v40, v18;
	s1 =	sadd.s32 $0x80, s1  }
0x2e0: {  	s0 =	sadd.s32 $0xFFFFFFFF, s0;
	v27 =	vld [tilespmem:s1+$0x0];
	v25 =	vadd.s32 v39, v25;
	v38 =	vsel vm0, $0x1, v9;
	vm0 =	vgt.f32 v41, v18  }
.Ltmp32:
0x2e1: {  	_ = 	snop;
	(pc) =	sbr.rel .LBB2_51-.Ltmp32, $1  }
0x2e2: {  	_ =	sdelay $0x3  }
.LBB2_7:
.Ltmp33:
0x2e3: {  	(pc) =	sbr.rel .LBB2_17-.Ltmp33, $3  }
0x2e4: {  	_ =	sdelay $0x1  }
0x2e5: {  	v25 =	vmov v14  }
0x2e6: {  	v28 =	vmovc v12;
	v29 =	vmovc v22;
	v30 =	vmov v21;
	v27 =	vmov v19;
	v26 =	vmov v13  }
.LBB2_24:
.Ltmp34:
0x2e7: {  	(pc) =	sbr.rel .LBB2_34-.Ltmp34, $3  }
0x2e8: {  	_ =	sdelay $0x1  }
0x2e9: {  	v32 =	vmov v25  }
0x2ea: {  	v35 =	vmovc v22;
	v36 =	vmovc v23;
	v37 =	vmov v21;
	v34 =	vmov v19;
	v33 =	vmov v26  }
.LBB2_15:
.Ltmp35:
0x2eb: {  	(pc) =	sbr.rel .LBB2_17-.Ltmp35, $3  }
0x2ec: {  	_ =	sdelay $0x1  }
0x2ed: {  	v25 =	vmov v14  }
0x2ee: {  	v28 =	vmovc v12;
	v29 =	vmovc v22;
	v30 =	vmov v21;
	v27 =	vmov v19;
	v26 =	vmov v13  }
.LBB2_32:
.Ltmp36:
0x2ef: {  	(pc) =	sbr.rel .LBB2_34-.Ltmp36, $3  }
0x2f0: {  	_ =	sdelay $0x1  }
0x2f1: {  	v32 =	vmov v25  }
0x2f2: {  	v35 =	vmovc v22;
	v36 =	vmovc v23;
	v37 =	vmov v21;
	v34 =	vmov v19;
	v33 =	vmov v26  }
.LBB2_49:
.Ltmp37:
0x2f3: {  	(pc) =	sbr.rel .LBB2_51-.Ltmp37, $3  }
0x2f4: {  	_ =	sdelay $0x1  }
0x2f5: {  	v32 =	vmov v24  }
0x2f6: {  	v35 =	vmovc v23;
	v36 =	vmovc v22;
	v37 =	vmov v21;
	v34 =	vmov v19;
	v33 =	vmov v26  }
.LBB2_9:
.Ltmp38:
0x2f7: {  	(pc) =	sbr.rel .LBB2_13-.Ltmp38, $4  }
0x2f8: {  	_ = 	snop  }
0x2f9: {  	v20 =	vimm.s32 $0x0;
	v15 =	vimm.s32 $0x0  }
0x2fa: {  	v13 =	vimm.s32 $0x0;
	v21 =	vimm.s32 $0x0;
	v14 =	vimm.s32 $0x0  }
0x2fb: {  	v24 =	vimm.s32 $0x0;
	v10 =	vimm.s32 $0x0;
	v11 =	vimm.s32 $0x0  }
.LBB2_26:
.Ltmp39:
0x2fc: {  	(pc) =	sbr.rel .LBB2_30-.Ltmp39, $4  }
0x2fd: {  	_ = 	snop  }
0x2fe: {  	v27 =	vimm.s32 $0x0;
	v25 =	vimm.s32 $0x0  }
0x2ff: {  	v23 =	vimm.s32 $0x0;
	v28 =	vimm.s32 $0x0;
	v24 =	vimm.s32 $0x0  }
0x300: {  	v31 =	vimm.s32 $0x0;
	v20 =	vimm.s32 $0x0;
	v21 =	vimm.s32 $0x0  }
.LBB2_43:
.Ltmp40:
0x301: {  	(pc) =	sbr.rel .LBB2_47-.Ltmp40, $4  }
0x302: {  	_ = 	snop  }
0x303: {  	v27 =	vimm.s32 $0x0;
	v25 =	vimm.s32 $0x0  }
0x304: {  	v23 =	vimm.s32 $0x0;
	v28 =	vimm.s32 $0x0;
	v24 =	vimm.s32 $0x0  }
0x305: {  	v31 =	vimm.s32 $0x0;
	v20 =	vimm.s32 $0x0;
	v21 =	vimm.s32 $0x0  }
.LBB2_11:
.Ltmp41:
0x306: {  	(pc) =	sbr.rel .LBB2_13-.Ltmp41, $3  }
0x307: {  	_ =	sdelay $0x1  }
0x308: {  	v20 =	vimm.s32 $0x0;
	v15 =	vimm.s32 $0x0;
	v13 =	vimm.s32 $0x0  }
0x309: {  	v21 =	vimm.s32 $0x0;
	v14 =	vimm.s32 $0x0;
	v24 =	vimm.s32 $0x0  }
.LBB2_28:
.Ltmp42:
0x30a: {  	(pc) =	sbr.rel .LBB2_30-.Ltmp42, $3  }
0x30b: {  	_ =	sdelay $0x1  }
0x30c: {  	v27 =	vimm.s32 $0x0;
	v25 =	vimm.s32 $0x0;
	v23 =	vimm.s32 $0x0  }
0x30d: {  	v28 =	vimm.s32 $0x0;
	v24 =	vimm.s32 $0x0;
	v31 =	vimm.s32 $0x0  }
.LBB2_45:
.Ltmp43:
0x30e: {  	(pc) =	sbr.rel .LBB2_47-.Ltmp43, $3  }
0x30f: {  	_ =	sdelay $0x1  }
0x310: {  	v27 =	vimm.s32 $0x0;
	v25 =	vimm.s32 $0x0;
	v23 =	vimm.s32 $0x0  }
0x311: {  	v28 =	vimm.s32 $0x0;
	v24 =	vimm.s32 $0x0;
	v31 =	vimm.s32 $0x0  }
.LBB2_53:
0x312: {  	_ =	sfence.sel $0x180000  }
0x313: {  	[bflag:$0x0] =	sbarrier.arrive $0xFFFF  }
0x314: {  	_ =	strace $0x90000047  }
0x315: {  	s0 =	stileid.u32;
	[bflag:$0x2] =	sbarrier.arrive $0xFFFF  }
0x316: {  	p0 =	sne.s32 s0, $0x0;
	s0 =	rddreg [dreg:$0x3]  }
0x317: {  	s0 =	sadd.s32 @!p0 $0x100000, s0  }
0x318: {  	[sflag:s0] =	ssyncadd.tile.s32 @!p0 $0x1;
	_ =	shalt  }
.Lfunc_end2:
_tile_overlayer_lowered:
.L_overlay_start_2:
0x319: {  	(tag) =	ssettag $0x2  }
0x31a: {  	s0 =	rddreg [dreg:$0x0];
	s2 =	stileid.u32  }
0x31b: {  	s1 =	rddreg [dreg:$0x1];
	p0 =	sne.s32 s2, $0x0  }
0x31c: {  	s3 =	rddreg [dreg:$0x2];
	[bflag:$0x3] =	sbarrier.arrive $0xFFFF;
	s2 =	simm.s32 @!p0 $0x1C04  }
0x31d: {  	[timem:s3], [sflag:s2] =	dma.local @!p0 [hbm:s0], s1  }
0x31e: {  	s0 =	simm.s32 @!p0 $0x4  }
0x31f: {  	_ =	swait.ge @!p0 [sflag:s0], s1  }
0x320: {  	s1 =	ssub.s32 @!p0 $0x0, s1;
	[sflag:s0] =	ssyncset.done @!p0 $0x0  }
0x321: {  	[sflag:s0] =	ssyncadd.s32 @!p0 s1  }
0x322: {  	[bflag:$0x3] =	sbarrier.arrive $0xFFFF  }
0x323: {  	_ =	shalt  }

</sc_bundles>
